<compile_context>
chip_gen: v7x
topology: tpu7x:2x2x1
jax: 0.10.2.dev20260603
libtpu: 0.0.44.dev20260713+nightly
codegen_flags: <defaults>
</compile_context>

<pallas_src>
import functools

import jax
import jax.numpy as jnp
from jax import lax
from jax.experimental import pallas as pl
from jax.experimental.pallas import tpu as pltpu
from jax.experimental.pallas import tpu_sc as plsc

VOCAB = 100000
HIDDEN = 64
N_LANG = 100
BATCH = 4096
SEQ = 200

LANE = 16
NC, NS = 2, 16
NW = NC * NS
DP = 128
NK = DP // LANE
NKC = 7
UNROLL = 4

VBLK = 4000
RPW = BATCH // NW
HALF = SEQ // 2


def _scores_tc(embeddings, tw_row, w_t, b_pad):

    def body(emb_ref, tw_ref, wt_ref, b_ref, out_ref):
        y = jnp.dot(
            emb_ref[...], wt_ref[...], preferred_element_type=jnp.float32
        )
        scale = lax.dot_general(
            tw_ref[0],
            jnp.full((1, DP), 1.0, jnp.float32),
            (((0,), (0,)), ((), ())),
            preferred_element_type=jnp.float32,
        )
        out_ref[...] = y * scale + b_ref[...]

    return pl.pallas_call(
        body,
        grid=(VOCAB // VBLK,),
        in_specs=[
            pl.BlockSpec((VBLK, HIDDEN), lambda i: (i, 0)),
            pl.BlockSpec((1, 1, VBLK), lambda i: (i, 0, 0)),
            pl.BlockSpec((HIDDEN, DP), lambda i: (0, 0)),
            pl.BlockSpec((1, DP), lambda i: (0, 0)),
        ],
        out_specs=pl.BlockSpec((VBLK, DP), lambda i: (i, 0)),
        out_shape=jax.ShapeDtypeStruct((VOCAB, DP), jnp.float32),
    )(embeddings, tw_row, w_t, b_pad)


def _gather_max_sc(ids2, scores):
    mesh = plsc.VectorSubcoreMesh(core_axis_name="c", subcore_axis_name="s")

    @functools.partial(
        pl.kernel,
        out_type=jax.ShapeDtypeStruct((BATCH, 16 * NKC), jnp.float32),
        mesh=mesh,
        scratch_types=[
            pltpu.VMEM((2 * RPW, HALF), jnp.int32),
            pltpu.VMEM((HALF, DP), jnp.float32),
            pltpu.VMEM((HALF, DP), jnp.float32),
            pltpu.VMEM((HALF, DP), jnp.float32),
            pltpu.VMEM((HALF, DP), jnp.float32),
            pltpu.VMEM((HALF, DP), jnp.float32),
            pltpu.VMEM((HALF, DP), jnp.float32),
            pltpu.VMEM((RPW, 16 * NKC), jnp.float32),
            pltpu.SemaphoreType.DMA,
            pltpu.SemaphoreType.DMA,
            pltpu.SemaphoreType.DMA,
            pltpu.SemaphoreType.DMA,
            pltpu.SemaphoreType.DMA,
            pltpu.SemaphoreType.DMA,
        ],
    )
    def run(ids_hbm, table_hbm, out_hbm, ids_v, buf_a, buf_b, buf_c, buf_d,
            buf_e, buf_f, out_v, sem_a, sem_b, sem_c, sem_d, sem_e, sem_f):
        wid = lax.axis_index("s") * NC + lax.axis_index("c")
        pltpu.sync_copy(ids_hbm.at[pl.ds(wid * 2 * RPW, 2 * RPW)], ids_v)
        nunits = 2 * RPW

        def fire(u, buf, sem):
            pltpu.async_copy(
                table_hbm.at[ids_v.at[jnp.minimum(u, nunits - 1)]], buf, sem
            )

        def drain(buf, sem):
            pltpu.make_async_copy(table_hbm.at[ids_v.at[0]], buf, sem).wait()

        def reduce_unit(buf, acc):
            def step(jj, a):
                j0 = UNROLL * jj
                for u in range(UNROLL):
                    a = tuple(
                        jnp.maximum(
                            a[k], buf[j0 + u, pl.ds(k * LANE, LANE)]
                        )
                        for k in range(NKC)
                    )
                return a

            return lax.fori_loop(0, HALF // UNROLL, step, acc)

        def fresh():
            return tuple(
                jnp.full((LANE,), -jnp.inf, jnp.float32) for _ in range(NKC)
            )

        def store(r, acc):
            for k in range(NKC):
                out_v[r, pl.ds(k * LANE, LANE)] = acc[k]

        bufs = (buf_a, buf_b, buf_c, buf_d, buf_e, buf_f)
        sems = (sem_a, sem_b, sem_c, sem_d, sem_e, sem_f)
        for i in range(5):
            fire(i, bufs[i], sems[i])

        def hex_body(p, carry):
            u0 = 6 * p
            acc = fresh()
            for i in range(6):
                fire(u0 + i + 5, bufs[(i + 5) % 6], sems[(i + 5) % 6])
                drain(bufs[i], sems[i])
                acc = reduce_unit(bufs[i], acc)
                if i % 2 == 1:
                    store(3 * p + i // 2, acc)
                    acc = fresh()
            return carry

        lax.fori_loop(0, 42, hex_body, 0)
        acc = fresh()
        for i in range(4):
            drain(bufs[i], sems[i])
            acc = reduce_unit(bufs[i], acc)
            if i % 2 == 1:
                store(126 + i // 2, acc)
                acc = fresh()
        drain(bufs[4], sems[4])
        pltpu.sync_copy(out_v, out_hbm.at[pl.ds(wid * RPW, RPW)])

    return run(ids2, scores)


def kernel(token_ids, embeddings, token_weights, W, b):
    w_t = jnp.zeros((HIDDEN, DP), jnp.float32).at[:, :N_LANG].set(W.T)
    b_pad = jnp.zeros((1, DP), jnp.float32).at[0, :N_LANG].set(b)
    tw_row = token_weights.reshape(VOCAB // VBLK, 1, VBLK)
    scores = _scores_tc(embeddings, tw_row, w_t, b_pad)
    ids2 = token_ids.reshape(2 * BATCH, HALF)
    out = _gather_max_sc(ids2, scores)
    return out[:, :N_LANG]

# --- scband reference (transcript-rebuilt; emitter-appended) ---
"""Pipeline reference for scband-language-detection-model-25159918420248 (READ-ONLY COPY).

The authoritative reference and input builder live on the scoring server;
editing this copy changes nothing except your own understanding.
"""

import jax, jax.numpy as jnp
import numpy as np

VOCAB = 100000
HIDDEN = 64
N_LANG = 100
BATCH = 4096
SEQ = 200

def setup_inputs(seed: int = 0) -> dict:
    key = jax.random.key(seed)
    k1, k2, k3, k4 = jax.random.split(key, 4)
    token_ids = jax.random.randint(k1, (BATCH, SEQ), 0, VOCAB, dtype=jnp.int32)
    # static embedding buffer (vocab_size, hidden_dim)
    embeddings = jax.random.normal(k2, (VOCAB, HIDDEN), dtype=jnp.float32) * 0.02
    # learnable per-token weights, initialized to ones as in the torch module
    token_weights = jnp.ones((VOCAB, 1), dtype=jnp.float32)
    # projection layer params (n_languages, hidden_dim), (n_languages,)
    bound = 1.0 / np.sqrt(HIDDEN)
    W = jax.random.uniform(k3, (N_LANG, HIDDEN), dtype=jnp.float32, minval=-bound, maxval=bound)
    b = jax.random.uniform(k4, (N_LANG,), dtype=jnp.float32, minval=-bound, maxval=bound)
    return {"token_ids": token_ids, "embeddings": embeddings, "token_weights": token_weights, "W": W, "b": b}

def reference(token_ids, embeddings, token_weights, W, b):
    # gather static embeddings: (B, S, H)
    emb = jnp.take(embeddings, token_ids, axis=0)
    # gather learnable per-token weights: (B, S, 1)
    tw = jnp.take(token_weights, token_ids, axis=0)
    weighted = emb * tw
    # dropout is identity in eval / p=0.0
    # linear projection: (B, S, n_languages)
    x = jnp.einsum('bsd,ld->bsl', weighted, W) + b
    # max pooling over sequence dimension
    return jnp.max(x, axis=1)

if __name__ == "__main__":
    import jax
    _d = setup_inputs()
    print(jax.jit(kernel)(*tuple(_d.values())))

</pallas_src>

<mosaic_0001>
#map = affine_map<(d0, d1) -> (0, 0)>
module attributes {stable_mosaic.version = 14 : i64} {
  func.func @run(%arg0: i32, %arg1: i32, %arg2: memref<8192x100xi32, #tpu.memory_space<hbm>>, %arg3: memref<100000x128xf32, #tpu.memory_space<hbm>>, %arg4: memref<4096x112xf32, #tpu.memory_space<hbm>>, %arg5: memref<256x100xi32, #tpu.memory_space<vmem>>, %arg6: memref<100x128xf32, #tpu.memory_space<vmem>>, %arg7: memref<100x128xf32, #tpu.memory_space<vmem>>, %arg8: memref<100x128xf32, #tpu.memory_space<vmem>>, %arg9: memref<100x128xf32, #tpu.memory_space<vmem>>, %arg10: memref<100x128xf32, #tpu.memory_space<vmem>>, %arg11: memref<100x128xf32, #tpu.memory_space<vmem>>, %arg12: memref<128x112xf32, #tpu.memory_space<vmem>>, %arg13: memref<!tpu.dma_semaphore, #tpu.memory_space<semaphore_mem>>, %arg14: memref<!tpu.dma_semaphore, #tpu.memory_space<semaphore_mem>>, %arg15: memref<!tpu.dma_semaphore, #tpu.memory_space<semaphore_mem>>, %arg16: memref<!tpu.dma_semaphore, #tpu.memory_space<semaphore_mem>>, %arg17: memref<!tpu.dma_semaphore, #tpu.memory_space<semaphore_mem>>, %arg18: memref<!tpu.dma_semaphore, #tpu.memory_space<semaphore_mem>>) attributes {dimension_semantics = [#tpu.dimension_semantics<core_parallel>, #tpu.dimension_semantics<subcore_parallel>], iteration_bounds = array<i64: 2, 16>, scalar_prefetch = 0 : i64, scratch_operands = 14 : i64, tpu.core_type = #tpu.core_type<sc_vector_subcore>, window_params = [{transform_indices = #map}, {transform_indices = #map}, {transform_indices = #map}]} {
    %mul3A = arith.constant 2 : i32
    %mul3A_0 = arith.muli %arg1, %mul3A : i32
    %add3A = arith.addi %mul3A_0, %arg0 : i32
    %mul3A_1 = arith.constant 2 : i32
    %mul3A_2 = arith.muli %add3A, %mul3A_1 : i32
    %mul3A_3 = arith.constant 128 : i32
    %mul3A_4 = arith.muli %mul3A_2, %mul3A_3 : i32
    "tpu.region"() ({
      %run_scoped3A = tpu.sem_alloc : memref<!tpu.dma_semaphore, #tpu.memory_space<semaphore_mem>>
      %dma_start3A_237 = arith.constant 0 : i32
      %dma_start3A_238 = tpu.memref_slice %arg2[%mul3A_4, %dma_start3A_237] : memref<8192x100xi32, #tpu.memory_space<hbm>> -> memref<256x100xi32, #tpu.memory_space<hbm>>
      %dma_start3A_239 = arith.constant 0 : i32
      %dma_start3A_240 = tpu.memref_slice %arg2[%mul3A_4, %dma_start3A_239] : memref<8192x100xi32, #tpu.memory_space<hbm>> -> memref<256x100xi32, #tpu.memory_space<hbm>>
      tpu.enqueue_dma source(%dma_start3A_240 : memref<256x100xi32, #tpu.memory_space<hbm>>) target(%arg5 : memref<256x100xi32, #tpu.memory_space<vmem>>) target_semaphore(%run_scoped3A : memref<!tpu.dma_semaphore, #tpu.memory_space<semaphore_mem>>)
      %dma_wait3A_241 = arith.constant 0 : i32
      %dma_wait3A_242 = tpu.memref_slice %arg2[%mul3A_4, %dma_wait3A_241] : memref<8192x100xi32, #tpu.memory_space<hbm>> -> memref<256x100xi32, #tpu.memory_space<hbm>>
      %dma_wait3A_243 = arith.constant 0 : i32
      %dma_wait3A_244 = tpu.memref_slice %arg2[%mul3A_4, %dma_wait3A_243] : memref<8192x100xi32, #tpu.memory_space<hbm>> -> memref<256x100xi32, #tpu.memory_space<hbm>>
      tpu.wait_dma2 semaphore(%run_scoped3A : memref<!tpu.dma_semaphore, #tpu.memory_space<semaphore_mem>>) src(%dma_wait3A_244 : memref<256x100xi32, #tpu.memory_space<hbm>>) dst(%arg5 : memref<256x100xi32, #tpu.memory_space<vmem>>)
      tpu.yield
    }) : () -> ()
    %min3A = arith.constant 0 : i32
    %min3A_5 = arith.constant 255 : i32
    %min3A_6 = arith.minsi %min3A, %min3A_5 : i32
    %dma_start3A = arith.constant 0 : i32
    %dma_start3A_7 = tpu.memref_slice %arg5[%min3A_6, %dma_start3A] : memref<256x100xi32, #tpu.memory_space<vmem>> -> memref<1x100xi32, #tpu.memory_space<vmem>>
    %dma_start3A_8 = tpu.memref_squeeze %dma_start3A_7 : memref<1x100xi32, #tpu.memory_space<vmem>> -> memref<100xi32, #tpu.memory_space<vmem>>
    %dma_start3A_9 = arith.constant 0 : i32
    %dma_start3A_10 = arith.constant 0 : i32
    %dma_start3A_11 = tpu.memref_slice %arg3[%dma_start3A_9, %dma_start3A_10] : memref<100000x128xf32, #tpu.memory_space<hbm>> -> memref<100000x128xf32, #tpu.memory_space<hbm>>
    tpu.enqueue_indirect_dma source(%dma_start3A_11 : memref<100000x128xf32, #tpu.memory_space<hbm>>) target(%arg6 : memref<100x128xf32, #tpu.memory_space<vmem>>) offsets(%dma_start3A_8 : memref<100xi32, #tpu.memory_space<vmem>>) semaphore(%arg13 : memref<!tpu.dma_semaphore, #tpu.memory_space<semaphore_mem>>)
    %min3A_12 = arith.constant 1 : i32
    %min3A_13 = arith.constant 255 : i32
    %min3A_14 = arith.minsi %min3A_12, %min3A_13 : i32
    %dma_start3A_15 = arith.constant 0 : i32
    %dma_start3A_16 = tpu.memref_slice %arg5[%min3A_14, %dma_start3A_15] : memref<256x100xi32, #tpu.memory_space<vmem>> -> memref<1x100xi32, #tpu.memory_space<vmem>>
    %dma_start3A_17 = tpu.memref_squeeze %dma_start3A_16 : memref<1x100xi32, #tpu.memory_space<vmem>> -> memref<100xi32, #tpu.memory_space<vmem>>
    %dma_start3A_18 = arith.constant 0 : i32
    %dma_start3A_19 = arith.constant 0 : i32
    %dma_start3A_20 = tpu.memref_slice %arg3[%dma_start3A_18, %dma_start3A_19] : memref<100000x128xf32, #tpu.memory_space<hbm>> -> memref<100000x128xf32, #tpu.memory_space<hbm>>
    tpu.enqueue_indirect_dma source(%dma_start3A_20 : memref<100000x128xf32, #tpu.memory_space<hbm>>) target(%arg7 : memref<100x128xf32, #tpu.memory_space<vmem>>) offsets(%dma_start3A_17 : memref<100xi32, #tpu.memory_space<vmem>>) semaphore(%arg14 : memref<!tpu.dma_semaphore, #tpu.memory_space<semaphore_mem>>)
    %min3A_21 = arith.constant 2 : i32
    %min3A_22 = arith.constant 255 : i32
    %min3A_23 = arith.minsi %min3A_21, %min3A_22 : i32
    %dma_start3A_24 = arith.constant 0 : i32
    %dma_start3A_25 = tpu.memref_slice %arg5[%min3A_23, %dma_start3A_24] : memref<256x100xi32, #tpu.memory_space<vmem>> -> memref<1x100xi32, #tpu.memory_space<vmem>>
    %dma_start3A_26 = tpu.memref_squeeze %dma_start3A_25 : memref<1x100xi32, #tpu.memory_space<vmem>> -> memref<100xi32, #tpu.memory_space<vmem>>
    %dma_start3A_27 = arith.constant 0 : i32
    %dma_start3A_28 = arith.constant 0 : i32
    %dma_start3A_29 = tpu.memref_slice %arg3[%dma_start3A_27, %dma_start3A_28] : memref<100000x128xf32, #tpu.memory_space<hbm>> -> memref<100000x128xf32, #tpu.memory_space<hbm>>
    tpu.enqueue_indirect_dma source(%dma_start3A_29 : memref<100000x128xf32, #tpu.memory_space<hbm>>) target(%arg8 : memref<100x128xf32, #tpu.memory_space<vmem>>) offsets(%dma_start3A_26 : memref<100xi32, #tpu.memory_space<vmem>>) semaphore(%arg15 : memref<!tpu.dma_semaphore, #tpu.memory_space<semaphore_mem>>)
    %min3A_30 = arith.constant 3 : i32
    %min3A_31 = arith.constant 255 : i32
    %min3A_32 = arith.minsi %min3A_30, %min3A_31 : i32
    %dma_start3A_33 = arith.constant 0 : i32
    %dma_start3A_34 = tpu.memref_slice %arg5[%min3A_32, %dma_start3A_33] : memref<256x100xi32, #tpu.memory_space<vmem>> -> memref<1x100xi32, #tpu.memory_space<vmem>>
    %dma_start3A_35 = tpu.memref_squeeze %dma_start3A_34 : memref<1x100xi32, #tpu.memory_space<vmem>> -> memref<100xi32, #tpu.memory_space<vmem>>
    %dma_start3A_36 = arith.constant 0 : i32
    %dma_start3A_37 = arith.constant 0 : i32
    %dma_start3A_38 = tpu.memref_slice %arg3[%dma_start3A_36, %dma_start3A_37] : memref<100000x128xf32, #tpu.memory_space<hbm>> -> memref<100000x128xf32, #tpu.memory_space<hbm>>
    tpu.enqueue_indirect_dma source(%dma_start3A_38 : memref<100000x128xf32, #tpu.memory_space<hbm>>) target(%arg9 : memref<100x128xf32, #tpu.memory_space<vmem>>) offsets(%dma_start3A_35 : memref<100xi32, #tpu.memory_space<vmem>>) semaphore(%arg16 : memref<!tpu.dma_semaphore, #tpu.memory_space<semaphore_mem>>)
    %min3A_39 = arith.constant 4 : i32
    %min3A_40 = arith.constant 255 : i32
    %min3A_41 = arith.minsi %min3A_39, %min3A_40 : i32
    %dma_start3A_42 = arith.constant 0 : i32
    %dma_start3A_43 = tpu.memref_slice %arg5[%min3A_41, %dma_start3A_42] : memref<256x100xi32, #tpu.memory_space<vmem>> -> memref<1x100xi32, #tpu.memory_space<vmem>>
    %dma_start3A_44 = tpu.memref_squeeze %dma_start3A_43 : memref<1x100xi32, #tpu.memory_space<vmem>> -> memref<100xi32, #tpu.memory_space<vmem>>
    %dma_start3A_45 = arith.constant 0 : i32
    %dma_start3A_46 = arith.constant 0 : i32
    %dma_start3A_47 = tpu.memref_slice %arg3[%dma_start3A_45, %dma_start3A_46] : memref<100000x128xf32, #tpu.memory_space<hbm>> -> memref<100000x128xf32, #tpu.memory_space<hbm>>
    tpu.enqueue_indirect_dma source(%dma_start3A_47 : memref<100000x128xf32, #tpu.memory_space<hbm>>) target(%arg10 : memref<100x128xf32, #tpu.memory_space<vmem>>) offsets(%dma_start3A_44 : memref<100xi32, #tpu.memory_space<vmem>>) semaphore(%arg17 : memref<!tpu.dma_semaphore, #tpu.memory_space<semaphore_mem>>)
    %scan3A = arith.constant 0 : i32
    %scan3A_48 = arith.constant 0 : i32
    %scan3A_49 = arith.constant 42 : i32
    %scan3A_50 = arith.addi %scan3A_48, %scan3A_49 : i32
    %scan3A_51 = arith.constant 1 : i32
    scf.for %scan3A_237 = %scan3A_48 to %scan3A_50 step %scan3A_51  : i32 {
      %mul3A_238 = arith.constant 6 : i32
      %mul3A_239 = arith.muli %mul3A_238, %scan3A_237 : i32
      %broadcast_in_dim3A_240 = arith.constant 0xFF800000 : f32
      %broadcast_in_dim3A_241 = vector.broadcast %broadcast_in_dim3A_240 : f32 to vector<16xf32>
      %broadcast_in_dim3A_242 = arith.constant 0xFF800000 : f32
      %broadcast_in_dim3A_243 = vector.broadcast %broadcast_in_dim3A_242 : f32 to vector<16xf32>
      %broadcast_in_dim3A_244 = arith.constant 0xFF800000 : f32
      %broadcast_in_dim3A_245 = vector.broadcast %broadcast_in_dim3A_244 : f32 to vector<16xf32>
      %broadcast_in_dim3A_246 = arith.constant 0xFF800000 : f32
      %broadcast_in_dim3A_247 = vector.broadcast %broadcast_in_dim3A_246 : f32 to vector<16xf32>
      %broadcast_in_dim3A_248 = arith.constant 0xFF800000 : f32
      %broadcast_in_dim3A_249 = vector.broadcast %broadcast_in_dim3A_248 : f32 to vector<16xf32>
      %broadcast_in_dim3A_250 = arith.constant 0xFF800000 : f32
      %broadcast_in_dim3A_251 = vector.broadcast %broadcast_in_dim3A_250 : f32 to vector<16xf32>
      %broadcast_in_dim3A_252 = arith.constant 0xFF800000 : f32
      %broadcast_in_dim3A_253 = vector.broadcast %broadcast_in_dim3A_252 : f32 to vector<16xf32>
      %add3A_254 = arith.constant 0 : i32
      %add3A_255 = arith.addi %mul3A_239, %add3A_254 : i32
      %add3A_256 = arith.constant 5 : i32
      %add3A_257 = arith.addi %add3A_255, %add3A_256 : i32
      %min3A_258 = arith.constant 255 : i32
      %min3A_259 = arith.minsi %add3A_257, %min3A_258 : i32
      %dma_start3A_260 = arith.constant 0 : i32
      %dma_start3A_261 = tpu.memref_slice %arg5[%min3A_259, %dma_start3A_260] : memref<256x100xi32, #tpu.memory_space<vmem>> -> memref<1x100xi32, #tpu.memory_space<vmem>>
      %dma_start3A_262 = tpu.memref_squeeze %dma_start3A_261 : memref<1x100xi32, #tpu.memory_space<vmem>> -> memref<100xi32, #tpu.memory_space<vmem>>
      %dma_start3A_263 = arith.constant 0 : i32
      %dma_start3A_264 = arith.constant 0 : i32
      %dma_start3A_265 = tpu.memref_slice %arg3[%dma_start3A_263, %dma_start3A_264] : memref<100000x128xf32, #tpu.memory_space<hbm>> -> memref<100000x128xf32, #tpu.memory_space<hbm>>
      tpu.enqueue_indirect_dma source(%dma_start3A_265 : memref<100000x128xf32, #tpu.memory_space<hbm>>) target(%arg11 : memref<100x128xf32, #tpu.memory_space<vmem>>) offsets(%dma_start3A_262 : memref<100xi32, #tpu.memory_space<vmem>>) semaphore(%arg18 : memref<!tpu.dma_semaphore, #tpu.memory_space<semaphore_mem>>)
      %dma_wait3A_266 = arith.constant 0 : i32
      %dma_wait3A_267 = arith.constant 0 : i32
      %dma_wait3A_268 = tpu.memref_slice %arg5[%dma_wait3A_266, %dma_wait3A_267] : memref<256x100xi32, #tpu.memory_space<vmem>> -> memref<1x100xi32, #tpu.memory_space<vmem>>
      %dma_wait3A_269 = tpu.memref_squeeze %dma_wait3A_268 : memref<1x100xi32, #tpu.memory_space<vmem>> -> memref<100xi32, #tpu.memory_space<vmem>>
      %dma_wait3A_270 = arith.constant 0 : i32
      %dma_wait3A_271 = arith.constant 0 : i32
      %dma_wait3A_272 = tpu.memref_slice %arg3[%dma_wait3A_270, %dma_wait3A_271] : memref<100000x128xf32, #tpu.memory_space<hbm>> -> memref<100000x128xf32, #tpu.memory_space<hbm>>
      tpu.wait_indirect_dma semaphore(%arg13 : memref<!tpu.dma_semaphore, #tpu.memory_space<semaphore_mem>>) src(%dma_wait3A_272 : memref<100000x128xf32, #tpu.memory_space<hbm>>) dst(%arg6 : memref<100x128xf32, #tpu.memory_space<vmem>>)
      %scan3A_273 = arith.constant 0 : i32
      %scan3A_274 = arith.constant 25 : i32
      %scan3A_275 = arith.addi %scan3A_273, %scan3A_274 : i32
      %scan3A_276 = arith.constant 1 : i32
      %scan3A_277:7 = scf.for %scan3A_563 = %scan3A_273 to %scan3A_275 step %scan3A_276 iter_args(%scan3A_564 = %broadcast_in_dim3A_241, %scan3A_565 = %broadcast_in_dim3A_243, %scan3A_566 = %broadcast_in_dim3A_245, %scan3A_567 = %broadcast_in_dim3A_247, %scan3A_568 = %broadcast_in_dim3A_249, %scan3A_569 = %broadcast_in_dim3A_251, %scan3A_570 = %broadcast_in_dim3A_253) -> (vector<16xf32>, vector<16xf32>, vector<16xf32>, vector<16xf32>, vector<16xf32>, vector<16xf32>, vector<16xf32>)  : i32 {
        %mul3A_571 = arith.constant 4 : i32
        %mul3A_572 = arith.muli %mul3A_571, %scan3A_563 : i32
        %add3A_573 = arith.constant 0 : i32
        %add3A_574 = arith.addi %mul3A_572, %add3A_573 : i32
        %get3A = arith.index_cast %add3A_574 : i32 to index
        %get3A_575 = arith.constant 0 : index
        %get3A_576 = tpu.vector_load %arg6[%get3A, %get3A_575] {strides = array<i32>} : memref<100x128xf32, #tpu.memory_space<vmem>>, vector<1x16xf32>,
        %get3A_577 = vector.shape_cast %get3A_576 : vector<1x16xf32> to vector<16xf32>
        %max3A = arith.maximumf %scan3A_564, %get3A_577 : vector<16xf32>
        %add3A_578 = arith.constant 0 : i32
        %add3A_579 = arith.addi %mul3A_572, %add3A_578 : i32
        %get3A_580 = arith.index_cast %add3A_579 : i32 to index
        %get3A_581 = arith.constant 16 : index
        %get3A_582 = tpu.vector_load %arg6[%get3A_580, %get3A_581] {strides = array<i32>} : memref<100x128xf32, #tpu.memory_space<vmem>>, vector<1x16xf32>,
        %get3A_583 = vector.shape_cast %get3A_582 : vector<1x16xf32> to vector<16xf32>
        %max3A_584 = arith.maximumf %scan3A_565, %get3A_583 : vector<16xf32>
        %add3A_585 = arith.constant 0 : i32
        %add3A_586 = arith.addi %mul3A_572, %add3A_585 : i32
        %get3A_587 = arith.index_cast %add3A_586 : i32 to index
        %get3A_588 = arith.constant 32 : index
        %get3A_589 = tpu.vector_load %arg6[%get3A_587, %get3A_588] {strides = array<i32>} : memref<100x128xf32, #tpu.memory_space<vmem>>, vector<1x16xf32>,
        %get3A_590 = vector.shape_cast %get3A_589 : vector<1x16xf32> to vector<16xf32>
        %max3A_591 = arith.maximumf %scan3A_566, %get3A_590 : vector<16xf32>
        %add3A_592 = arith.constant 0 : i32
        %add3A_593 = arith.addi %mul3A_572, %add3A_592 : i32
        %get3A_594 = arith.index_cast %add3A_593 : i32 to index
        %get3A_595 = arith.constant 48 : index
        %get3A_596 = tpu.vector_load %arg6[%get3A_594, %get3A_595] {strides = array<i32>} : memref<100x128xf32, #tpu.memory_space<vmem>>, vector<1x16xf32>,
        %get3A_597 = vector.shape_cast %get3A_596 : vector<1x16xf32> to vector<16xf32>
        %max3A_598 = arith.maximumf %scan3A_567, %get3A_597 : vector<16xf32>
        %add3A_599 = arith.constant 0 : i32
        %add3A_600 = arith.addi %mul3A_572, %add3A_599 : i32
        %get3A_601 = arith.index_cast %add3A_600 : i32 to index
        %get3A_602 = arith.constant 64 : index
        %get3A_603 = tpu.vector_load %arg6[%get3A_601, %get3A_602] {strides = array<i32>} : memref<100x128xf32, #tpu.memory_space<vmem>>, vector<1x16xf32>,
        %get3A_604 = vector.shape_cast %get3A_603 : vector<1x16xf32> to vector<16xf32>
        %max3A_605 = arith.maximumf %scan3A_568, %get3A_604 : vector<16xf32>
        %add3A_606 = arith.constant 0 : i32
        %add3A_607 = arith.addi %mul3A_572, %add3A_606 : i32
        %get3A_608 = arith.index_cast %add3A_607 : i32 to index
        %get3A_609 = arith.constant 80 : index
        %get3A_610 = tpu.vector_load %arg6[%get3A_608, %get3A_609] {strides = array<i32>} : memref<100x128xf32, #tpu.memory_space<vmem>>, vector<1x16xf32>,
        %get3A_611 = vector.shape_cast %get3A_610 : vector<1x16xf32> to vector<16xf32>
        %max3A_612 = arith.maximumf %scan3A_569, %get3A_611 : vector<16xf32>
        %add3A_613 = arith.constant 0 : i32
        %add3A_614 = arith.addi %mul3A_572, %add3A_613 : i32
        %get3A_615 = arith.index_cast %add3A_614 : i32 to index
        %get3A_616 = arith.constant 96 : index
        %get3A_617 = tpu.vector_load %arg6[%get3A_615, %get3A_616] {strides = array<i32>} : memref<100x128xf32, #tpu.memory_space<vmem>>, vector<1x16xf32>,
        %get3A_618 = vector.shape_cast %get3A_617 : vector<1x16xf32> to vector<16xf32>
        %max3A_619 = arith.maximumf %scan3A_570, %get3A_618 : vector<16xf32>
        %add3A_620 = arith.constant 1 : i32
        %add3A_621 = arith.addi %mul3A_572, %add3A_620 : i32
        %get3A_622 = arith.index_cast %add3A_621 : i32 to index
        %get3A_623 = arith.constant 0 : index
        %get3A_624 = tpu.vector_load %arg6[%get3A_622, %get3A_623] {strides = array<i32>} : memref<100x128xf32, #tpu.memory_space<vmem>>, vector<1x16xf32>,
        %get3A_625 = vector.shape_cast %get3A_624 : vector<1x16xf32> to vector<16xf32>
        %max3A_626 = arith.maximumf %max3A, %get3A_625 : vector<16xf32>
        %add3A_627 = arith.constant 1 : i32
        %add3A_628 = arith.addi %mul3A_572, %add3A_627 : i32
        %get3A_629 = arith.index_cast %add3A_628 : i32 to index
        %get3A_630 = arith.constant 16 : index
        %get3A_631 = tpu.vector_load %arg6[%get3A_629, %get3A_630] {strides = array<i32>} : memref<100x128xf32, #tpu.memory_space<vmem>>, vector<1x16xf32>,
        %get3A_632 = vector.shape_cast %get3A_631 : vector<1x16xf32> to vector<16xf32>
        %max3A_633 = arith.maximumf %max3A_584, %get3A_632 : vector<16xf32>
        %add3A_634 = arith.constant 1 : i32
        %add3A_635 = arith.addi %mul3A_572, %add3A_634 : i32
        %get3A_636 = arith.index_cast %add3A_635 : i32 to index
        %get3A_637 = arith.constant 32 : index
        %get3A_638 = tpu.vector_load %arg6[%get3A_636, %get3A_637] {strides = array<i32>} : memref<100x128xf32, #tpu.memory_space<vmem>>, vector<1x16xf32>,
        %get3A_639 = vector.shape_cast %get3A_638 : vector<1x16xf32> to vector<16xf32>
        %max3A_640 = arith.maximumf %max3A_591, %get3A_639 : vector<16xf32>
        %add3A_641 = arith.constant 1 : i32
        %add3A_642 = arith.addi %mul3A_572, %add3A_641 : i32
        %get3A_643 = arith.index_cast %add3A_642 : i32 to index
        %get3A_644 = arith.constant 48 : index
        %get3A_645 = tpu.vector_load %arg6[%get3A_643, %get3A_644] {strides = array<i32>} : memref<100x128xf32, #tpu.memory_space<vmem>>, vector<1x16xf32>,
        %get3A_646 = vector.shape_cast %get3A_645 : vector<1x16xf32> to vector<16xf32>
        %max3A_647 = arith.maximumf %max3A_598, %get3A_646 : vector<16xf32>
        %add3A_648 = arith.constant 1 : i32
        %add3A_649 = arith.addi %mul3A_572, %add3A_648 : i32
        %get3A_650 = arith.index_cast %add3A_649 : i32 to index
        %get3A_651 = arith.constant 64 : index
        %get3A_652 = tpu.vector_load %arg6[%get3A_650, %get3A_651] {strides = array<i32>} : memref<100x128xf32, #tpu.memory_space<vmem>>, vector<1x16xf32>,
        %get3A_653 = vector.shape_cast %get3A_652 : vector<1x16xf32> to vector<16xf32>
        %max3A_654 = arith.maximumf %max3A_605, %get3A_653 : vector<16xf32>
        %add3A_655 = arith.constant 1 : i32
        %add3A_656 = arith.addi %mul3A_572, %add3A_655 : i32
        %get3A_657 = arith.index_cast %add3A_656 : i32 to index
        %get3A_658 = arith.constant 80 : index
        %get3A_659 = tpu.vector_load %arg6[%get3A_657, %get3A_658] {strides = array<i32>} : memref<100x128xf32, #tpu.memory_space<vmem>>, vector<1x16xf32>,
        %get3A_660 = vector.shape_cast %get3A_659 : vector<1x16xf32> to vector<16xf32>
        %max3A_661 = arith.maximumf %max3A_612, %get3A_660 : vector<16xf32>
        %add3A_662 = arith.constant 1 : i32
        %add3A_663 = arith.addi %mul3A_572, %add3A_662 : i32
        %get3A_664 = arith.index_cast %add3A_663 : i32 to index
        %get3A_665 = arith.constant 96 : index
        %get3A_666 = tpu.vector_load %arg6[%get3A_664, %get3A_665] {strides = array<i32>} : memref<100x128xf32, #tpu.memory_space<vmem>>, vector<1x16xf32>,
        %get3A_667 = vector.shape_cast %get3A_666 : vector<1x16xf32> to vector<16xf32>
        %max3A_668 = arith.maximumf %max3A_619, %get3A_667 : vector<16xf32>
        %add3A_669 = arith.constant 2 : i32
        %add3A_670 = arith.addi %mul3A_572, %add3A_669 : i32
        %get3A_671 = arith.index_cast %add3A_670 : i32 to index
        %get3A_672 = arith.constant 0 : index
        %get3A_673 = tpu.vector_load %arg6[%get3A_671, %get3A_672] {strides = array<i32>} : memref<100x128xf32, #tpu.memory_space<vmem>>, vector<1x16xf32>,
        %get3A_674 = vector.shape_cast %get3A_673 : vector<1x16xf32> to vector<16xf32>
        %max3A_675 = arith.maximumf %max3A_626, %get3A_674 : vector<16xf32>
        %add3A_676 = arith.constant 2 : i32
        %add3A_677 = arith.addi %mul3A_572, %add3A_676 : i32
        %get3A_678 = arith.index_cast %add3A_677 : i32 to index
        %get3A_679 = arith.constant 16 : index
        %get3A_680 = tpu.vector_load %arg6[%get3A_678, %get3A_679] {strides = array<i32>} : memref<100x128xf32, #tpu.memory_space<vmem>>, vector<1x16xf32>,
        %get3A_681 = vector.shape_cast %get3A_680 : vector<1x16xf32> to vector<16xf32>
        %max3A_682 = arith.maximumf %max3A_633, %get3A_681 : vector<16xf32>
        %add3A_683 = arith.constant 2 : i32
        %add3A_684 = arith.addi %mul3A_572, %add3A_683 : i32
        %get3A_685 = arith.index_cast %add3A_684 : i32 to index
        %get3A_686 = arith.constant 32 : index
        %get3A_687 = tpu.vector_load %arg6[%get3A_685, %get3A_686] {strides = array<i32>} : memref<100x128xf32, #tpu.memory_space<vmem>>, vector<1x16xf32>,
        %get3A_688 = vector.shape_cast %get3A_687 : vector<1x16xf32> to vector<16xf32>
        %max3A_689 = arith.maximumf %max3A_640, %get3A_688 : vector<16xf32>
        %add3A_690 = arith.constant 2 : i32
        %add3A_691 = arith.addi %mul3A_572, %add3A_690 : i32
        %get3A_692 = arith.index_cast %add3A_691 : i32 to index
        %get3A_693 = arith.constant 48 : index
        %get3A_694 = tpu.vector_load %arg6[%get3A_692, %get3A_693] {strides = array<i32>} : memref<100x128xf32, #tpu.memory_space<vmem>>, vector<1x16xf32>,
        %get3A_695 = vector.shape_cast %get3A_694 : vector<1x16xf32> to vector<16xf32>
        %max3A_696 = arith.maximumf %max3A_647, %get3A_695 : vector<16xf32>
        %add3A_697 = arith.constant 2 : i32
        %add3A_698 = arith.addi %mul3A_572, %add3A_697 : i32
        %get3A_699 = arith.index_cast %add3A_698 : i32 to index
        %get3A_700 = arith.constant 64 : index
        %get3A_701 = tpu.vector_load %arg6[%get3A_699, %get3A_700] {strides = array<i32>} : memref<100x128xf32, #tpu.memory_space<vmem>>, vector<1x16xf32>,
        %get3A_702 = vector.shape_cast %get3A_701 : vector<1x16xf32> to vector<16xf32>
        %max3A_703 = arith.maximumf %max3A_654, %get3A_702 : vector<16xf32>
        %add3A_704 = arith.constant 2 : i32
        %add3A_705 = arith.addi %mul3A_572, %add3A_704 : i32
        %get3A_706 = arith.index_cast %add3A_705 : i32 to index
        %get3A_707 = arith.constant 80 : index
        %get3A_708 = tpu.vector_load %arg6[%get3A_706, %get3A_707] {strides = array<i32>} : memref<100x128xf32, #tpu.memory_space<vmem>>, vector<1x16xf32>,
        %get3A_709 = vector.shape_cast %get3A_708 : vector<1x16xf32> to vector<16xf32>
        %max3A_710 = arith.maximumf %max3A_661, %get3A_709 : vector<16xf32>
        %add3A_711 = arith.constant 2 : i32
        %add3A_712 = arith.addi %mul3A_572, %add3A_711 : i32
        %get3A_713 = arith.index_cast %add3A_712 : i32 to index
        %get3A_714 = arith.constant 96 : index
        %get3A_715 = tpu.vector_load %arg6[%get3A_713, %get3A_714] {strides = array<i32>} : memref<100x128xf32, #tpu.memory_space<vmem>>, vector<1x16xf32>,
        %get3A_716 = vector.shape_cast %get3A_715 : vector<1x16xf32> to vector<16xf32>
        %max3A_717 = arith.maximumf %max3A_668, %get3A_716 : vector<16xf32>
        %add3A_718 = arith.constant 3 : i32
        %add3A_719 = arith.addi %mul3A_572, %add3A_718 : i32
        %get3A_720 = arith.index_cast %add3A_719 : i32 to index
        %get3A_721 = arith.constant 0 : index
        %get3A_722 = tpu.vector_load %arg6[%get3A_720, %get3A_721] {strides = array<i32>} : memref<100x128xf32, #tpu.memory_space<vmem>>, vector<1x16xf32>,
        %get3A_723 = vector.shape_cast %get3A_722 : vector<1x16xf32> to vector<16xf32>
        %max3A_724 = arith.maximumf %max3A_675, %get3A_723 : vector<16xf32>
        %add3A_725 = arith.constant 3 : i32
        %add3A_726 = arith.addi %mul3A_572, %add3A_725 : i32
        %get3A_727 = arith.index_cast %add3A_726 : i32 to index
        %get3A_728 = arith.constant 16 : index
        %get3A_729 = tpu.vector_load %arg6[%get3A_727, %get3A_728] {strides = array<i32>} : memref<100x128xf32, #tpu.memory_space<vmem>>, vector<1x16xf32>,
        %get3A_730 = vector.shape_cast %get3A_729 : vector<1x16xf32> to vector<16xf32>
        %max3A_731 = arith.maximumf %max3A_682, %get3A_730 : vector<16xf32>
        %add3A_732 = arith.constant 3 : i32
        %add3A_733 = arith.addi %mul3A_572, %add3A_732 : i32
        %get3A_734 = arith.index_cast %add3A_733 : i32 to index
        %get3A_735 = arith.constant 32 : index
        %get3A_736 = tpu.vector_load %arg6[%get3A_734, %get3A_735] {strides = array<i32>} : memref<100x128xf32, #tpu.memory_space<vmem>>, vector<1x16xf32>,
        %get3A_737 = vector.shape_cast %get3A_736 : vector<1x16xf32> to vector<16xf32>
        %max3A_738 = arith.maximumf %max3A_689, %get3A_737 : vector<16xf32>
        %add3A_739 = arith.constant 3 : i32
        %add3A_740 = arith.addi %mul3A_572, %add3A_739 : i32
        %get3A_741 = arith.index_cast %add3A_740 : i32 to index
        %get3A_742 = arith.constant 48 : index
        %get3A_743 = tpu.vector_load %arg6[%get3A_741, %get3A_742] {strides = array<i32>} : memref<100x128xf32, #tpu.memory_space<vmem>>, vector<1x16xf32>,
        %get3A_744 = vector.shape_cast %get3A_743 : vector<1x16xf32> to vector<16xf32>
        %max3A_745 = arith.maximumf %max3A_696, %get3A_744 : vector<16xf32>
        %add3A_746 = arith.constant 3 : i32
        %add3A_747 = arith.addi %mul3A_572, %add3A_746 : i32
        %get3A_748 = arith.index_cast %add3A_747 : i32 to index
        %get3A_749 = arith.constant 64 : index
        %get3A_750 = tpu.vector_load %arg6[%get3A_748, %get3A_749] {strides = array<i32>} : memref<100x128xf32, #tpu.memory_space<vmem>>, vector<1x16xf32>,
        %get3A_751 = vector.shape_cast %get3A_750 : vector<1x16xf32> to vector<16xf32>
        %max3A_752 = arith.maximumf %max3A_703, %get3A_751 : vector<16xf32>
        %add3A_753 = arith.constant 3 : i32
        %add3A_754 = arith.addi %mul3A_572, %add3A_753 : i32
        %get3A_755 = arith.index_cast %add3A_754 : i32 to index
        %get3A_756 = arith.constant 80 : index
        %get3A_757 = tpu.vector_load %arg6[%get3A_755, %get3A_756] {strides = array<i32>} : memref<100x128xf32, #tpu.memory_space<vmem>>, vector<1x16xf32>,
        %get3A_758 = vector.shape_cast %get3A_757 : vector<1x16xf32> to vector<16xf32>
        %max3A_759 = arith.maximumf %max3A_710, %get3A_758 : vector<16xf32>
        %add3A_760 = arith.constant 3 : i32
        %add3A_761 = arith.addi %mul3A_572, %add3A_760 : i32
        %get3A_762 = arith.index_cast %add3A_761 : i32 to index
        %get3A_763 = arith.constant 96 : index
        %get3A_764 = tpu.vector_load %arg6[%get3A_762, %get3A_763] {strides = array<i32>} : memref<100x128xf32, #tpu.memory_space<vmem>>, vector<1x16xf32>,
        %get3A_765 = vector.shape_cast %get3A_764 : vector<1x16xf32> to vector<16xf32>
        %max3A_766 = arith.maximumf %max3A_717, %get3A_765 : vector<16xf32>
        scf.yield %max3A_724, %max3A_731, %max3A_738, %max3A_745, %max3A_752, %max3A_759, %max3A_766 : vector<16xf32>, vector<16xf32>, vector<16xf32>, vector<16xf32>, vector<16xf32>, vector<16xf32>, vector<16xf32>
      }
      %scan3A_278 = arith.constant 25 : i32
      %add3A_279 = arith.constant 1 : i32
      %add3A_280 = arith.addi %mul3A_239, %add3A_279 : i32
      %add3A_281 = arith.constant 5 : i32
      %add3A_282 = arith.addi %add3A_280, %add3A_281 : i32
      %min3A_283 = arith.constant 255 : i32
      %min3A_284 = arith.minsi %add3A_282, %min3A_283 : i32
      %dma_start3A_285 = arith.constant 0 : i32
      %dma_start3A_286 = tpu.memref_slice %arg5[%min3A_284, %dma_start3A_285] : memref<256x100xi32, #tpu.memory_space<vmem>> -> memref<1x100xi32, #tpu.memory_space<vmem>>
      %dma_start3A_287 = tpu.memref_squeeze %dma_start3A_286 : memref<1x100xi32, #tpu.memory_space<vmem>> -> memref<100xi32, #tpu.memory_space<vmem>>
      %dma_start3A_288 = arith.constant 0 : i32
      %dma_start3A_289 = arith.constant 0 : i32
      %dma_start3A_290 = tpu.memref_slice %arg3[%dma_start3A_288, %dma_start3A_289] : memref<100000x128xf32, #tpu.memory_space<hbm>> -> memref<100000x128xf32, #tpu.memory_space<hbm>>
      tpu.enqueue_indirect_dma source(%dma_start3A_290 : memref<100000x128xf32, #tpu.memory_space<hbm>>) target(%arg6 : memref<100x128xf32, #tpu.memory_space<vmem>>) offsets(%dma_start3A_287 : memref<100xi32, #tpu.memory_space<vmem>>) semaphore(%arg13 : memref<!tpu.dma_semaphore, #tpu.memory_space<semaphore_mem>>)
      %dma_wait3A_291 = arith.constant 0 : i32
      %dma_wait3A_292 = arith.constant 0 : i32
      %dma_wait3A_293 = tpu.memref_slice %arg5[%dma_wait3A_291, %dma_wait3A_292] : memref<256x100xi32, #tpu.memory_space<vmem>> -> memref<1x100xi32, #tpu.memory_space<vmem>>
      %dma_wait3A_294 = tpu.memref_squeeze %dma_wait3A_293 : memref<1x100xi32, #tpu.memory_space<vmem>> -> memref<100xi32, #tpu.memory_space<vmem>>
      %dma_wait3A_295 = arith.constant 0 : i32
      %dma_wait3A_296 = arith.constant 0 : i32
      %dma_wait3A_297 = tpu.memref_slice %arg3[%dma_wait3A_295, %dma_wait3A_296] : memref<100000x128xf32, #tpu.memory_space<hbm>> -> memref<100000x128xf32, #tpu.memory_space<hbm>>
      tpu.wait_indirect_dma semaphore(%arg14 : memref<!tpu.dma_semaphore, #tpu.memory_space<semaphore_mem>>) src(%dma_wait3A_297 : memref<100000x128xf32, #tpu.memory_space<hbm>>) dst(%arg7 : memref<100x128xf32, #tpu.memory_space<vmem>>)
      %scan3A_298 = arith.constant 0 : i32
      %scan3A_299 = arith.constant 25 : i32
      %scan3A_300 = arith.addi %scan3A_298, %scan3A_299 : i32
      %scan3A_301 = arith.constant 1 : i32
      %scan3A_302:7 = scf.for %scan3A_563 = %scan3A_298 to %scan3A_300 step %scan3A_301 iter_args(%scan3A_564 = %scan3A_277#0, %scan3A_565 = %scan3A_277#1, %scan3A_566 = %scan3A_277#2, %scan3A_567 = %scan3A_277#3, %scan3A_568 = %scan3A_277#4, %scan3A_569 = %scan3A_277#5, %scan3A_570 = %scan3A_277#6) -> (vector<16xf32>, vector<16xf32>, vector<16xf32>, vector<16xf32>, vector<16xf32>, vector<16xf32>, vector<16xf32>)  : i32 {
        %mul3A_571 = arith.constant 4 : i32
        %mul3A_572 = arith.muli %mul3A_571, %scan3A_563 : i32
        %add3A_573 = arith.constant 0 : i32
        %add3A_574 = arith.addi %mul3A_572, %add3A_573 : i32
        %get3A = arith.index_cast %add3A_574 : i32 to index
        %get3A_575 = arith.constant 0 : index
        %get3A_576 = tpu.vector_load %arg7[%get3A, %get3A_575] {strides = array<i32>} : memref<100x128xf32, #tpu.memory_space<vmem>>, vector<1x16xf32>,
        %get3A_577 = vector.shape_cast %get3A_576 : vector<1x16xf32> to vector<16xf32>
        %max3A = arith.maximumf %scan3A_564, %get3A_577 : vector<16xf32>
        %add3A_578 = arith.constant 0 : i32
        %add3A_579 = arith.addi %mul3A_572, %add3A_578 : i32
        %get3A_580 = arith.index_cast %add3A_579 : i32 to index
        %get3A_581 = arith.constant 16 : index
        %get3A_582 = tpu.vector_load %arg7[%get3A_580, %get3A_581] {strides = array<i32>} : memref<100x128xf32, #tpu.memory_space<vmem>>, vector<1x16xf32>,
        %get3A_583 = vector.shape_cast %get3A_582 : vector<1x16xf32> to vector<16xf32>
        %max3A_584 = arith.maximumf %scan3A_565, %get3A_583 : vector<16xf32>
        %add3A_585 = arith.constant 0 : i32
        %add3A_586 = arith.addi %mul3A_572, %add3A_585 : i32
        %get3A_587 = arith.index_cast %add3A_586 : i32 to index
        %get3A_588 = arith.constant 32 : index
        %get3A_589 = tpu.vector_load %arg7[%get3A_587, %get3A_588] {strides = array<i32>} : memref<100x128xf32, #tpu.memory_space<vmem>>, vector<1x16xf32>,
        %get3A_590 = vector.shape_cast %get3A_589 : vector<1x16xf32> to vector<16xf32>
        %max3A_591 = arith.maximumf %scan3A_566, %get3A_590 : vector<16xf32>
        %add3A_592 = arith.constant 0 : i32
        %add3A_593 = arith.addi %mul3A_572, %add3A_592 : i32
        %get3A_594 = arith.index_cast %add3A_593 : i32 to index
        %get3A_595 = arith.constant 48 : index
        %get3A_596 = tpu.vector_load %arg7[%get3A_594, %get3A_595] {strides = array<i32>} : memref<100x128xf32, #tpu.memory_space<vmem>>, vector<1x16xf32>,
        %get3A_597 = vector.shape_cast %get3A_596 : vector<1x16xf32> to vector<16xf32>
        %max3A_598 = arith.maximumf %scan3A_567, %get3A_597 : vector<16xf32>
        %add3A_599 = arith.constant 0 : i32
        %add3A_600 = arith.addi %mul3A_572, %add3A_599 : i32
        %get3A_601 = arith.index_cast %add3A_600 : i32 to index
        %get3A_602 = arith.constant 64 : index
        %get3A_603 = tpu.vector_load %arg7[%get3A_601, %get3A_602] {strides = array<i32>} : memref<100x128xf32, #tpu.memory_space<vmem>>, vector<1x16xf32>,
        %get3A_604 = vector.shape_cast %get3A_603 : vector<1x16xf32> to vector<16xf32>
        %max3A_605 = arith.maximumf %scan3A_568, %get3A_604 : vector<16xf32>
        %add3A_606 = arith.constant 0 : i32
        %add3A_607 = arith.addi %mul3A_572, %add3A_606 : i32
        %get3A_608 = arith.index_cast %add3A_607 : i32 to index
        %get3A_609 = arith.constant 80 : index
        %get3A_610 = tpu.vector_load %arg7[%get3A_608, %get3A_609] {strides = array<i32>} : memref<100x128xf32, #tpu.memory_space<vmem>>, vector<1x16xf32>,
        %get3A_611 = vector.shape_cast %get3A_610 : vector<1x16xf32> to vector<16xf32>
        %max3A_612 = arith.maximumf %scan3A_569, %get3A_611 : vector<16xf32>
        %add3A_613 = arith.constant 0 : i32
        %add3A_614 = arith.addi %mul3A_572, %add3A_613 : i32
        %get3A_615 = arith.index_cast %add3A_614 : i32 to index
        %get3A_616 = arith.constant 96 : index
        %get3A_617 = tpu.vector_load %arg7[%get3A_615, %get3A_616] {strides = array<i32>} : memref<100x128xf32, #tpu.memory_space<vmem>>, vector<1x16xf32>,
        %get3A_618 = vector.shape_cast %get3A_617 : vector<1x16xf32> to vector<16xf32>
        %max3A_619 = arith.maximumf %scan3A_570, %get3A_618 : vector<16xf32>
        %add3A_620 = arith.constant 1 : i32
        %add3A_621 = arith.addi %mul3A_572, %add3A_620 : i32
        %get3A_622 = arith.index_cast %add3A_621 : i32 to index
        %get3A_623 = arith.constant 0 : index
        %get3A_624 = tpu.vector_load %arg7[%get3A_622, %get3A_623] {strides = array<i32>} : memref<100x128xf32, #tpu.memory_space<vmem>>, vector<1x16xf32>,
        %get3A_625 = vector.shape_cast %get3A_624 : vector<1x16xf32> to vector<16xf32>
        %max3A_626 = arith.maximumf %max3A, %get3A_625 : vector<16xf32>
        %add3A_627 = arith.constant 1 : i32
        %add3A_628 = arith.addi %mul3A_572, %add3A_627 : i32
        %get3A_629 = arith.index_cast %add3A_628 : i32 to index
        %get3A_630 = arith.constant 16 : index
        %get3A_631 = tpu.vector_load %arg7[%get3A_629, %get3A_630] {strides = array<i32>} : memref<100x128xf32, #tpu.memory_space<vmem>>, vector<1x16xf32>,
        %get3A_632 = vector.shape_cast %get3A_631 : vector<1x16xf32> to vector<16xf32>
        %max3A_633 = arith.maximumf %max3A_584, %get3A_632 : vector<16xf32>
        %add3A_634 = arith.constant 1 : i32
        %add3A_635 = arith.addi %mul3A_572, %add3A_634 : i32
        %get3A_636 = arith.index_cast %add3A_635 : i32 to index
        %get3A_637 = arith.constant 32 : index
        %get3A_638 = tpu.vector_load %arg7[%get3A_636, %get3A_637] {strides = array<i32>} : memref<100x128xf32, #tpu.memory_space<vmem>>, vector<1x16xf32>,
        %get3A_639 = vector.shape_cast %get3A_638 : vector<1x16xf32> to vector<16xf32>
        %max3A_640 = arith.maximumf %max3A_591, %get3A_639 : vector<16xf32>
        %add3A_641 = arith.constant 1 : i32
        %add3A_642 = arith.addi %mul3A_572, %add3A_641 : i32
        %get3A_643 = arith.index_cast %add3A_642 : i32 to index
        %get3A_644 = arith.constant 48 : index
        %get3A_645 = tpu.vector_load %arg7[%get3A_643, %get3A_644] {strides = array<i32>} : memref<100x128xf32, #tpu.memory_space<vmem>>, vector<1x16xf32>,
        %get3A_646 = vector.shape_cast %get3A_645 : vector<1x16xf32> to vector<16xf32>
        %max3A_647 = arith.maximumf %max3A_598, %get3A_646 : vector<16xf32>
        %add3A_648 = arith.constant 1 : i32
        %add3A_649 = arith.addi %mul3A_572, %add3A_648 : i32
        %get3A_650 = arith.index_cast %add3A_649 : i32 to index
        %get3A_651 = arith.constant 64 : index
        %get3A_652 = tpu.vector_load %arg7[%get3A_650, %get3A_651] {strides = array<i32>} : memref<100x128xf32, #tpu.memory_space<vmem>>, vector<1x16xf32>,
        %get3A_653 = vector.shape_cast %get3A_652 : vector<1x16xf32> to vector<16xf32>
        %max3A_654 = arith.maximumf %max3A_605, %get3A_653 : vector<16xf32>
        %add3A_655 = arith.constant 1 : i32
        %add3A_656 = arith.addi %mul3A_572, %add3A_655 : i32
        %get3A_657 = arith.index_cast %add3A_656 : i32 to index
        %get3A_658 = arith.constant 80 : index
        %get3A_659 = tpu.vector_load %arg7[%get3A_657, %get3A_658] {strides = array<i32>} : memref<100x128xf32, #tpu.memory_space<vmem>>, vector<1x16xf32>,
        %get3A_660 = vector.shape_cast %get3A_659 : vector<1x16xf32> to vector<16xf32>
        %max3A_661 = arith.maximumf %max3A_612, %get3A_660 : vector<16xf32>
        %add3A_662 = arith.constant 1 : i32
        %add3A_663 = arith.addi %mul3A_572, %add3A_662 : i32
        %get3A_664 = arith.index_cast %add3A_663 : i32 to index
        %get3A_665 = arith.constant 96 : index
        %get3A_666 = tpu.vector_load %arg7[%get3A_664, %get3A_665] {strides = array<i32>} : memref<100x128xf32, #tpu.memory_space<vmem>>, vector<1x16xf32>,
        %get3A_667 = vector.shape_cast %get3A_666 : vector<1x16xf32> to vector<16xf32>
        %max3A_668 = arith.maximumf %max3A_619, %get3A_667 : vector<16xf32>
        %add3A_669 = arith.constant 2 : i32
        %add3A_670 = arith.addi %mul3A_572, %add3A_669 : i32
        %get3A_671 = arith.index_cast %add3A_670 : i32 to index
        %get3A_672 = arith.constant 0 : index
        %get3A_673 = tpu.vector_load %arg7[%get3A_671, %get3A_672] {strides = array<i32>} : memref<100x128xf32, #tpu.memory_space<vmem>>, vector<1x16xf32>,
        %get3A_674 = vector.shape_cast %get3A_673 : vector<1x16xf32> to vector<16xf32>
        %max3A_675 = arith.maximumf %max3A_626, %get3A_674 : vector<16xf32>
        %add3A_676 = arith.constant 2 : i32
        %add3A_677 = arith.addi %mul3A_572, %add3A_676 : i32
        %get3A_678 = arith.index_cast %add3A_677 : i32 to index
        %get3A_679 = arith.constant 16 : index
        %get3A_680 = tpu.vector_load %arg7[%get3A_678, %get3A_679] {strides = array<i32>} : memref<100x128xf32, #tpu.memory_space<vmem>>, vector<1x16xf32>,
        %get3A_681 = vector.shape_cast %get3A_680 : vector<1x16xf32> to vector<16xf32>
        %max3A_682 = arith.maximumf %max3A_633, %get3A_681 : vector<16xf32>
        %add3A_683 = arith.constant 2 : i32
        %add3A_684 = arith.addi %mul3A_572, %add3A_683 : i32
        %get3A_685 = arith.index_cast %add3A_684 : i32 to index
        %get3A_686 = arith.constant 32 : index
        %get3A_687 = tpu.vector_load %arg7[%get3A_685, %get3A_686] {strides = array<i32>} : memref<100x128xf32, #tpu.memory_space<vmem>>, vector<1x16xf32>,
        %get3A_688 = vector.shape_cast %get3A_687 : vector<1x16xf32> to vector<16xf32>
        %max3A_689 = arith.maximumf %max3A_640, %get3A_688 : vector<16xf32>
        %add3A_690 = arith.constant 2 : i32
        %add3A_691 = arith.addi %mul3A_572, %add3A_690 : i32
        %get3A_692 = arith.index_cast %add3A_691 : i32 to index
        %get3A_693 = arith.constant 48 : index
        %get3A_694 = tpu.vector_load %arg7[%get3A_692, %get3A_693] {strides = array<i32>} : memref<100x128xf32, #tpu.memory_space<vmem>>, vector<1x16xf32>,
        %get3A_695 = vector.shape_cast %get3A_694 : vector<1x16xf32> to vector<16xf32>
        %max3A_696 = arith.maximumf %max3A_647, %get3A_695 : vector<16xf32>
        %add3A_697 = arith.constant 2 : i32
        %add3A_698 = arith.addi %mul3A_572, %add3A_697 : i32
        %get3A_699 = arith.index_cast %add3A_698 : i32 to index
        %get3A_700 = arith.constant 64 : index
        %get3A_701 = tpu.vector_load %arg7[%get3A_699, %get3A_700] {strides = array<i32>} : memref<100x128xf32, #tpu.memory_space<vmem>>, vector<1x16xf32>,
        %get3A_702 = vector.shape_cast %get3A_701 : vector<1x16xf32> to vector<16xf32>
        %max3A_703 = arith.maximumf %max3A_654, %get3A_702 : vector<16xf32>
        %add3A_704 = arith.constant 2 : i32
        %add3A_705 = arith.addi %mul3A_572, %add3A_704 : i32
        %get3A_706 = arith.index_cast %add3A_705 : i32 to index
        %get3A_707 = arith.constant 80 : index
        %get3A_708 = tpu.vector_load %arg7[%get3A_706, %get3A_707] {strides = array<i32>} : memref<100x128xf32, #tpu.memory_space<vmem>>, vector<1x16xf32>,
        %get3A_709 = vector.shape_cast %get3A_708 : vector<1x16xf32> to vector<16xf32>
        %max3A_710 = arith.maximumf %max3A_661, %get3A_709 : vector<16xf32>
        %add3A_711 = arith.constant 2 : i32
        %add3A_712 = arith.addi %mul3A_572, %add3A_711 : i32
        %get3A_713 = arith.index_cast %add3A_712 : i32 to index
        %get3A_714 = arith.constant 96 : index
        %get3A_715 = tpu.vector_load %arg7[%get3A_713, %get3A_714] {strides = array<i32>} : memref<100x128xf32, #tpu.memory_space<vmem>>, vector<1x16xf32>,
        %get3A_716 = vector.shape_cast %get3A_715 : vector<1x16xf32> to vector<16xf32>
        %max3A_717 = arith.maximumf %max3A_668, %get3A_716 : vector<16xf32>
        %add3A_718 = arith.constant 3 : i32
        %add3A_719 = arith.addi %mul3A_572, %add3A_718 : i32
        %get3A_720 = arith.index_cast %add3A_719 : i32 to index
        %get3A_721 = arith.constant 0 : index
        %get3A_722 = tpu.vector_load %arg7[%get3A_720, %get3A_721] {strides = array<i32>} : memref<100x128xf32, #tpu.memory_space<vmem>>, vector<1x16xf32>,
        %get3A_723 = vector.shape_cast %get3A_722 : vector<1x16xf32> to vector<16xf32>
        %max3A_724 = arith.maximumf %max3A_675, %get3A_723 : vector<16xf32>
        %add3A_725 = arith.constant 3 : i32
        %add3A_726 = arith.addi %mul3A_572, %add3A_725 : i32
        %get3A_727 = arith.index_cast %add3A_726 : i32 to index
        %get3A_728 = arith.constant 16 : index
        %get3A_729 = tpu.vector_load %arg7[%get3A_727, %get3A_728] {strides = array<i32>} : memref<100x128xf32, #tpu.memory_space<vmem>>, vector<1x16xf32>,
        %get3A_730 = vector.shape_cast %get3A_729 : vector<1x16xf32> to vector<16xf32>
        %max3A_731 = arith.maximumf %max3A_682, %get3A_730 : vector<16xf32>
        %add3A_732 = arith.constant 3 : i32
        %add3A_733 = arith.addi %mul3A_572, %add3A_732 : i32
        %get3A_734 = arith.index_cast %add3A_733 : i32 to index
        %get3A_735 = arith.constant 32 : index
        %get3A_736 = tpu.vector_load %arg7[%get3A_734, %get3A_735] {strides = array<i32>} : memref<100x128xf32, #tpu.memory_space<vmem>>, vector<1x16xf32>,
        %get3A_737 = vector.shape_cast %get3A_736 : vector<1x16xf32> to vector<16xf32>
        %max3A_738 = arith.maximumf %max3A_689, %get3A_737 : vector<16xf32>
        %add3A_739 = arith.constant 3 : i32
        %add3A_740 = arith.addi %mul3A_572, %add3A_739 : i32
        %get3A_741 = arith.index_cast %add3A_740 : i32 to index
        %get3A_742 = arith.constant 48 : index
        %get3A_743 = tpu.vector_load %arg7[%get3A_741, %get3A_742] {strides = array<i32>} : memref<100x128xf32, #tpu.memory_space<vmem>>, vector<1x16xf32>,
        %get3A_744 = vector.shape_cast %get3A_743 : vector<1x16xf32> to vector<16xf32>
        %max3A_745 = arith.maximumf %max3A_696, %get3A_744 : vector<16xf32>
        %add3A_746 = arith.constant 3 : i32
        %add3A_747 = arith.addi %mul3A_572, %add3A_746 : i32
        %get3A_748 = arith.index_cast %add3A_747 : i32 to index
        %get3A_749 = arith.constant 64 : index
        %get3A_750 = tpu.vector_load %arg7[%get3A_748, %get3A_749] {strides = array<i32>} : memref<100x128xf32, #tpu.memory_space<vmem>>, vector<1x16xf32>,
        %get3A_751 = vector.shape_cast %get3A_750 : vector<1x16xf32> to vector<16xf32>
        %max3A_752 = arith.maximumf %max3A_703, %get3A_751 : vector<16xf32>
        %add3A_753 = arith.constant 3 : i32
        %add3A_754 = arith.addi %mul3A_572, %add3A_753 : i32
        %get3A_755 = arith.index_cast %add3A_754 : i32 to index
        %get3A_756 = arith.constant 80 : index
        %get3A_757 = tpu.vector_load %arg7[%get3A_755, %get3A_756] {strides = array<i32>} : memref<100x128xf32, #tpu.memory_space<vmem>>, vector<1x16xf32>,
        %get3A_758 = vector.shape_cast %get3A_757 : vector<1x16xf32> to vector<16xf32>
        %max3A_759 = arith.maximumf %max3A_710, %get3A_758 : vector<16xf32>
        %add3A_760 = arith.constant 3 : i32
        %add3A_761 = arith.addi %mul3A_572, %add3A_760 : i32
        %get3A_762 = arith.index_cast %add3A_761 : i32 to index
        %get3A_763 = arith.constant 96 : index
        %get3A_764 = tpu.vector_load %arg7[%get3A_762, %get3A_763] {strides = array<i32>} : memref<100x128xf32, #tpu.memory_space<vmem>>, vector<1x16xf32>,
        %get3A_765 = vector.shape_cast %get3A_764 : vector<1x16xf32> to vector<16xf32>
        %max3A_766 = arith.maximumf %max3A_717, %get3A_765 : vector<16xf32>
        scf.yield %max3A_724, %max3A_731, %max3A_738, %max3A_745, %max3A_752, %max3A_759, %max3A_766 : vector<16xf32>, vector<16xf32>, vector<16xf32>, vector<16xf32>, vector<16xf32>, vector<16xf32>, vector<16xf32>
      }
      %scan3A_303 = arith.constant 25 : i32
      %mul3A_304 = arith.constant 3 : i32
      %mul3A_305 = arith.muli %mul3A_304, %scan3A_237 : i32
      %add3A_306 = arith.constant 0 : i32
      %add3A_307 = arith.addi %mul3A_305, %add3A_306 : i32
      %swap3A_308 = arith.index_cast %add3A_307 : i32 to index
      %swap3A_309 = arith.constant 0 : index
      %swap3A_310 = tpu.vector_load %arg12[%swap3A_308, %swap3A_309] {strides = array<i32>} : memref<128x112xf32, #tpu.memory_space<vmem>>, vector<1x16xf32>,
      %swap3A_311 = vector.shape_cast %swap3A_310 : vector<1x16xf32> to vector<16xf32>
      %swap3A_312 = vector.shape_cast %scan3A_302#0 : vector<16xf32> to vector<1x16xf32>
      tpu.vector_store %arg12[%swap3A_308, %swap3A_309], %swap3A_312 {strides = array<i32>} : memref<128x112xf32, #tpu.memory_space<vmem>>, vector<1x16xf32>,
      %swap3A_313 = arith.index_cast %add3A_307 : i32 to index
      %swap3A_314 = arith.constant 16 : index
      %swap3A_315 = tpu.vector_load %arg12[%swap3A_313, %swap3A_314] {strides = array<i32>} : memref<128x112xf32, #tpu.memory_space<vmem>>, vector<1x16xf32>,
      %swap3A_316 = vector.shape_cast %swap3A_315 : vector<1x16xf32> to vector<16xf32>
      %swap3A_317 = vector.shape_cast %scan3A_302#1 : vector<16xf32> to vector<1x16xf32>
      tpu.vector_store %arg12[%swap3A_313, %swap3A_314], %swap3A_317 {strides = array<i32>} : memref<128x112xf32, #tpu.memory_space<vmem>>, vector<1x16xf32>,
      %swap3A_318 = arith.index_cast %add3A_307 : i32 to index
      %swap3A_319 = arith.constant 32 : index
      %swap3A_320 = tpu.vector_load %arg12[%swap3A_318, %swap3A_319] {strides = array<i32>} : memref<128x112xf32, #tpu.memory_space<vmem>>, vector<1x16xf32>,
      %swap3A_321 = vector.shape_cast %swap3A_320 : vector<1x16xf32> to vector<16xf32>
      %swap3A_322 = vector.shape_cast %scan3A_302#2 : vector<16xf32> to vector<1x16xf32>
      tpu.vector_store %arg12[%swap3A_318, %swap3A_319], %swap3A_322 {strides = array<i32>} : memref<128x112xf32, #tpu.memory_space<vmem>>, vector<1x16xf32>,
      %swap3A_323 = arith.index_cast %add3A_307 : i32 to index
      %swap3A_324 = arith.constant 48 : index
      %swap3A_325 = tpu.vector_load %arg12[%swap3A_323, %swap3A_324] {strides = array<i32>} : memref<128x112xf32, #tpu.memory_space<vmem>>, vector<1x16xf32>,
      %swap3A_326 = vector.shape_cast %swap3A_325 : vector<1x16xf32> to vector<16xf32>
      %swap3A_327 = vector.shape_cast %scan3A_302#3 : vector<16xf32> to vector<1x16xf32>
      tpu.vector_store %arg12[%swap3A_323, %swap3A_324], %swap3A_327 {strides = array<i32>} : memref<128x112xf32, #tpu.memory_space<vmem>>, vector<1x16xf32>,
      %swap3A_328 = arith.index_cast %add3A_307 : i32 to index
      %swap3A_329 = arith.constant 64 : index
      %swap3A_330 = tpu.vector_load %arg12[%swap3A_328, %swap3A_329] {strides = array<i32>} : memref<128x112xf32, #tpu.memory_space<vmem>>, vector<1x16xf32>,
      %swap3A_331 = vector.shape_cast %swap3A_330 : vector<1x16xf32> to vector<16xf32>
      %swap3A_332 = vector.shape_cast %scan3A_302#4 : vector<16xf32> to vector<1x16xf32>
      tpu.vector_store %arg12[%swap3A_328, %swap3A_329], %swap3A_332 {strides = array<i32>} : memref<128x112xf32, #tpu.memory_space<vmem>>, vector<1x16xf32>,
      %swap3A_333 = arith.index_cast %add3A_307 : i32 to index
      %swap3A_334 = arith.constant 80 : index
      %swap3A_335 = tpu.vector_load %arg12[%swap3A_333, %swap3A_334] {strides = array<i32>} : memref<128x112xf32, #tpu.memory_space<vmem>>, vector<1x16xf32>,
      %swap3A_336 = vector.shape_cast %swap3A_335 : vector<1x16xf32> to vector<16xf32>
      %swap3A_337 = vector.shape_cast %scan3A_302#5 : vector<16xf32> to vector<1x16xf32>
      tpu.vector_store %arg12[%swap3A_333, %swap3A_334], %swap3A_337 {strides = array<i32>} : memref<128x112xf32, #tpu.memory_space<vmem>>, vector<1x16xf32>,
      %swap3A_338 = arith.index_cast %add3A_307 : i32 to index
      %swap3A_339 = arith.constant 96 : index
      %swap3A_340 = tpu.vector_load %arg12[%swap3A_338, %swap3A_339] {strides = array<i32>} : memref<128x112xf32, #tpu.memory_space<vmem>>, vector<1x16xf32>,
      %swap3A_341 = vector.shape_cast %swap3A_340 : vector<1x16xf32> to vector<16xf32>
      %swap3A_342 = vector.shape_cast %scan3A_302#6 : vector<16xf32> to vector<1x16xf32>
      tpu.vector_store %arg12[%swap3A_338, %swap3A_339], %swap3A_342 {strides = array<i32>} : memref<128x112xf32, #tpu.memory_space<vmem>>, vector<1x16xf32>,
      %broadcast_in_dim3A_343 = arith.constant 0xFF800000 : f32
      %broadcast_in_dim3A_344 = vector.broadcast %broadcast_in_dim3A_343 : f32 to vector<16xf32>
      %broadcast_in_dim3A_345 = arith.constant 0xFF800000 : f32
      %broadcast_in_dim3A_346 = vector.broadcast %broadcast_in_dim3A_345 : f32 to vector<16xf32>
      %broadcast_in_dim3A_347 = arith.constant 0xFF800000 : f32
      %broadcast_in_dim3A_348 = vector.broadcast %broadcast_in_dim3A_347 : f32 to vector<16xf32>
      %broadcast_in_dim3A_349 = arith.constant 0xFF800000 : f32
      %broadcast_in_dim3A_350 = vector.broadcast %broadcast_in_dim3A_349 : f32 to vector<16xf32>
      %broadcast_in_dim3A_351 = arith.constant 0xFF800000 : f32
      %broadcast_in_dim3A_352 = vector.broadcast %broadcast_in_dim3A_351 : f32 to vector<16xf32>
      %broadcast_in_dim3A_353 = arith.constant 0xFF800000 : f32
      %broadcast_in_dim3A_354 = vector.broadcast %broadcast_in_dim3A_353 : f32 to vector<16xf32>
      %broadcast_in_dim3A_355 = arith.constant 0xFF800000 : f32
      %broadcast_in_dim3A_356 = vector.broadcast %broadcast_in_dim3A_355 : f32 to vector<16xf32>
      %add3A_357 = arith.constant 2 : i32
      %add3A_358 = arith.addi %mul3A_239, %add3A_357 : i32
      %add3A_359 = arith.constant 5 : i32
      %add3A_360 = arith.addi %add3A_358, %add3A_359 : i32
      %min3A_361 = arith.constant 255 : i32
      %min3A_362 = arith.minsi %add3A_360, %min3A_361 : i32
      %dma_start3A_363 = arith.constant 0 : i32
      %dma_start3A_364 = tpu.memref_slice %arg5[%min3A_362, %dma_start3A_363] : memref<256x100xi32, #tpu.memory_space<vmem>> -> memref<1x100xi32, #tpu.memory_space<vmem>>
      %dma_start3A_365 = tpu.memref_squeeze %dma_start3A_364 : memref<1x100xi32, #tpu.memory_space<vmem>> -> memref<100xi32, #tpu.memory_space<vmem>>
      %dma_start3A_366 = arith.constant 0 : i32
      %dma_start3A_367 = arith.constant 0 : i32
      %dma_start3A_368 = tpu.memref_slice %arg3[%dma_start3A_366, %dma_start3A_367] : memref<100000x128xf32, #tpu.memory_space<hbm>> -> memref<100000x128xf32, #tpu.memory_space<hbm>>
      tpu.enqueue_indirect_dma source(%dma_start3A_368 : memref<100000x128xf32, #tpu.memory_space<hbm>>) target(%arg7 : memref<100x128xf32, #tpu.memory_space<vmem>>) offsets(%dma_start3A_365 : memref<100xi32, #tpu.memory_space<vmem>>) semaphore(%arg14 : memref<!tpu.dma_semaphore, #tpu.memory_space<semaphore_mem>>)
      %dma_wait3A_369 = arith.constant 0 : i32
      %dma_wait3A_370 = arith.constant 0 : i32
      %dma_wait3A_371 = tpu.memref_slice %arg5[%dma_wait3A_369, %dma_wait3A_370] : memref<256x100xi32, #tpu.memory_space<vmem>> -> memref<1x100xi32, #tpu.memory_space<vmem>>
      %dma_wait3A_372 = tpu.memref_squeeze %dma_wait3A_371 : memref<1x100xi32, #tpu.memory_space<vmem>> -> memref<100xi32, #tpu.memory_space<vmem>>
      %dma_wait3A_373 = arith.constant 0 : i32
      %dma_wait3A_374 = arith.constant 0 : i32
      %dma_wait3A_375 = tpu.memref_slice %arg3[%dma_wait3A_373, %dma_wait3A_374] : memref<100000x128xf32, #tpu.memory_space<hbm>> -> memref<100000x128xf32, #tpu.memory_space<hbm>>
      tpu.wait_indirect_dma semaphore(%arg15 : memref<!tpu.dma_semaphore, #tpu.memory_space<semaphore_mem>>) src(%dma_wait3A_375 : memref<100000x128xf32, #tpu.memory_space<hbm>>) dst(%arg8 : memref<100x128xf32, #tpu.memory_space<vmem>>)
      %scan3A_376 = arith.constant 0 : i32
      %scan3A_377 = arith.constant 25 : i32
      %scan3A_378 = arith.addi %scan3A_376, %scan3A_377 : i32
      %scan3A_379 = arith.constant 1 : i32
      %scan3A_380:7 = scf.for %scan3A_563 = %scan3A_376 to %scan3A_378 step %scan3A_379 iter_args(%scan3A_564 = %broadcast_in_dim3A_344, %scan3A_565 = %broadcast_in_dim3A_346, %scan3A_566 = %broadcast_in_dim3A_348, %scan3A_567 = %broadcast_in_dim3A_350, %scan3A_568 = %broadcast_in_dim3A_352, %scan3A_569 = %broadcast_in_dim3A_354, %scan3A_570 = %broadcast_in_dim3A_356) -> (vector<16xf32>, vector<16xf32>, vector<16xf32>, vector<16xf32>, vector<16xf32>, vector<16xf32>, vector<16xf32>)  : i32 {
        %mul3A_571 = arith.constant 4 : i32
        %mul3A_572 = arith.muli %mul3A_571, %scan3A_563 : i32
        %add3A_573 = arith.constant 0 : i32
        %add3A_574 = arith.addi %mul3A_572, %add3A_573 : i32
        %get3A = arith.index_cast %add3A_574 : i32 to index
        %get3A_575 = arith.constant 0 : index
        %get3A_576 = tpu.vector_load %arg8[%get3A, %get3A_575] {strides = array<i32>} : memref<100x128xf32, #tpu.memory_space<vmem>>, vector<1x16xf32>,
        %get3A_577 = vector.shape_cast %get3A_576 : vector<1x16xf32> to vector<16xf32>
        %max3A = arith.maximumf %scan3A_564, %get3A_577 : vector<16xf32>
        %add3A_578 = arith.constant 0 : i32
        %add3A_579 = arith.addi %mul3A_572, %add3A_578 : i32
        %get3A_580 = arith.index_cast %add3A_579 : i32 to index
        %get3A_581 = arith.constant 16 : index
        %get3A_582 = tpu.vector_load %arg8[%get3A_580, %get3A_581] {strides = array<i32>} : memref<100x128xf32, #tpu.memory_space<vmem>>, vector<1x16xf32>,
        %get3A_583 = vector.shape_cast %get3A_582 : vector<1x16xf32> to vector<16xf32>
        %max3A_584 = arith.maximumf %scan3A_565, %get3A_583 : vector<16xf32>
        %add3A_585 = arith.constant 0 : i32
        %add3A_586 = arith.addi %mul3A_572, %add3A_585 : i32
        %get3A_587 = arith.index_cast %add3A_586 : i32 to index
        %get3A_588 = arith.constant 32 : index
        %get3A_589 = tpu.vector_load %arg8[%get3A_587, %get3A_588] {strides = array<i32>} : memref<100x128xf32, #tpu.memory_space<vmem>>, vector<1x16xf32>,
        %get3A_590 = vector.shape_cast %get3A_589 : vector<1x16xf32> to vector<16xf32>
        %max3A_591 = arith.maximumf %scan3A_566, %get3A_590 : vector<16xf32>
        %add3A_592 = arith.constant 0 : i32
        %add3A_593 = arith.addi %mul3A_572, %add3A_592 : i32
        %get3A_594 = arith.index_cast %add3A_593 : i32 to index
        %get3A_595 = arith.constant 48 : index
        %get3A_596 = tpu.vector_load %arg8[%get3A_594, %get3A_595] {strides = array<i32>} : memref<100x128xf32, #tpu.memory_space<vmem>>, vector<1x16xf32>,
        %get3A_597 = vector.shape_cast %get3A_596 : vector<1x16xf32> to vector<16xf32>
        %max3A_598 = arith.maximumf %scan3A_567, %get3A_597 : vector<16xf32>
        %add3A_599 = arith.constant 0 : i32
        %add3A_600 = arith.addi %mul3A_572, %add3A_599 : i32
        %get3A_601 = arith.index_cast %add3A_600 : i32 to index
        %get3A_602 = arith.constant 64 : index
        %get3A_603 = tpu.vector_load %arg8[%get3A_601, %get3A_602] {strides = array<i32>} : memref<100x128xf32, #tpu.memory_space<vmem>>, vector<1x16xf32>,
        %get3A_604 = vector.shape_cast %get3A_603 : vector<1x16xf32> to vector<16xf32>
        %max3A_605 = arith.maximumf %scan3A_568, %get3A_604 : vector<16xf32>
        %add3A_606 = arith.constant 0 : i32
        %add3A_607 = arith.addi %mul3A_572, %add3A_606 : i32
        %get3A_608 = arith.index_cast %add3A_607 : i32 to index
        %get3A_609 = arith.constant 80 : index
        %get3A_610 = tpu.vector_load %arg8[%get3A_608, %get3A_609] {strides = array<i32>} : memref<100x128xf32, #tpu.memory_space<vmem>>, vector<1x16xf32>,
        %get3A_611 = vector.shape_cast %get3A_610 : vector<1x16xf32> to vector<16xf32>
        %max3A_612 = arith.maximumf %scan3A_569, %get3A_611 : vector<16xf32>
        %add3A_613 = arith.constant 0 : i32
        %add3A_614 = arith.addi %mul3A_572, %add3A_613 : i32
        %get3A_615 = arith.index_cast %add3A_614 : i32 to index
        %get3A_616 = arith.constant 96 : index
        %get3A_617 = tpu.vector_load %arg8[%get3A_615, %get3A_616] {strides = array<i32>} : memref<100x128xf32, #tpu.memory_space<vmem>>, vector<1x16xf32>,
        %get3A_618 = vector.shape_cast %get3A_617 : vector<1x16xf32> to vector<16xf32>
        %max3A_619 = arith.maximumf %scan3A_570, %get3A_618 : vector<16xf32>
        %add3A_620 = arith.constant 1 : i32
        %add3A_621 = arith.addi %mul3A_572, %add3A_620 : i32
        %get3A_622 = arith.index_cast %add3A_621 : i32 to index
        %get3A_623 = arith.constant 0 : index
        %get3A_624 = tpu.vector_load %arg8[%get3A_622, %get3A_623] {strides = array<i32>} : memref<100x128xf32, #tpu.memory_space<vmem>>, vector<1x16xf32>,
        %get3A_625 = vector.shape_cast %get3A_624 : vector<1x16xf32> to vector<16xf32>
        %max3A_626 = arith.maximumf %max3A, %get3A_625 : vector<16xf32>
        %add3A_627 = arith.constant 1 : i32
        %add3A_628 = arith.addi %mul3A_572, %add3A_627 : i32
        %get3A_629 = arith.index_cast %add3A_628 : i32 to index
        %get3A_630 = arith.constant 16 : index
        %get3A_631 = tpu.vector_load %arg8[%get3A_629, %get3A_630] {strides = array<i32>} : memref<100x128xf32, #tpu.memory_space<vmem>>, vector<1x16xf32>,
        %get3A_632 = vector.shape_cast %get3A_631 : vector<1x16xf32> to vector<16xf32>
        %max3A_633 = arith.maximumf %max3A_584, %get3A_632 : vector<16xf32>
        %add3A_634 = arith.constant 1 : i32
        %add3A_635 = arith.addi %mul3A_572, %add3A_634 : i32
        %get3A_636 = arith.index_cast %add3A_635 : i32 to index
        %get3A_637 = arith.constant 32 : index
        %get3A_638 = tpu.vector_load %arg8[%get3A_636, %get3A_637] {strides = array<i32>} : memref<100x128xf32, #tpu.memory_space<vmem>>, vector<1x16xf32>,
        %get3A_639 = vector.shape_cast %get3A_638 : vector<1x16xf32> to vector<16xf32>
        %max3A_640 = arith.maximumf %max3A_591, %get3A_639 : vector<16xf32>
        %add3A_641 = arith.constant 1 : i32
        %add3A_642 = arith.addi %mul3A_572, %add3A_641 : i32
        %get3A_643 = arith.index_cast %add3A_642 : i32 to index
        %get3A_644 = arith.constant 48 : index
        %get3A_645 = tpu.vector_load %arg8[%get3A_643, %get3A_644] {strides = array<i32>} : memref<100x128xf32, #tpu.memory_space<vmem>>, vector<1x16xf32>,
        %get3A_646 = vector.shape_cast %get3A_645 : vector<1x16xf32> to vector<16xf32>
        %max3A_647 = arith.maximumf %max3A_598, %get3A_646 : vector<16xf32>
        %add3A_648 = arith.constant 1 : i32
        %add3A_649 = arith.addi %mul3A_572, %add3A_648 : i32
        %get3A_650 = arith.index_cast %add3A_649 : i32 to index
        %get3A_651 = arith.constant 64 : index
        %get3A_652 = tpu.vector_load %arg8[%get3A_650, %get3A_651] {strides = array<i32>} : memref<100x128xf32, #tpu.memory_space<vmem>>, vector<1x16xf32>,
        %get3A_653 = vector.shape_cast %get3A_652 : vector<1x16xf32> to vector<16xf32>
        %max3A_654 = arith.maximumf %max3A_605, %get3A_653 : vector<16xf32>
        %add3A_655 = arith.constant 1 : i32
        %add3A_656 = arith.addi %mul3A_572, %add3A_655 : i32
        %get3A_657 = arith.index_cast %add3A_656 : i32 to index
        %get3A_658 = arith.constant 80 : index
        %get3A_659 = tpu.vector_load %arg8[%get3A_657, %get3A_658] {strides = array<i32>} : memref<100x128xf32, #tpu.memory_space<vmem>>, vector<1x16xf32>,
        %get3A_660 = vector.shape_cast %get3A_659 : vector<1x16xf32> to vector<16xf32>
        %max3A_661 = arith.maximumf %max3A_612, %get3A_660 : vector<16xf32>
        %add3A_662 = arith.constant 1 : i32
        %add3A_663 = arith.addi %mul3A_572, %add3A_662 : i32
        %get3A_664 = arith.index_cast %add3A_663 : i32 to index
        %get3A_665 = arith.constant 96 : index
        %get3A_666 = tpu.vector_load %arg8[%get3A_664, %get3A_665] {strides = array<i32>} : memref<100x128xf32, #tpu.memory_space<vmem>>, vector<1x16xf32>,
        %get3A_667 = vector.shape_cast %get3A_666 : vector<1x16xf32> to vector<16xf32>
        %max3A_668 = arith.maximumf %max3A_619, %get3A_667 : vector<16xf32>
        %add3A_669 = arith.constant 2 : i32
        %add3A_670 = arith.addi %mul3A_572, %add3A_669 : i32
        %get3A_671 = arith.index_cast %add3A_670 : i32 to index
        %get3A_672 = arith.constant 0 : index
        %get3A_673 = tpu.vector_load %arg8[%get3A_671, %get3A_672] {strides = array<i32>} : memref<100x128xf32, #tpu.memory_space<vmem>>, vector<1x16xf32>,
        %get3A_674 = vector.shape_cast %get3A_673 : vector<1x16xf32> to vector<16xf32>
        %max3A_675 = arith.maximumf %max3A_626, %get3A_674 : vector<16xf32>
        %add3A_676 = arith.constant 2 : i32
        %add3A_677 = arith.addi %mul3A_572, %add3A_676 : i32
        %get3A_678 = arith.index_cast %add3A_677 : i32 to index
        %get3A_679 = arith.constant 16 : index
        %get3A_680 = tpu.vector_load %arg8[%get3A_678, %get3A_679] {strides = array<i32>} : memref<100x128xf32, #tpu.memory_space<vmem>>, vector<1x16xf32>,
        %get3A_681 = vector.shape_cast %get3A_680 : vector<1x16xf32> to vector<16xf32>
        %max3A_682 = arith.maximumf %max3A_633, %get3A_681 : vector<16xf32>
        %add3A_683 = arith.constant 2 : i32
        %add3A_684 = arith.addi %mul3A_572, %add3A_683 : i32
        %get3A_685 = arith.index_cast %add3A_684 : i32 to index
        %get3A_686 = arith.constant 32 : index
        %get3A_687 = tpu.vector_load %arg8[%get3A_685, %get3A_686] {strides = array<i32>} : memref<100x128xf32, #tpu.memory_space<vmem>>, vector<1x16xf32>,
        %get3A_688 = vector.shape_cast %get3A_687 : vector<1x16xf32> to vector<16xf32>
        %max3A_689 = arith.maximumf %max3A_640, %get3A_688 : vector<16xf32>
        %add3A_690 = arith.constant 2 : i32
        %add3A_691 = arith.addi %mul3A_572, %add3A_690 : i32
        %get3A_692 = arith.index_cast %add3A_691 : i32 to index
        %get3A_693 = arith.constant 48 : index
        %get3A_694 = tpu.vector_load %arg8[%get3A_692, %get3A_693] {strides = array<i32>} : memref<100x128xf32, #tpu.memory_space<vmem>>, vector<1x16xf32>,
        %get3A_695 = vector.shape_cast %get3A_694 : vector<1x16xf32> to vector<16xf32>
        %max3A_696 = arith.maximumf %max3A_647, %get3A_695 : vector<16xf32>
        %add3A_697 = arith.constant 2 : i32
        %add3A_698 = arith.addi %mul3A_572, %add3A_697 : i32
        %get3A_699 = arith.index_cast %add3A_698 : i32 to index
        %get3A_700 = arith.constant 64 : index
        %get3A_701 = tpu.vector_load %arg8[%get3A_699, %get3A_700] {strides = array<i32>} : memref<100x128xf32, #tpu.memory_space<vmem>>, vector<1x16xf32>,
        %get3A_702 = vector.shape_cast %get3A_701 : vector<1x16xf32> to vector<16xf32>
        %max3A_703 = arith.maximumf %max3A_654, %get3A_702 : vector<16xf32>
        %add3A_704 = arith.constant 2 : i32
        %add3A_705 = arith.addi %mul3A_572, %add3A_704 : i32
        %get3A_706 = arith.index_cast %add3A_705 : i32 to index
        %get3A_707 = arith.constant 80 : index
        %get3A_708 = tpu.vector_load %arg8[%get3A_706, %get3A_707] {strides = array<i32>} : memref<100x128xf32, #tpu.memory_space<vmem>>, vector<1x16xf32>,
        %get3A_709 = vector.shape_cast %get3A_708 : vector<1x16xf32> to vector<16xf32>
        %max3A_710 = arith.maximumf %max3A_661, %get3A_709 : vector<16xf32>
        %add3A_711 = arith.constant 2 : i32
        %add3A_712 = arith.addi %mul3A_572, %add3A_711 : i32
        %get3A_713 = arith.index_cast %add3A_712 : i32 to index
        %get3A_714 = arith.constant 96 : index
        %get3A_715 = tpu.vector_load %arg8[%get3A_713, %get3A_714] {strides = array<i32>} : memref<100x128xf32, #tpu.memory_space<vmem>>, vector<1x16xf32>,
        %get3A_716 = vector.shape_cast %get3A_715 : vector<1x16xf32> to vector<16xf32>
        %max3A_717 = arith.maximumf %max3A_668, %get3A_716 : vector<16xf32>
        %add3A_718 = arith.constant 3 : i32
        %add3A_719 = arith.addi %mul3A_572, %add3A_718 : i32
        %get3A_720 = arith.index_cast %add3A_719 : i32 to index
        %get3A_721 = arith.constant 0 : index
        %get3A_722 = tpu.vector_load %arg8[%get3A_720, %get3A_721] {strides = array<i32>} : memref<100x128xf32, #tpu.memory_space<vmem>>, vector<1x16xf32>,
        %get3A_723 = vector.shape_cast %get3A_722 : vector<1x16xf32> to vector<16xf32>
        %max3A_724 = arith.maximumf %max3A_675, %get3A_723 : vector<16xf32>
        %add3A_725 = arith.constant 3 : i32
        %add3A_726 = arith.addi %mul3A_572, %add3A_725 : i32
        %get3A_727 = arith.index_cast %add3A_726 : i32 to index
        %get3A_728 = arith.constant 16 : index
        %get3A_729 = tpu.vector_load %arg8[%get3A_727, %get3A_728] {strides = array<i32>} : memref<100x128xf32, #tpu.memory_space<vmem>>, vector<1x16xf32>,
        %get3A_730 = vector.shape_cast %get3A_729 : vector<1x16xf32> to vector<16xf32>
        %max3A_731 = arith.maximumf %max3A_682, %get3A_730 : vector<16xf32>
        %add3A_732 = arith.constant 3 : i32
        %add3A_733 = arith.addi %mul3A_572, %add3A_732 : i32
        %get3A_734 = arith.index_cast %add3A_733 : i32 to index
        %get3A_735 = arith.constant 32 : index
        %get3A_736 = tpu.vector_load %arg8[%get3A_734, %get3A_735] {strides = array<i32>} : memref<100x128xf32, #tpu.memory_space<vmem>>, vector<1x16xf32>,
        %get3A_737 = vector.shape_cast %get3A_736 : vector<1x16xf32> to vector<16xf32>
        %max3A_738 = arith.maximumf %max3A_689, %get3A_737 : vector<16xf32>
        %add3A_739 = arith.constant 3 : i32
        %add3A_740 = arith.addi %mul3A_572, %add3A_739 : i32
        %get3A_741 = arith.index_cast %add3A_740 : i32 to index
        %get3A_742 = arith.constant 48 : index
        %get3A_743 = tpu.vector_load %arg8[%get3A_741, %get3A_742] {strides = array<i32>} : memref<100x128xf32, #tpu.memory_space<vmem>>, vector<1x16xf32>,
        %get3A_744 = vector.shape_cast %get3A_743 : vector<1x16xf32> to vector<16xf32>
        %max3A_745 = arith.maximumf %max3A_696, %get3A_744 : vector<16xf32>
        %add3A_746 = arith.constant 3 : i32
        %add3A_747 = arith.addi %mul3A_572, %add3A_746 : i32
        %get3A_748 = arith.index_cast %add3A_747 : i32 to index
        %get3A_749 = arith.constant 64 : index
        %get3A_750 = tpu.vector_load %arg8[%get3A_748, %get3A_749] {strides = array<i32>} : memref<100x128xf32, #tpu.memory_space<vmem>>, vector<1x16xf32>,
        %get3A_751 = vector.shape_cast %get3A_750 : vector<1x16xf32> to vector<16xf32>
        %max3A_752 = arith.maximumf %max3A_703, %get3A_751 : vector<16xf32>
        %add3A_753 = arith.constant 3 : i32
        %add3A_754 = arith.addi %mul3A_572, %add3A_753 : i32
        %get3A_755 = arith.index_cast %add3A_754 : i32 to index
        %get3A_756 = arith.constant 80 : index
        %get3A_757 = tpu.vector_load %arg8[%get3A_755, %get3A_756] {strides = array<i32>} : memref<100x128xf32, #tpu.memory_space<vmem>>, vector<1x16xf32>,
        %get3A_758 = vector.shape_cast %get3A_757 : vector<1x16xf32> to vector<16xf32>
        %max3A_759 = arith.maximumf %max3A_710, %get3A_758 : vector<16xf32>
        %add3A_760 = arith.constant 3 : i32
        %add3A_761 = arith.addi %mul3A_572, %add3A_760 : i32
        %get3A_762 = arith.index_cast %add3A_761 : i32 to index
        %get3A_763 = arith.constant 96 : index
        %get3A_764 = tpu.vector_load %arg8[%get3A_762, %get3A_763] {strides = array<i32>} : memref<100x128xf32, #tpu.memory_space<vmem>>, vector<1x16xf32>,
        %get3A_765 = vector.shape_cast %get3A_764 : vector<1x16xf32> to vector<16xf32>
        %max3A_766 = arith.maximumf %max3A_717, %get3A_765 : vector<16xf32>
        scf.yield %max3A_724, %max3A_731, %max3A_738, %max3A_745, %max3A_752, %max3A_759, %max3A_766 : vector<16xf32>, vector<16xf32>, vector<16xf32>, vector<16xf32>, vector<16xf32>, vector<16xf32>, vector<16xf32>
      }
      %scan3A_381 = arith.constant 25 : i32
      %add3A_382 = arith.constant 3 : i32
      %add3A_383 = arith.addi %mul3A_239, %add3A_382 : i32
      %add3A_384 = arith.constant 5 : i32
      %add3A_385 = arith.addi %add3A_383, %add3A_384 : i32
      %min3A_386 = arith.constant 255 : i32
      %min3A_387 = arith.minsi %add3A_385, %min3A_386 : i32
      %dma_start3A_388 = arith.constant 0 : i32
      %dma_start3A_389 = tpu.memref_slice %arg5[%min3A_387, %dma_start3A_388] : memref<256x100xi32, #tpu.memory_space<vmem>> -> memref<1x100xi32, #tpu.memory_space<vmem>>
      %dma_start3A_390 = tpu.memref_squeeze %dma_start3A_389 : memref<1x100xi32, #tpu.memory_space<vmem>> -> memref<100xi32, #tpu.memory_space<vmem>>
      %dma_start3A_391 = arith.constant 0 : i32
      %dma_start3A_392 = arith.constant 0 : i32
      %dma_start3A_393 = tpu.memref_slice %arg3[%dma_start3A_391, %dma_start3A_392] : memref<100000x128xf32, #tpu.memory_space<hbm>> -> memref<100000x128xf32, #tpu.memory_space<hbm>>
      tpu.enqueue_indirect_dma source(%dma_start3A_393 : memref<100000x128xf32, #tpu.memory_space<hbm>>) target(%arg8 : memref<100x128xf32, #tpu.memory_space<vmem>>) offsets(%dma_start3A_390 : memref<100xi32, #tpu.memory_space<vmem>>) semaphore(%arg15 : memref<!tpu.dma_semaphore, #tpu.memory_space<semaphore_mem>>)
      %dma_wait3A_394 = arith.constant 0 : i32
      %dma_wait3A_395 = arith.constant 0 : i32
      %dma_wait3A_396 = tpu.memref_slice %arg5[%dma_wait3A_394, %dma_wait3A_395] : memref<256x100xi32, #tpu.memory_space<vmem>> -> memref<1x100xi32, #tpu.memory_space<vmem>>
      %dma_wait3A_397 = tpu.memref_squeeze %dma_wait3A_396 : memref<1x100xi32, #tpu.memory_space<vmem>> -> memref<100xi32, #tpu.memory_space<vmem>>
      %dma_wait3A_398 = arith.constant 0 : i32
      %dma_wait3A_399 = arith.constant 0 : i32
      %dma_wait3A_400 = tpu.memref_slice %arg3[%dma_wait3A_398, %dma_wait3A_399] : memref<100000x128xf32, #tpu.memory_space<hbm>> -> memref<100000x128xf32, #tpu.memory_space<hbm>>
      tpu.wait_indirect_dma semaphore(%arg16 : memref<!tpu.dma_semaphore, #tpu.memory_space<semaphore_mem>>) src(%dma_wait3A_400 : memref<100000x128xf32, #tpu.memory_space<hbm>>) dst(%arg9 : memref<100x128xf32, #tpu.memory_space<vmem>>)
      %scan3A_401 = arith.constant 0 : i32
      %scan3A_402 = arith.constant 25 : i32
      %scan3A_403 = arith.addi %scan3A_401, %scan3A_402 : i32
      %scan3A_404 = arith.constant 1 : i32
      %scan3A_405:7 = scf.for %scan3A_563 = %scan3A_401 to %scan3A_403 step %scan3A_404 iter_args(%scan3A_564 = %scan3A_380#0, %scan3A_565 = %scan3A_380#1, %scan3A_566 = %scan3A_380#2, %scan3A_567 = %scan3A_380#3, %scan3A_568 = %scan3A_380#4, %scan3A_569 = %scan3A_380#5, %scan3A_570 = %scan3A_380#6) -> (vector<16xf32>, vector<16xf32>, vector<16xf32>, vector<16xf32>, vector<16xf32>, vector<16xf32>, vector<16xf32>)  : i32 {
        %mul3A_571 = arith.constant 4 : i32
        %mul3A_572 = arith.muli %mul3A_571, %scan3A_563 : i32
        %add3A_573 = arith.constant 0 : i32
        %add3A_574 = arith.addi %mul3A_572, %add3A_573 : i32
        %get3A = arith.index_cast %add3A_574 : i32 to index
        %get3A_575 = arith.constant 0 : index
        %get3A_576 = tpu.vector_load %arg9[%get3A, %get3A_575] {strides = array<i32>} : memref<100x128xf32, #tpu.memory_space<vmem>>, vector<1x16xf32>,
        %get3A_577 = vector.shape_cast %get3A_576 : vector<1x16xf32> to vector<16xf32>
        %max3A = arith.maximumf %scan3A_564, %get3A_577 : vector<16xf32>
        %add3A_578 = arith.constant 0 : i32
        %add3A_579 = arith.addi %mul3A_572, %add3A_578 : i32
        %get3A_580 = arith.index_cast %add3A_579 : i32 to index
        %get3A_581 = arith.constant 16 : index
        %get3A_582 = tpu.vector_load %arg9[%get3A_580, %get3A_581] {strides = array<i32>} : memref<100x128xf32, #tpu.memory_space<vmem>>, vector<1x16xf32>,
        %get3A_583 = vector.shape_cast %get3A_582 : vector<1x16xf32> to vector<16xf32>
        %max3A_584 = arith.maximumf %scan3A_565, %get3A_583 : vector<16xf32>
        %add3A_585 = arith.constant 0 : i32
        %add3A_586 = arith.addi %mul3A_572, %add3A_585 : i32
        %get3A_587 = arith.index_cast %add3A_586 : i32 to index
        %get3A_588 = arith.constant 32 : index
        %get3A_589 = tpu.vector_load %arg9[%get3A_587, %get3A_588] {strides = array<i32>} : memref<100x128xf32, #tpu.memory_space<vmem>>, vector<1x16xf32>,
        %get3A_590 = vector.shape_cast %get3A_589 : vector<1x16xf32> to vector<16xf32>
        %max3A_591 = arith.maximumf %scan3A_566, %get3A_590 : vector<16xf32>
        %add3A_592 = arith.constant 0 : i32
        %add3A_593 = arith.addi %mul3A_572, %add3A_592 : i32
        %get3A_594 = arith.index_cast %add3A_593 : i32 to index
        %get3A_595 = arith.constant 48 : index
        %get3A_596 = tpu.vector_load %arg9[%get3A_594, %get3A_595] {strides = array<i32>} : memref<100x128xf32, #tpu.memory_space<vmem>>, vector<1x16xf32>,
        %get3A_597 = vector.shape_cast %get3A_596 : vector<1x16xf32> to vector<16xf32>
        %max3A_598 = arith.maximumf %scan3A_567, %get3A_597 : vector<16xf32>
        %add3A_599 = arith.constant 0 : i32
        %add3A_600 = arith.addi %mul3A_572, %add3A_599 : i32
        %get3A_601 = arith.index_cast %add3A_600 : i32 to index
        %get3A_602 = arith.constant 64 : index
        %get3A_603 = tpu.vector_load %arg9[%get3A_601, %get3A_602] {strides = array<i32>} : memref<100x128xf32, #tpu.memory_space<vmem>>, vector<1x16xf32>,
        %get3A_604 = vector.shape_cast %get3A_603 : vector<1x16xf32> to vector<16xf32>
        %max3A_605 = arith.maximumf %scan3A_568, %get3A_604 : vector<16xf32>
        %add3A_606 = arith.constant 0 : i32
        %add3A_607 = arith.addi %mul3A_572, %add3A_606 : i32
        %get3A_608 = arith.index_cast %add3A_607 : i32 to index
        %get3A_609 = arith.constant 80 : index
        %get3A_610 = tpu.vector_load %arg9[%get3A_608, %get3A_609] {strides = array<i32>} : memref<100x128xf32, #tpu.memory_space<vmem>>, vector<1x16xf32>,
        %get3A_611 = vector.shape_cast %get3A_610 : vector<1x16xf32> to vector<16xf32>
        %max3A_612 = arith.maximumf %scan3A_569, %get3A_611 : vector<16xf32>
        %add3A_613 = arith.constant 0 : i32
        %add3A_614 = arith.addi %mul3A_572, %add3A_613 : i32
        %get3A_615 = arith.index_cast %add3A_614 : i32 to index
        %get3A_616 = arith.constant 96 : index
        %get3A_617 = tpu.vector_load %arg9[%get3A_615, %get3A_616] {strides = array<i32>} : memref<100x128xf32, #tpu.memory_space<vmem>>, vector<1x16xf32>,
        %get3A_618 = vector.shape_cast %get3A_617 : vector<1x16xf32> to vector<16xf32>
        %max3A_619 = arith.maximumf %scan3A_570, %get3A_618 : vector<16xf32>
        %add3A_620 = arith.constant 1 : i32
        %add3A_621 = arith.addi %mul3A_572, %add3A_620 : i32
        %get3A_622 = arith.index_cast %add3A_621 : i32 to index
        %get3A_623 = arith.constant 0 : index
        %get3A_624 = tpu.vector_load %arg9[%get3A_622, %get3A_623] {strides = array<i32>} : memref<100x128xf32, #tpu.memory_space<vmem>>, vector<1x16xf32>,
        %get3A_625 = vector.shape_cast %get3A_624 : vector<1x16xf32> to vector<16xf32>
        %max3A_626 = arith.maximumf %max3A, %get3A_625 : vector<16xf32>
        %add3A_627 = arith.constant 1 : i32
        %add3A_628 = arith.addi %mul3A_572, %add3A_627 : i32
        %get3A_629 = arith.index_cast %add3A_628 : i32 to index
        %get3A_630 = arith.constant 16 : index
        %get3A_631 = tpu.vector_load %arg9[%get3A_629, %get3A_630] {strides = array<i32>} : memref<100x128xf32, #tpu.memory_space<vmem>>, vector<1x16xf32>,
        %get3A_632 = vector.shape_cast %get3A_631 : vector<1x16xf32> to vector<16xf32>
        %max3A_633 = arith.maximumf %max3A_584, %get3A_632 : vector<16xf32>
        %add3A_634 = arith.constant 1 : i32
        %add3A_635 = arith.addi %mul3A_572, %add3A_634 : i32
        %get3A_636 = arith.index_cast %add3A_635 : i32 to index
        %get3A_637 = arith.constant 32 : index
        %get3A_638 = tpu.vector_load %arg9[%get3A_636, %get3A_637] {strides = array<i32>} : memref<100x128xf32, #tpu.memory_space<vmem>>, vector<1x16xf32>,
        %get3A_639 = vector.shape_cast %get3A_638 : vector<1x16xf32> to vector<16xf32>
        %max3A_640 = arith.maximumf %max3A_591, %get3A_639 : vector<16xf32>
        %add3A_641 = arith.constant 1 : i32
        %add3A_642 = arith.addi %mul3A_572, %add3A_641 : i32
        %get3A_643 = arith.index_cast %add3A_642 : i32 to index
        %get3A_644 = arith.constant 48 : index
        %get3A_645 = tpu.vector_load %arg9[%get3A_643, %get3A_644] {strides = array<i32>} : memref<100x128xf32, #tpu.memory_space<vmem>>, vector<1x16xf32>,
        %get3A_646 = vector.shape_cast %get3A_645 : vector<1x16xf32> to vector<16xf32>
        %max3A_647 = arith.maximumf %max3A_598, %get3A_646 : vector<16xf32>
        %add3A_648 = arith.constant 1 : i32
        %add3A_649 = arith.addi %mul3A_572, %add3A_648 : i32
        %get3A_650 = arith.index_cast %add3A_649 : i32 to index
        %get3A_651 = arith.constant 64 : index
        %get3A_652 = tpu.vector_load %arg9[%get3A_650, %get3A_651] {strides = array<i32>} : memref<100x128xf32, #tpu.memory_space<vmem>>, vector<1x16xf32>,
        %get3A_653 = vector.shape_cast %get3A_652 : vector<1x16xf32> to vector<16xf32>
        %max3A_654 = arith.maximumf %max3A_605, %get3A_653 : vector<16xf32>
        %add3A_655 = arith.constant 1 : i32
        %add3A_656 = arith.addi %mul3A_572, %add3A_655 : i32
        %get3A_657 = arith.index_cast %add3A_656 : i32 to index
        %get3A_658 = arith.constant 80 : index
        %get3A_659 = tpu.vector_load %arg9[%get3A_657, %get3A_658] {strides = array<i32>} : memref<100x128xf32, #tpu.memory_space<vmem>>, vector<1x16xf32>,
        %get3A_660 = vector.shape_cast %get3A_659 : vector<1x16xf32> to vector<16xf32>
        %max3A_661 = arith.maximumf %max3A_612, %get3A_660 : vector<16xf32>
        %add3A_662 = arith.constant 1 : i32
        %add3A_663 = arith.addi %mul3A_572, %add3A_662 : i32
        %get3A_664 = arith.index_cast %add3A_663 : i32 to index
        %get3A_665 = arith.constant 96 : index
        %get3A_666 = tpu.vector_load %arg9[%get3A_664, %get3A_665] {strides = array<i32>} : memref<100x128xf32, #tpu.memory_space<vmem>>, vector<1x16xf32>,
        %get3A_667 = vector.shape_cast %get3A_666 : vector<1x16xf32> to vector<16xf32>
        %max3A_668 = arith.maximumf %max3A_619, %get3A_667 : vector<16xf32>
        %add3A_669 = arith.constant 2 : i32
        %add3A_670 = arith.addi %mul3A_572, %add3A_669 : i32
        %get3A_671 = arith.index_cast %add3A_670 : i32 to index
        %get3A_672 = arith.constant 0 : index
        %get3A_673 = tpu.vector_load %arg9[%get3A_671, %get3A_672] {strides = array<i32>} : memref<100x128xf32, #tpu.memory_space<vmem>>, vector<1x16xf32>,
        %get3A_674 = vector.shape_cast %get3A_673 : vector<1x16xf32> to vector<16xf32>
        %max3A_675 = arith.maximumf %max3A_626, %get3A_674 : vector<16xf32>
        %add3A_676 = arith.constant 2 : i32
        %add3A_677 = arith.addi %mul3A_572, %add3A_676 : i32
        %get3A_678 = arith.index_cast %add3A_677 : i32 to index
        %get3A_679 = arith.constant 16 : index
        %get3A_680 = tpu.vector_load %arg9[%get3A_678, %get3A_679] {strides = array<i32>} : memref<100x128xf32, #tpu.memory_space<vmem>>, vector<1x16xf32>,
        %get3A_681 = vector.shape_cast %get3A_680 : vector<1x16xf32> to vector<16xf32>
        %max3A_682 = arith.maximumf %max3A_633, %get3A_681 : vector<16xf32>
        %add3A_683 = arith.constant 2 : i32
        %add3A_684 = arith.addi %mul3A_572, %add3A_683 : i32
        %get3A_685 = arith.index_cast %add3A_684 : i32 to index
        %get3A_686 = arith.constant 32 : index
        %get3A_687 = tpu.vector_load %arg9[%get3A_685, %get3A_686] {strides = array<i32>} : memref<100x128xf32, #tpu.memory_space<vmem>>, vector<1x16xf32>,
        %get3A_688 = vector.shape_cast %get3A_687 : vector<1x16xf32> to vector<16xf32>
        %max3A_689 = arith.maximumf %max3A_640, %get3A_688 : vector<16xf32>
        %add3A_690 = arith.constant 2 : i32
        %add3A_691 = arith.addi %mul3A_572, %add3A_690 : i32
        %get3A_692 = arith.index_cast %add3A_691 : i32 to index
        %get3A_693 = arith.constant 48 : index
        %get3A_694 = tpu.vector_load %arg9[%get3A_692, %get3A_693] {strides = array<i32>} : memref<100x128xf32, #tpu.memory_space<vmem>>, vector<1x16xf32>,
        %get3A_695 = vector.shape_cast %get3A_694 : vector<1x16xf32> to vector<16xf32>
        %max3A_696 = arith.maximumf %max3A_647, %get3A_695 : vector<16xf32>
        %add3A_697 = arith.constant 2 : i32
        %add3A_698 = arith.addi %mul3A_572, %add3A_697 : i32
        %get3A_699 = arith.index_cast %add3A_698 : i32 to index
        %get3A_700 = arith.constant 64 : index
        %get3A_701 = tpu.vector_load %arg9[%get3A_699, %get3A_700] {strides = array<i32>} : memref<100x128xf32, #tpu.memory_space<vmem>>, vector<1x16xf32>,
        %get3A_702 = vector.shape_cast %get3A_701 : vector<1x16xf32> to vector<16xf32>
        %max3A_703 = arith.maximumf %max3A_654, %get3A_702 : vector<16xf32>
        %add3A_704 = arith.constant 2 : i32
        %add3A_705 = arith.addi %mul3A_572, %add3A_704 : i32
        %get3A_706 = arith.index_cast %add3A_705 : i32 to index
        %get3A_707 = arith.constant 80 : index
        %get3A_708 = tpu.vector_load %arg9[%get3A_706, %get3A_707] {strides = array<i32>} : memref<100x128xf32, #tpu.memory_space<vmem>>, vector<1x16xf32>,
        %get3A_709 = vector.shape_cast %get3A_708 : vector<1x16xf32> to vector<16xf32>
        %max3A_710 = arith.maximumf %max3A_661, %get3A_709 : vector<16xf32>
        %add3A_711 = arith.constant 2 : i32
        %add3A_712 = arith.addi %mul3A_572, %add3A_711 : i32
        %get3A_713 = arith.index_cast %add3A_712 : i32 to index
        %get3A_714 = arith.constant 96 : index
        %get3A_715 = tpu.vector_load %arg9[%get3A_713, %get3A_714] {strides = array<i32>} : memref<100x128xf32, #tpu.memory_space<vmem>>, vector<1x16xf32>,
        %get3A_716 = vector.shape_cast %get3A_715 : vector<1x16xf32> to vector<16xf32>
        %max3A_717 = arith.maximumf %max3A_668, %get3A_716 : vector<16xf32>
        %add3A_718 = arith.constant 3 : i32
        %add3A_719 = arith.addi %mul3A_572, %add3A_718 : i32
        %get3A_720 = arith.index_cast %add3A_719 : i32 to index
        %get3A_721 = arith.constant 0 : index
        %get3A_722 = tpu.vector_load %arg9[%get3A_720, %get3A_721] {strides = array<i32>} : memref<100x128xf32, #tpu.memory_space<vmem>>, vector<1x16xf32>,
        %get3A_723 = vector.shape_cast %get3A_722 : vector<1x16xf32> to vector<16xf32>
        %max3A_724 = arith.maximumf %max3A_675, %get3A_723 : vector<16xf32>
        %add3A_725 = arith.constant 3 : i32
        %add3A_726 = arith.addi %mul3A_572, %add3A_725 : i32
        %get3A_727 = arith.index_cast %add3A_726 : i32 to index
        %get3A_728 = arith.constant 16 : index
        %get3A_729 = tpu.vector_load %arg9[%get3A_727, %get3A_728] {strides = array<i32>} : memref<100x128xf32, #tpu.memory_space<vmem>>, vector<1x16xf32>,
        %get3A_730 = vector.shape_cast %get3A_729 : vector<1x16xf32> to vector<16xf32>
        %max3A_731 = arith.maximumf %max3A_682, %get3A_730 : vector<16xf32>
        %add3A_732 = arith.constant 3 : i32
        %add3A_733 = arith.addi %mul3A_572, %add3A_732 : i32
        %get3A_734 = arith.index_cast %add3A_733 : i32 to index
        %get3A_735 = arith.constant 32 : index
        %get3A_736 = tpu.vector_load %arg9[%get3A_734, %get3A_735] {strides = array<i32>} : memref<100x128xf32, #tpu.memory_space<vmem>>, vector<1x16xf32>,
        %get3A_737 = vector.shape_cast %get3A_736 : vector<1x16xf32> to vector<16xf32>
        %max3A_738 = arith.maximumf %max3A_689, %get3A_737 : vector<16xf32>
        %add3A_739 = arith.constant 3 : i32
        %add3A_740 = arith.addi %mul3A_572, %add3A_739 : i32
        %get3A_741 = arith.index_cast %add3A_740 : i32 to index
        %get3A_742 = arith.constant 48 : index
        %get3A_743 = tpu.vector_load %arg9[%get3A_741, %get3A_742] {strides = array<i32>} : memref<100x128xf32, #tpu.memory_space<vmem>>, vector<1x16xf32>,
        %get3A_744 = vector.shape_cast %get3A_743 : vector<1x16xf32> to vector<16xf32>
        %max3A_745 = arith.maximumf %max3A_696, %get3A_744 : vector<16xf32>
        %add3A_746 = arith.constant 3 : i32
        %add3A_747 = arith.addi %mul3A_572, %add3A_746 : i32
        %get3A_748 = arith.index_cast %add3A_747 : i32 to index
        %get3A_749 = arith.constant 64 : index
        %get3A_750 = tpu.vector_load %arg9[%get3A_748, %get3A_749] {strides = array<i32>} : memref<100x128xf32, #tpu.memory_space<vmem>>, vector<1x16xf32>,
        %get3A_751 = vector.shape_cast %get3A_750 : vector<1x16xf32> to vector<16xf32>
        %max3A_752 = arith.maximumf %max3A_703, %get3A_751 : vector<16xf32>
        %add3A_753 = arith.constant 3 : i32
        %add3A_754 = arith.addi %mul3A_572, %add3A_753 : i32
        %get3A_755 = arith.index_cast %add3A_754 : i32 to index
        %get3A_756 = arith.constant 80 : index
        %get3A_757 = tpu.vector_load %arg9[%get3A_755, %get3A_756] {strides = array<i32>} : memref<100x128xf32, #tpu.memory_space<vmem>>, vector<1x16xf32>,
        %get3A_758 = vector.shape_cast %get3A_757 : vector<1x16xf32> to vector<16xf32>
        %max3A_759 = arith.maximumf %max3A_710, %get3A_758 : vector<16xf32>
        %add3A_760 = arith.constant 3 : i32
        %add3A_761 = arith.addi %mul3A_572, %add3A_760 : i32
        %get3A_762 = arith.index_cast %add3A_761 : i32 to index
        %get3A_763 = arith.constant 96 : index
        %get3A_764 = tpu.vector_load %arg9[%get3A_762, %get3A_763] {strides = array<i32>} : memref<100x128xf32, #tpu.memory_space<vmem>>, vector<1x16xf32>,
        %get3A_765 = vector.shape_cast %get3A_764 : vector<1x16xf32> to vector<16xf32>
        %max3A_766 = arith.maximumf %max3A_717, %get3A_765 : vector<16xf32>
        scf.yield %max3A_724, %max3A_731, %max3A_738, %max3A_745, %max3A_752, %max3A_759, %max3A_766 : vector<16xf32>, vector<16xf32>, vector<16xf32>, vector<16xf32>, vector<16xf32>, vector<16xf32>, vector<16xf32>
      }
      %scan3A_406 = arith.constant 25 : i32
      %mul3A_407 = arith.constant 3 : i32
      %mul3A_408 = arith.muli %mul3A_407, %scan3A_237 : i32
      %add3A_409 = arith.constant 1 : i32
      %add3A_410 = arith.addi %mul3A_408, %add3A_409 : i32
      %swap3A_411 = arith.index_cast %add3A_410 : i32 to index
      %swap3A_412 = arith.constant 0 : index
      %swap3A_413 = tpu.vector_load %arg12[%swap3A_411, %swap3A_412] {strides = array<i32>} : memref<128x112xf32, #tpu.memory_space<vmem>>, vector<1x16xf32>,
      %swap3A_414 = vector.shape_cast %swap3A_413 : vector<1x16xf32> to vector<16xf32>
      %swap3A_415 = vector.shape_cast %scan3A_405#0 : vector<16xf32> to vector<1x16xf32>
      tpu.vector_store %arg12[%swap3A_411, %swap3A_412], %swap3A_415 {strides = array<i32>} : memref<128x112xf32, #tpu.memory_space<vmem>>, vector<1x16xf32>,
      %swap3A_416 = arith.index_cast %add3A_410 : i32 to index
      %swap3A_417 = arith.constant 16 : index
      %swap3A_418 = tpu.vector_load %arg12[%swap3A_416, %swap3A_417] {strides = array<i32>} : memref<128x112xf32, #tpu.memory_space<vmem>>, vector<1x16xf32>,
      %swap3A_419 = vector.shape_cast %swap3A_418 : vector<1x16xf32> to vector<16xf32>
      %swap3A_420 = vector.shape_cast %scan3A_405#1 : vector<16xf32> to vector<1x16xf32>
      tpu.vector_store %arg12[%swap3A_416, %swap3A_417], %swap3A_420 {strides = array<i32>} : memref<128x112xf32, #tpu.memory_space<vmem>>, vector<1x16xf32>,
      %swap3A_421 = arith.index_cast %add3A_410 : i32 to index
      %swap3A_422 = arith.constant 32 : index
      %swap3A_423 = tpu.vector_load %arg12[%swap3A_421, %swap3A_422] {strides = array<i32>} : memref<128x112xf32, #tpu.memory_space<vmem>>, vector<1x16xf32>,
      %swap3A_424 = vector.shape_cast %swap3A_423 : vector<1x16xf32> to vector<16xf32>
      %swap3A_425 = vector.shape_cast %scan3A_405#2 : vector<16xf32> to vector<1x16xf32>
      tpu.vector_store %arg12[%swap3A_421, %swap3A_422], %swap3A_425 {strides = array<i32>} : memref<128x112xf32, #tpu.memory_space<vmem>>, vector<1x16xf32>,
      %swap3A_426 = arith.index_cast %add3A_410 : i32 to index
      %swap3A_427 = arith.constant 48 : index
      %swap3A_428 = tpu.vector_load %arg12[%swap3A_426, %swap3A_427] {strides = array<i32>} : memref<128x112xf32, #tpu.memory_space<vmem>>, vector<1x16xf32>,
      %swap3A_429 = vector.shape_cast %swap3A_428 : vector<1x16xf32> to vector<16xf32>
      %swap3A_430 = vector.shape_cast %scan3A_405#3 : vector<16xf32> to vector<1x16xf32>
      tpu.vector_store %arg12[%swap3A_426, %swap3A_427], %swap3A_430 {strides = array<i32>} : memref<128x112xf32, #tpu.memory_space<vmem>>, vector<1x16xf32>,
      %swap3A_431 = arith.index_cast %add3A_410 : i32 to index
      %swap3A_432 = arith.constant 64 : index
      %swap3A_433 = tpu.vector_load %arg12[%swap3A_431, %swap3A_432] {strides = array<i32>} : memref<128x112xf32, #tpu.memory_space<vmem>>, vector<1x16xf32>,
      %swap3A_434 = vector.shape_cast %swap3A_433 : vector<1x16xf32> to vector<16xf32>
      %swap3A_435 = vector.shape_cast %scan3A_405#4 : vector<16xf32> to vector<1x16xf32>
      tpu.vector_store %arg12[%swap3A_431, %swap3A_432], %swap3A_435 {strides = array<i32>} : memref<128x112xf32, #tpu.memory_space<vmem>>, vector<1x16xf32>,
      %swap3A_436 = arith.index_cast %add3A_410 : i32 to index
      %swap3A_437 = arith.constant 80 : index
      %swap3A_438 = tpu.vector_load %arg12[%swap3A_436, %swap3A_437] {strides = array<i32>} : memref<128x112xf32, #tpu.memory_space<vmem>>, vector<1x16xf32>,
      %swap3A_439 = vector.shape_cast %swap3A_438 : vector<1x16xf32> to vector<16xf32>
      %swap3A_440 = vector.shape_cast %scan3A_405#5 : vector<16xf32> to vector<1x16xf32>
      tpu.vector_store %arg12[%swap3A_436, %swap3A_437], %swap3A_440 {strides = array<i32>} : memref<128x112xf32, #tpu.memory_space<vmem>>, vector<1x16xf32>,
      %swap3A_441 = arith.index_cast %add3A_410 : i32 to index
      %swap3A_442 = arith.constant 96 : index
      %swap3A_443 = tpu.vector_load %arg12[%swap3A_441, %swap3A_442] {strides = array<i32>} : memref<128x112xf32, #tpu.memory_space<vmem>>, vector<1x16xf32>,
      %swap3A_444 = vector.shape_cast %swap3A_443 : vector<1x16xf32> to vector<16xf32>
      %swap3A_445 = vector.shape_cast %scan3A_405#6 : vector<16xf32> to vector<1x16xf32>
      tpu.vector_store %arg12[%swap3A_441, %swap3A_442], %swap3A_445 {strides = array<i32>} : memref<128x112xf32, #tpu.memory_space<vmem>>, vector<1x16xf32>,
      %broadcast_in_dim3A_446 = arith.constant 0xFF800000 : f32
      %broadcast_in_dim3A_447 = vector.broadcast %broadcast_in_dim3A_446 : f32 to vector<16xf32>
      %broadcast_in_dim3A_448 = arith.constant 0xFF800000 : f32
      %broadcast_in_dim3A_449 = vector.broadcast %broadcast_in_dim3A_448 : f32 to vector<16xf32>
      %broadcast_in_dim3A_450 = arith.constant 0xFF800000 : f32
      %broadcast_in_dim3A_451 = vector.broadcast %broadcast_in_dim3A_450 : f32 to vector<16xf32>
      %broadcast_in_dim3A_452 = arith.constant 0xFF800000 : f32
      %broadcast_in_dim3A_453 = vector.broadcast %broadcast_in_dim3A_452 : f32 to vector<16xf32>
      %broadcast_in_dim3A_454 = arith.constant 0xFF800000 : f32
      %broadcast_in_dim3A_455 = vector.broadcast %broadcast_in_dim3A_454 : f32 to vector<16xf32>
      %broadcast_in_dim3A_456 = arith.constant 0xFF800000 : f32
      %broadcast_in_dim3A_457 = vector.broadcast %broadcast_in_dim3A_456 : f32 to vector<16xf32>
      %broadcast_in_dim3A_458 = arith.constant 0xFF800000 : f32
      %broadcast_in_dim3A_459 = vector.broadcast %broadcast_in_dim3A_458 : f32 to vector<16xf32>
      %add3A_460 = arith.constant 4 : i32
      %add3A_461 = arith.addi %mul3A_239, %add3A_460 : i32
      %add3A_462 = arith.constant 5 : i32
      %add3A_463 = arith.addi %add3A_461, %add3A_462 : i32
      %min3A_464 = arith.constant 255 : i32
      %min3A_465 = arith.minsi %add3A_463, %min3A_464 : i32
      %dma_start3A_466 = arith.constant 0 : i32
      %dma_start3A_467 = tpu.memref_slice %arg5[%min3A_465, %dma_start3A_466] : memref<256x100xi32, #tpu.memory_space<vmem>> -> memref<1x100xi32, #tpu.memory_space<vmem>>
      %dma_start3A_468 = tpu.memref_squeeze %dma_start3A_467 : memref<1x100xi32, #tpu.memory_space<vmem>> -> memref<100xi32, #tpu.memory_space<vmem>>
      %dma_start3A_469 = arith.constant 0 : i32
      %dma_start3A_470 = arith.constant 0 : i32
      %dma_start3A_471 = tpu.memref_slice %arg3[%dma_start3A_469, %dma_start3A_470] : memref<100000x128xf32, #tpu.memory_space<hbm>> -> memref<100000x128xf32, #tpu.memory_space<hbm>>
      tpu.enqueue_indirect_dma source(%dma_start3A_471 : memref<100000x128xf32, #tpu.memory_space<hbm>>) target(%arg9 : memref<100x128xf32, #tpu.memory_space<vmem>>) offsets(%dma_start3A_468 : memref<100xi32, #tpu.memory_space<vmem>>) semaphore(%arg16 : memref<!tpu.dma_semaphore, #tpu.memory_space<semaphore_mem>>)
      %dma_wait3A_472 = arith.constant 0 : i32
      %dma_wait3A_473 = arith.constant 0 : i32
      %dma_wait3A_474 = tpu.memref_slice %arg5[%dma_wait3A_472, %dma_wait3A_473] : memref<256x100xi32, #tpu.memory_space<vmem>> -> memref<1x100xi32, #tpu.memory_space<vmem>>
      %dma_wait3A_475 = tpu.memref_squeeze %dma_wait3A_474 : memref<1x100xi32, #tpu.memory_space<vmem>> -> memref<100xi32, #tpu.memory_space<vmem>>
      %dma_wait3A_476 = arith.constant 0 : i32
      %dma_wait3A_477 = arith.constant 0 : i32
      %dma_wait3A_478 = tpu.memref_slice %arg3[%dma_wait3A_476, %dma_wait3A_477] : memref<100000x128xf32, #tpu.memory_space<hbm>> -> memref<100000x128xf32, #tpu.memory_space<hbm>>
      tpu.wait_indirect_dma semaphore(%arg17 : memref<!tpu.dma_semaphore, #tpu.memory_space<semaphore_mem>>) src(%dma_wait3A_478 : memref<100000x128xf32, #tpu.memory_space<hbm>>) dst(%arg10 : memref<100x128xf32, #tpu.memory_space<vmem>>)
      %scan3A_479 = arith.constant 0 : i32
      %scan3A_480 = arith.constant 25 : i32
      %scan3A_481 = arith.addi %scan3A_479, %scan3A_480 : i32
      %scan3A_482 = arith.constant 1 : i32
      %scan3A_483:7 = scf.for %scan3A_563 = %scan3A_479 to %scan3A_481 step %scan3A_482 iter_args(%scan3A_564 = %broadcast_in_dim3A_447, %scan3A_565 = %broadcast_in_dim3A_449, %scan3A_566 = %broadcast_in_dim3A_451, %scan3A_567 = %broadcast_in_dim3A_453, %scan3A_568 = %broadcast_in_dim3A_455, %scan3A_569 = %broadcast_in_dim3A_457, %scan3A_570 = %broadcast_in_dim3A_459) -> (vector<16xf32>, vector<16xf32>, vector<16xf32>, vector<16xf32>, vector<16xf32>, vector<16xf32>, vector<16xf32>)  : i32 {
        %mul3A_571 = arith.constant 4 : i32
        %mul3A_572 = arith.muli %mul3A_571, %scan3A_563 : i32
        %add3A_573 = arith.constant 0 : i32
        %add3A_574 = arith.addi %mul3A_572, %add3A_573 : i32
        %get3A = arith.index_cast %add3A_574 : i32 to index
        %get3A_575 = arith.constant 0 : index
        %get3A_576 = tpu.vector_load %arg10[%get3A, %get3A_575] {strides = array<i32>} : memref<100x128xf32, #tpu.memory_space<vmem>>, vector<1x16xf32>,
        %get3A_577 = vector.shape_cast %get3A_576 : vector<1x16xf32> to vector<16xf32>
        %max3A = arith.maximumf %scan3A_564, %get3A_577 : vector<16xf32>
        %add3A_578 = arith.constant 0 : i32
        %add3A_579 = arith.addi %mul3A_572, %add3A_578 : i32
        %get3A_580 = arith.index_cast %add3A_579 : i32 to index
        %get3A_581 = arith.constant 16 : index
        %get3A_582 = tpu.vector_load %arg10[%get3A_580, %get3A_581] {strides = array<i32>} : memref<100x128xf32, #tpu.memory_space<vmem>>, vector<1x16xf32>,
        %get3A_583 = vector.shape_cast %get3A_582 : vector<1x16xf32> to vector<16xf32>
        %max3A_584 = arith.maximumf %scan3A_565, %get3A_583 : vector<16xf32>
        %add3A_585 = arith.constant 0 : i32
        %add3A_586 = arith.addi %mul3A_572, %add3A_585 : i32
        %get3A_587 = arith.index_cast %add3A_586 : i32 to index
        %get3A_588 = arith.constant 32 : index
        %get3A_589 = tpu.vector_load %arg10[%get3A_587, %get3A_588] {strides = array<i32>} : memref<100x128xf32, #tpu.memory_space<vmem>>, vector<1x16xf32>,
        %get3A_590 = vector.shape_cast %get3A_589 : vector<1x16xf32> to vector<16xf32>
        %max3A_591 = arith.maximumf %scan3A_566, %get3A_590 : vector<16xf32>
        %add3A_592 = arith.constant 0 : i32
        %add3A_593 = arith.addi %mul3A_572, %add3A_592 : i32
        %get3A_594 = arith.index_cast %add3A_593 : i32 to index
        %get3A_595 = arith.constant 48 : index
        %get3A_596 = tpu.vector_load %arg10[%get3A_594, %get3A_595] {strides = array<i32>} : memref<100x128xf32, #tpu.memory_space<vmem>>, vector<1x16xf32>,
        %get3A_597 = vector.shape_cast %get3A_596 : vector<1x16xf32> to vector<16xf32>
        %max3A_598 = arith.maximumf %scan3A_567, %get3A_597 : vector<16xf32>
        %add3A_599 = arith.constant 0 : i32
        %add3A_600 = arith.addi %mul3A_572, %add3A_599 : i32
        %get3A_601 = arith.index_cast %add3A_600 : i32 to index
        %get3A_602 = arith.constant 64 : index
        %get3A_603 = tpu.vector_load %arg10[%get3A_601, %get3A_602] {strides = array<i32>} : memref<100x128xf32, #tpu.memory_space<vmem>>, vector<1x16xf32>,
        %get3A_604 = vector.shape_cast %get3A_603 : vector<1x16xf32> to vector<16xf32>
        %max3A_605 = arith.maximumf %scan3A_568, %get3A_604 : vector<16xf32>
        %add3A_606 = arith.constant 0 : i32
        %add3A_607 = arith.addi %mul3A_572, %add3A_606 : i32
        %get3A_608 = arith.index_cast %add3A_607 : i32 to index
        %get3A_609 = arith.constant 80 : index
        %get3A_610 = tpu.vector_load %arg10[%get3A_608, %get3A_609] {strides = array<i32>} : memref<100x128xf32, #tpu.memory_space<vmem>>, vector<1x16xf32>,
        %get3A_611 = vector.shape_cast %get3A_610 : vector<1x16xf32> to vector<16xf32>
        %max3A_612 = arith.maximumf %scan3A_569, %get3A_611 : vector<16xf32>
        %add3A_613 = arith.constant 0 : i32
        %add3A_614 = arith.addi %mul3A_572, %add3A_613 : i32
        %get3A_615 = arith.index_cast %add3A_614 : i32 to index
        %get3A_616 = arith.constant 96 : index
        %get3A_617 = tpu.vector_load %arg10[%get3A_615, %get3A_616] {strides = array<i32>} : memref<100x128xf32, #tpu.memory_space<vmem>>, vector<1x16xf32>,
        %get3A_618 = vector.shape_cast %get3A_617 : vector<1x16xf32> to vector<16xf32>
        %max3A_619 = arith.maximumf %scan3A_570, %get3A_618 : vector<16xf32>
        %add3A_620 = arith.constant 1 : i32
        %add3A_621 = arith.addi %mul3A_572, %add3A_620 : i32
        %get3A_622 = arith.index_cast %add3A_621 : i32 to index
        %get3A_623 = arith.constant 0 : index
        %get3A_624 = tpu.vector_load %arg10[%get3A_622, %get3A_623] {strides = array<i32>} : memref<100x128xf32, #tpu.memory_space<vmem>>, vector<1x16xf32>,
        %get3A_625 = vector.shape_cast %get3A_624 : vector<1x16xf32> to vector<16xf32>
        %max3A_626 = arith.maximumf %max3A, %get3A_625 : vector<16xf32>
        %add3A_627 = arith.constant 1 : i32
        %add3A_628 = arith.addi %mul3A_572, %add3A_627 : i32
        %get3A_629 = arith.index_cast %add3A_628 : i32 to index
        %get3A_630 = arith.constant 16 : index
        %get3A_631 = tpu.vector_load %arg10[%get3A_629, %get3A_630] {strides = array<i32>} : memref<100x128xf32, #tpu.memory_space<vmem>>, vector<1x16xf32>,
        %get3A_632 = vector.shape_cast %get3A_631 : vector<1x16xf32> to vector<16xf32>
        %max3A_633 = arith.maximumf %max3A_584, %get3A_632 : vector<16xf32>
        %add3A_634 = arith.constant 1 : i32
        %add3A_635 = arith.addi %mul3A_572, %add3A_634 : i32
        %get3A_636 = arith.index_cast %add3A_635 : i32 to index
        %get3A_637 = arith.constant 32 : index
        %get3A_638 = tpu.vector_load %arg10[%get3A_636, %get3A_637] {strides = array<i32>} : memref<100x128xf32, #tpu.memory_space<vmem>>, vector<1x16xf32>,
        %get3A_639 = vector.shape_cast %get3A_638 : vector<1x16xf32> to vector<16xf32>
        %max3A_640 = arith.maximumf %max3A_591, %get3A_639 : vector<16xf32>
        %add3A_641 = arith.constant 1 : i32
        %add3A_642 = arith.addi %mul3A_572, %add3A_641 : i32
        %get3A_643 = arith.index_cast %add3A_642 : i32 to index
        %get3A_644 = arith.constant 48 : index
        %get3A_645 = tpu.vector_load %arg10[%get3A_643, %get3A_644] {strides = array<i32>} : memref<100x128xf32, #tpu.memory_space<vmem>>, vector<1x16xf32>,
        %get3A_646 = vector.shape_cast %get3A_645 : vector<1x16xf32> to vector<16xf32>
        %max3A_647 = arith.maximumf %max3A_598, %get3A_646 : vector<16xf32>
        %add3A_648 = arith.constant 1 : i32
        %add3A_649 = arith.addi %mul3A_572, %add3A_648 : i32
        %get3A_650 = arith.index_cast %add3A_649 : i32 to index
        %get3A_651 = arith.constant 64 : index
        %get3A_652 = tpu.vector_load %arg10[%get3A_650, %get3A_651] {strides = array<i32>} : memref<100x128xf32, #tpu.memory_space<vmem>>, vector<1x16xf32>,
        %get3A_653 = vector.shape_cast %get3A_652 : vector<1x16xf32> to vector<16xf32>
        %max3A_654 = arith.maximumf %max3A_605, %get3A_653 : vector<16xf32>
        %add3A_655 = arith.constant 1 : i32
        %add3A_656 = arith.addi %mul3A_572, %add3A_655 : i32
        %get3A_657 = arith.index_cast %add3A_656 : i32 to index
        %get3A_658 = arith.constant 80 : index
        %get3A_659 = tpu.vector_load %arg10[%get3A_657, %get3A_658] {strides = array<i32>} : memref<100x128xf32, #tpu.memory_space<vmem>>, vector<1x16xf32>,
        %get3A_660 = vector.shape_cast %get3A_659 : vector<1x16xf32> to vector<16xf32>
        %max3A_661 = arith.maximumf %max3A_612, %get3A_660 : vector<16xf32>
        %add3A_662 = arith.constant 1 : i32
        %add3A_663 = arith.addi %mul3A_572, %add3A_662 : i32
        %get3A_664 = arith.index_cast %add3A_663 : i32 to index
        %get3A_665 = arith.constant 96 : index
        %get3A_666 = tpu.vector_load %arg10[%get3A_664, %get3A_665] {strides = array<i32>} : memref<100x128xf32, #tpu.memory_space<vmem>>, vector<1x16xf32>,
        %get3A_667 = vector.shape_cast %get3A_666 : vector<1x16xf32> to vector<16xf32>
        %max3A_668 = arith.maximumf %max3A_619, %get3A_667 : vector<16xf32>
        %add3A_669 = arith.constant 2 : i32
        %add3A_670 = arith.addi %mul3A_572, %add3A_669 : i32
        %get3A_671 = arith.index_cast %add3A_670 : i32 to index
        %get3A_672 = arith.constant 0 : index
        %get3A_673 = tpu.vector_load %arg10[%get3A_671, %get3A_672] {strides = array<i32>} : memref<100x128xf32, #tpu.memory_space<vmem>>, vector<1x16xf32>,
        %get3A_674 = vector.shape_cast %get3A_673 : vector<1x16xf32> to vector<16xf32>
        %max3A_675 = arith.maximumf %max3A_626, %get3A_674 : vector<16xf32>
        %add3A_676 = arith.constant 2 : i32
        %add3A_677 = arith.addi %mul3A_572, %add3A_676 : i32
        %get3A_678 = arith.index_cast %add3A_677 : i32 to index
        %get3A_679 = arith.constant 16 : index
        %get3A_680 = tpu.vector_load %arg10[%get3A_678, %get3A_679] {strides = array<i32>} : memref<100x128xf32, #tpu.memory_space<vmem>>, vector<1x16xf32>,
        %get3A_681 = vector.shape_cast %get3A_680 : vector<1x16xf32> to vector<16xf32>
        %max3A_682 = arith.maximumf %max3A_633, %get3A_681 : vector<16xf32>
        %add3A_683 = arith.constant 2 : i32
        %add3A_684 = arith.addi %mul3A_572, %add3A_683 : i32
        %get3A_685 = arith.index_cast %add3A_684 : i32 to index
        %get3A_686 = arith.constant 32 : index
        %get3A_687 = tpu.vector_load %arg10[%get3A_685, %get3A_686] {strides = array<i32>} : memref<100x128xf32, #tpu.memory_space<vmem>>, vector<1x16xf32>,
        %get3A_688 = vector.shape_cast %get3A_687 : vector<1x16xf32> to vector<16xf32>
        %max3A_689 = arith.maximumf %max3A_640, %get3A_688 : vector<16xf32>
        %add3A_690 = arith.constant 2 : i32
        %add3A_691 = arith.addi %mul3A_572, %add3A_690 : i32
        %get3A_692 = arith.index_cast %add3A_691 : i32 to index
        %get3A_693 = arith.constant 48 : index
        %get3A_694 = tpu.vector_load %arg10[%get3A_692, %get3A_693] {strides = array<i32>} : memref<100x128xf32, #tpu.memory_space<vmem>>, vector<1x16xf32>,
        %get3A_695 = vector.shape_cast %get3A_694 : vector<1x16xf32> to vector<16xf32>
        %max3A_696 = arith.maximumf %max3A_647, %get3A_695 : vector<16xf32>
        %add3A_697 = arith.constant 2 : i32
        %add3A_698 = arith.addi %mul3A_572, %add3A_697 : i32
        %get3A_699 = arith.index_cast %add3A_698 : i32 to index
        %get3A_700 = arith.constant 64 : index
        %get3A_701 = tpu.vector_load %arg10[%get3A_699, %get3A_700] {strides = array<i32>} : memref<100x128xf32, #tpu.memory_space<vmem>>, vector<1x16xf32>,
        %get3A_702 = vector.shape_cast %get3A_701 : vector<1x16xf32> to vector<16xf32>
        %max3A_703 = arith.maximumf %max3A_654, %get3A_702 : vector<16xf32>
        %add3A_704 = arith.constant 2 : i32
        %add3A_705 = arith.addi %mul3A_572, %add3A_704 : i32
        %get3A_706 = arith.index_cast %add3A_705 : i32 to index
        %get3A_707 = arith.constant 80 : index
        %get3A_708 = tpu.vector_load %arg10[%get3A_706, %get3A_707] {strides = array<i32>} : memref<100x128xf32, #tpu.memory_space<vmem>>, vector<1x16xf32>,
        %get3A_709 = vector.shape_cast %get3A_708 : vector<1x16xf32> to vector<16xf32>
        %max3A_710 = arith.maximumf %max3A_661, %get3A_709 : vector<16xf32>
        %add3A_711 = arith.constant 2 : i32
        %add3A_712 = arith.addi %mul3A_572, %add3A_711 : i32
        %get3A_713 = arith.index_cast %add3A_712 : i32 to index
        %get3A_714 = arith.constant 96 : index
        %get3A_715 = tpu.vector_load %arg10[%get3A_713, %get3A_714] {strides = array<i32>} : memref<100x128xf32, #tpu.memory_space<vmem>>, vector<1x16xf32>,
        %get3A_716 = vector.shape_cast %get3A_715 : vector<1x16xf32> to vector<16xf32>
        %max3A_717 = arith.maximumf %max3A_668, %get3A_716 : vector<16xf32>
        %add3A_718 = arith.constant 3 : i32
        %add3A_719 = arith.addi %mul3A_572, %add3A_718 : i32
        %get3A_720 = arith.index_cast %add3A_719 : i32 to index
        %get3A_721 = arith.constant 0 : index
        %get3A_722 = tpu.vector_load %arg10[%get3A_720, %get3A_721] {strides = array<i32>} : memref<100x128xf32, #tpu.memory_space<vmem>>, vector<1x16xf32>,
        %get3A_723 = vector.shape_cast %get3A_722 : vector<1x16xf32> to vector<16xf32>
        %max3A_724 = arith.maximumf %max3A_675, %get3A_723 : vector<16xf32>
        %add3A_725 = arith.constant 3 : i32
        %add3A_726 = arith.addi %mul3A_572, %add3A_725 : i32
        %get3A_727 = arith.index_cast %add3A_726 : i32 to index
        %get3A_728 = arith.constant 16 : index
        %get3A_729 = tpu.vector_load %arg10[%get3A_727, %get3A_728] {strides = array<i32>} : memref<100x128xf32, #tpu.memory_space<vmem>>, vector<1x16xf32>,
        %get3A_730 = vector.shape_cast %get3A_729 : vector<1x16xf32> to vector<16xf32>
        %max3A_731 = arith.maximumf %max3A_682, %get3A_730 : vector<16xf32>
        %add3A_732 = arith.constant 3 : i32
        %add3A_733 = arith.addi %mul3A_572, %add3A_732 : i32
        %get3A_734 = arith.index_cast %add3A_733 : i32 to index
        %get3A_735 = arith.constant 32 : index
        %get3A_736 = tpu.vector_load %arg10[%get3A_734, %get3A_735] {strides = array<i32>} : memref<100x128xf32, #tpu.memory_space<vmem>>, vector<1x16xf32>,
        %get3A_737 = vector.shape_cast %get3A_736 : vector<1x16xf32> to vector<16xf32>
        %max3A_738 = arith.maximumf %max3A_689, %get3A_737 : vector<16xf32>
        %add3A_739 = arith.constant 3 : i32
        %add3A_740 = arith.addi %mul3A_572, %add3A_739 : i32
        %get3A_741 = arith.index_cast %add3A_740 : i32 to index
        %get3A_742 = arith.constant 48 : index
        %get3A_743 = tpu.vector_load %arg10[%get3A_741, %get3A_742] {strides = array<i32>} : memref<100x128xf32, #tpu.memory_space<vmem>>, vector<1x16xf32>,
        %get3A_744 = vector.shape_cast %get3A_743 : vector<1x16xf32> to vector<16xf32>
        %max3A_745 = arith.maximumf %max3A_696, %get3A_744 : vector<16xf32>
        %add3A_746 = arith.constant 3 : i32
        %add3A_747 = arith.addi %mul3A_572, %add3A_746 : i32
        %get3A_748 = arith.index_cast %add3A_747 : i32 to index
        %get3A_749 = arith.constant 64 : index
        %get3A_750 = tpu.vector_load %arg10[%get3A_748, %get3A_749] {strides = array<i32>} : memref<100x128xf32, #tpu.memory_space<vmem>>, vector<1x16xf32>,
        %get3A_751 = vector.shape_cast %get3A_750 : vector<1x16xf32> to vector<16xf32>
        %max3A_752 = arith.maximumf %max3A_703, %get3A_751 : vector<16xf32>
        %add3A_753 = arith.constant 3 : i32
        %add3A_754 = arith.addi %mul3A_572, %add3A_753 : i32
        %get3A_755 = arith.index_cast %add3A_754 : i32 to index
        %get3A_756 = arith.constant 80 : index
        %get3A_757 = tpu.vector_load %arg10[%get3A_755, %get3A_756] {strides = array<i32>} : memref<100x128xf32, #tpu.memory_space<vmem>>, vector<1x16xf32>,
        %get3A_758 = vector.shape_cast %get3A_757 : vector<1x16xf32> to vector<16xf32>
        %max3A_759 = arith.maximumf %max3A_710, %get3A_758 : vector<16xf32>
        %add3A_760 = arith.constant 3 : i32
        %add3A_761 = arith.addi %mul3A_572, %add3A_760 : i32
        %get3A_762 = arith.index_cast %add3A_761 : i32 to index
        %get3A_763 = arith.constant 96 : index
        %get3A_764 = tpu.vector_load %arg10[%get3A_762, %get3A_763] {strides = array<i32>} : memref<100x128xf32, #tpu.memory_space<vmem>>, vector<1x16xf32>,
        %get3A_765 = vector.shape_cast %get3A_764 : vector<1x16xf32> to vector<16xf32>
        %max3A_766 = arith.maximumf %max3A_717, %get3A_765 : vector<16xf32>
        scf.yield %max3A_724, %max3A_731, %max3A_738, %max3A_745, %max3A_752, %max3A_759, %max3A_766 : vector<16xf32>, vector<16xf32>, vector<16xf32>, vector<16xf32>, vector<16xf32>, vector<16xf32>, vector<16xf32>
      }
      %scan3A_484 = arith.constant 25 : i32
      %add3A_485 = arith.constant 5 : i32
      %add3A_486 = arith.addi %mul3A_239, %add3A_485 : i32
      %add3A_487 = arith.constant 5 : i32
      %add3A_488 = arith.addi %add3A_486, %add3A_487 : i32
      %min3A_489 = arith.constant 255 : i32
      %min3A_490 = arith.minsi %add3A_488, %min3A_489 : i32
      %dma_start3A_491 = arith.constant 0 : i32
      %dma_start3A_492 = tpu.memref_slice %arg5[%min3A_490, %dma_start3A_491] : memref<256x100xi32, #tpu.memory_space<vmem>> -> memref<1x100xi32, #tpu.memory_space<vmem>>
      %dma_start3A_493 = tpu.memref_squeeze %dma_start3A_492 : memref<1x100xi32, #tpu.memory_space<vmem>> -> memref<100xi32, #tpu.memory_space<vmem>>
      %dma_start3A_494 = arith.constant 0 : i32
      %dma_start3A_495 = arith.constant 0 : i32
      %dma_start3A_496 = tpu.memref_slice %arg3[%dma_start3A_494, %dma_start3A_495] : memref<100000x128xf32, #tpu.memory_space<hbm>> -> memref<100000x128xf32, #tpu.memory_space<hbm>>
      tpu.enqueue_indirect_dma source(%dma_start3A_496 : memref<100000x128xf32, #tpu.memory_space<hbm>>) target(%arg10 : memref<100x128xf32, #tpu.memory_space<vmem>>) offsets(%dma_start3A_493 : memref<100xi32, #tpu.memory_space<vmem>>) semaphore(%arg17 : memref<!tpu.dma_semaphore, #tpu.memory_space<semaphore_mem>>)
      %dma_wait3A_497 = arith.constant 0 : i32
      %dma_wait3A_498 = arith.constant 0 : i32
      %dma_wait3A_499 = tpu.memref_slice %arg5[%dma_wait3A_497, %dma_wait3A_498] : memref<256x100xi32, #tpu.memory_space<vmem>> -> memref<1x100xi32, #tpu.memory_space<vmem>>
      %dma_wait3A_500 = tpu.memref_squeeze %dma_wait3A_499 : memref<1x100xi32, #tpu.memory_space<vmem>> -> memref<100xi32, #tpu.memory_space<vmem>>
      %dma_wait3A_501 = arith.constant 0 : i32
      %dma_wait3A_502 = arith.constant 0 : i32
      %dma_wait3A_503 = tpu.memref_slice %arg3[%dma_wait3A_501, %dma_wait3A_502] : memref<100000x128xf32, #tpu.memory_space<hbm>> -> memref<100000x128xf32, #tpu.memory_space<hbm>>
      tpu.wait_indirect_dma semaphore(%arg18 : memref<!tpu.dma_semaphore, #tpu.memory_space<semaphore_mem>>) src(%dma_wait3A_503 : memref<100000x128xf32, #tpu.memory_space<hbm>>) dst(%arg11 : memref<100x128xf32, #tpu.memory_space<vmem>>)
      %scan3A_504 = arith.constant 0 : i32
      %scan3A_505 = arith.constant 25 : i32
      %scan3A_506 = arith.addi %scan3A_504, %scan3A_505 : i32
      %scan3A_507 = arith.constant 1 : i32
      %scan3A_508:7 = scf.for %scan3A_563 = %scan3A_504 to %scan3A_506 step %scan3A_507 iter_args(%scan3A_564 = %scan3A_483#0, %scan3A_565 = %scan3A_483#1, %scan3A_566 = %scan3A_483#2, %scan3A_567 = %scan3A_483#3, %scan3A_568 = %scan3A_483#4, %scan3A_569 = %scan3A_483#5, %scan3A_570 = %scan3A_483#6) -> (vector<16xf32>, vector<16xf32>, vector<16xf32>, vector<16xf32>, vector<16xf32>, vector<16xf32>, vector<16xf32>)  : i32 {
        %mul3A_571 = arith.constant 4 : i32
        %mul3A_572 = arith.muli %mul3A_571, %scan3A_563 : i32
        %add3A_573 = arith.constant 0 : i32
        %add3A_574 = arith.addi %mul3A_572, %add3A_573 : i32
        %get3A = arith.index_cast %add3A_574 : i32 to index
        %get3A_575 = arith.constant 0 : index
        %get3A_576 = tpu.vector_load %arg11[%get3A, %get3A_575] {strides = array<i32>} : memref<100x128xf32, #tpu.memory_space<vmem>>, vector<1x16xf32>,
        %get3A_577 = vector.shape_cast %get3A_576 : vector<1x16xf32> to vector<16xf32>
        %max3A = arith.maximumf %scan3A_564, %get3A_577 : vector<16xf32>
        %add3A_578 = arith.constant 0 : i32
        %add3A_579 = arith.addi %mul3A_572, %add3A_578 : i32
        %get3A_580 = arith.index_cast %add3A_579 : i32 to index
        %get3A_581 = arith.constant 16 : index
        %get3A_582 = tpu.vector_load %arg11[%get3A_580, %get3A_581] {strides = array<i32>} : memref<100x128xf32, #tpu.memory_space<vmem>>, vector<1x16xf32>,
        %get3A_583 = vector.shape_cast %get3A_582 : vector<1x16xf32> to vector<16xf32>
        %max3A_584 = arith.maximumf %scan3A_565, %get3A_583 : vector<16xf32>
        %add3A_585 = arith.constant 0 : i32
        %add3A_586 = arith.addi %mul3A_572, %add3A_585 : i32
        %get3A_587 = arith.index_cast %add3A_586 : i32 to index
        %get3A_588 = arith.constant 32 : index
        %get3A_589 = tpu.vector_load %arg11[%get3A_587, %get3A_588] {strides = array<i32>} : memref<100x128xf32, #tpu.memory_space<vmem>>, vector<1x16xf32>,
        %get3A_590 = vector.shape_cast %get3A_589 : vector<1x16xf32> to vector<16xf32>
        %max3A_591 = arith.maximumf %scan3A_566, %get3A_590 : vector<16xf32>
        %add3A_592 = arith.constant 0 : i32
        %add3A_593 = arith.addi %mul3A_572, %add3A_592 : i32
        %get3A_594 = arith.index_cast %add3A_593 : i32 to index
        %get3A_595 = arith.constant 48 : index
        %get3A_596 = tpu.vector_load %arg11[%get3A_594, %get3A_595] {strides = array<i32>} : memref<100x128xf32, #tpu.memory_space<vmem>>, vector<1x16xf32>,
        %get3A_597 = vector.shape_cast %get3A_596 : vector<1x16xf32> to vector<16xf32>
        %max3A_598 = arith.maximumf %scan3A_567, %get3A_597 : vector<16xf32>
        %add3A_599 = arith.constant 0 : i32
        %add3A_600 = arith.addi %mul3A_572, %add3A_599 : i32
        %get3A_601 = arith.index_cast %add3A_600 : i32 to index
        %get3A_602 = arith.constant 64 : index
        %get3A_603 = tpu.vector_load %arg11[%get3A_601, %get3A_602] {strides = array<i32>} : memref<100x128xf32, #tpu.memory_space<vmem>>, vector<1x16xf32>,
        %get3A_604 = vector.shape_cast %get3A_603 : vector<1x16xf32> to vector<16xf32>
        %max3A_605 = arith.maximumf %scan3A_568, %get3A_604 : vector<16xf32>
        %add3A_606 = arith.constant 0 : i32
        %add3A_607 = arith.addi %mul3A_572, %add3A_606 : i32
        %get3A_608 = arith.index_cast %add3A_607 : i32 to index
        %get3A_609 = arith.constant 80 : index
        %get3A_610 = tpu.vector_load %arg11[%get3A_608, %get3A_609] {strides = array<i32>} : memref<100x128xf32, #tpu.memory_space<vmem>>, vector<1x16xf32>,
        %get3A_611 = vector.shape_cast %get3A_610 : vector<1x16xf32> to vector<16xf32>
        %max3A_612 = arith.maximumf %scan3A_569, %get3A_611 : vector<16xf32>
        %add3A_613 = arith.constant 0 : i32
        %add3A_614 = arith.addi %mul3A_572, %add3A_613 : i32
        %get3A_615 = arith.index_cast %add3A_614 : i32 to index
        %get3A_616 = arith.constant 96 : index
        %get3A_617 = tpu.vector_load %arg11[%get3A_615, %get3A_616] {strides = array<i32>} : memref<100x128xf32, #tpu.memory_space<vmem>>, vector<1x16xf32>,
        %get3A_618 = vector.shape_cast %get3A_617 : vector<1x16xf32> to vector<16xf32>
        %max3A_619 = arith.maximumf %scan3A_570, %get3A_618 : vector<16xf32>
        %add3A_620 = arith.constant 1 : i32
        %add3A_621 = arith.addi %mul3A_572, %add3A_620 : i32
        %get3A_622 = arith.index_cast %add3A_621 : i32 to index
        %get3A_623 = arith.constant 0 : index
        %get3A_624 = tpu.vector_load %arg11[%get3A_622, %get3A_623] {strides = array<i32>} : memref<100x128xf32, #tpu.memory_space<vmem>>, vector<1x16xf32>,
        %get3A_625 = vector.shape_cast %get3A_624 : vector<1x16xf32> to vector<16xf32>
        %max3A_626 = arith.maximumf %max3A, %get3A_625 : vector<16xf32>
        %add3A_627 = arith.constant 1 : i32
        %add3A_628 = arith.addi %mul3A_572, %add3A_627 : i32
        %get3A_629 = arith.index_cast %add3A_628 : i32 to index
        %get3A_630 = arith.constant 16 : index
        %get3A_631 = tpu.vector_load %arg11[%get3A_629, %get3A_630] {strides = array<i32>} : memref<100x128xf32, #tpu.memory_space<vmem>>, vector<1x16xf32>,
        %get3A_632 = vector.shape_cast %get3A_631 : vector<1x16xf32> to vector<16xf32>
        %max3A_633 = arith.maximumf %max3A_584, %get3A_632 : vector<16xf32>
        %add3A_634 = arith.constant 1 : i32
        %add3A_635 = arith.addi %mul3A_572, %add3A_634 : i32
        %get3A_636 = arith.index_cast %add3A_635 : i32 to index
        %get3A_637 = arith.constant 32 : index
        %get3A_638 = tpu.vector_load %arg11[%get3A_636, %get3A_637] {strides = array<i32>} : memref<100x128xf32, #tpu.memory_space<vmem>>, vector<1x16xf32>,
        %get3A_639 = vector.shape_cast %get3A_638 : vector<1x16xf32> to vector<16xf32>
        %max3A_640 = arith.maximumf %max3A_591, %get3A_639 : vector<16xf32>
        %add3A_641 = arith.constant 1 : i32
        %add3A_642 = arith.addi %mul3A_572, %add3A_641 : i32
        %get3A_643 = arith.index_cast %add3A_642 : i32 to index
        %get3A_644 = arith.constant 48 : index
        %get3A_645 = tpu.vector_load %arg11[%get3A_643, %get3A_644] {strides = array<i32>} : memref<100x128xf32, #tpu.memory_space<vmem>>, vector<1x16xf32>,
        %get3A_646 = vector.shape_cast %get3A_645 : vector<1x16xf32> to vector<16xf32>
        %max3A_647 = arith.maximumf %max3A_598, %get3A_646 : vector<16xf32>
        %add3A_648 = arith.constant 1 : i32
        %add3A_649 = arith.addi %mul3A_572, %add3A_648 : i32
        %get3A_650 = arith.index_cast %add3A_649 : i32 to index
        %get3A_651 = arith.constant 64 : index
        %get3A_652 = tpu.vector_load %arg11[%get3A_650, %get3A_651] {strides = array<i32>} : memref<100x128xf32, #tpu.memory_space<vmem>>, vector<1x16xf32>,
        %get3A_653 = vector.shape_cast %get3A_652 : vector<1x16xf32> to vector<16xf32>
        %max3A_654 = arith.maximumf %max3A_605, %get3A_653 : vector<16xf32>
        %add3A_655 = arith.constant 1 : i32
        %add3A_656 = arith.addi %mul3A_572, %add3A_655 : i32
        %get3A_657 = arith.index_cast %add3A_656 : i32 to index
        %get3A_658 = arith.constant 80 : index
        %get3A_659 = tpu.vector_load %arg11[%get3A_657, %get3A_658] {strides = array<i32>} : memref<100x128xf32, #tpu.memory_space<vmem>>, vector<1x16xf32>,
        %get3A_660 = vector.shape_cast %get3A_659 : vector<1x16xf32> to vector<16xf32>
        %max3A_661 = arith.maximumf %max3A_612, %get3A_660 : vector<16xf32>
        %add3A_662 = arith.constant 1 : i32
        %add3A_663 = arith.addi %mul3A_572, %add3A_662 : i32
        %get3A_664 = arith.index_cast %add3A_663 : i32 to index
        %get3A_665 = arith.constant 96 : index
        %get3A_666 = tpu.vector_load %arg11[%get3A_664, %get3A_665] {strides = array<i32>} : memref<100x128xf32, #tpu.memory_space<vmem>>, vector<1x16xf32>,
        %get3A_667 = vector.shape_cast %get3A_666 : vector<1x16xf32> to vector<16xf32>
        %max3A_668 = arith.maximumf %max3A_619, %get3A_667 : vector<16xf32>
        %add3A_669 = arith.constant 2 : i32
        %add3A_670 = arith.addi %mul3A_572, %add3A_669 : i32
        %get3A_671 = arith.index_cast %add3A_670 : i32 to index
        %get3A_672 = arith.constant 0 : index
        %get3A_673 = tpu.vector_load %arg11[%get3A_671, %get3A_672] {strides = array<i32>} : memref<100x128xf32, #tpu.memory_space<vmem>>, vector<1x16xf32>,
        %get3A_674 = vector.shape_cast %get3A_673 : vector<1x16xf32> to vector<16xf32>
        %max3A_675 = arith.maximumf %max3A_626, %get3A_674 : vector<16xf32>
        %add3A_676 = arith.constant 2 : i32
        %add3A_677 = arith.addi %mul3A_572, %add3A_676 : i32
        %get3A_678 = arith.index_cast %add3A_677 : i32 to index
        %get3A_679 = arith.constant 16 : index
        %get3A_680 = tpu.vector_load %arg11[%get3A_678, %get3A_679] {strides = array<i32>} : memref<100x128xf32, #tpu.memory_space<vmem>>, vector<1x16xf32>,
        %get3A_681 = vector.shape_cast %get3A_680 : vector<1x16xf32> to vector<16xf32>
        %max3A_682 = arith.maximumf %max3A_633, %get3A_681 : vector<16xf32>
        %add3A_683 = arith.constant 2 : i32
        %add3A_684 = arith.addi %mul3A_572, %add3A_683 : i32
        %get3A_685 = arith.index_cast %add3A_684 : i32 to index
        %get3A_686 = arith.constant 32 : index
        %get3A_687 = tpu.vector_load %arg11[%get3A_685, %get3A_686] {strides = array<i32>} : memref<100x128xf32, #tpu.memory_space<vmem>>, vector<1x16xf32>,
        %get3A_688 = vector.shape_cast %get3A_687 : vector<1x16xf32> to vector<16xf32>
        %max3A_689 = arith.maximumf %max3A_640, %get3A_688 : vector<16xf32>
        %add3A_690 = arith.constant 2 : i32
        %add3A_691 = arith.addi %mul3A_572, %add3A_690 : i32
        %get3A_692 = arith.index_cast %add3A_691 : i32 to index
        %get3A_693 = arith.constant 48 : index
        %get3A_694 = tpu.vector_load %arg11[%get3A_692, %get3A_693] {strides = array<i32>} : memref<100x128xf32, #tpu.memory_space<vmem>>, vector<1x16xf32>,
        %get3A_695 = vector.shape_cast %get3A_694 : vector<1x16xf32> to vector<16xf32>
        %max3A_696 = arith.maximumf %max3A_647, %get3A_695 : vector<16xf32>
        %add3A_697 = arith.constant 2 : i32
        %add3A_698 = arith.addi %mul3A_572, %add3A_697 : i32
        %get3A_699 = arith.index_cast %add3A_698 : i32 to index
        %get3A_700 = arith.constant 64 : index
        %get3A_701 = tpu.vector_load %arg11[%get3A_699, %get3A_700] {strides = array<i32>} : memref<100x128xf32, #tpu.memory_space<vmem>>, vector<1x16xf32>,
        %get3A_702 = vector.shape_cast %get3A_701 : vector<1x16xf32> to vector<16xf32>
        %max3A_703 = arith.maximumf %max3A_654, %get3A_702 : vector<16xf32>
        %add3A_704 = arith.constant 2 : i32
        %add3A_705 = arith.addi %mul3A_572, %add3A_704 : i32
        %get3A_706 = arith.index_cast %add3A_705 : i32 to index
        %get3A_707 = arith.constant 80 : index
        %get3A_708 = tpu.vector_load %arg11[%get3A_706, %get3A_707] {strides = array<i32>} : memref<100x128xf32, #tpu.memory_space<vmem>>, vector<1x16xf32>,
        %get3A_709 = vector.shape_cast %get3A_708 : vector<1x16xf32> to vector<16xf32>
        %max3A_710 = arith.maximumf %max3A_661, %get3A_709 : vector<16xf32>
        %add3A_711 = arith.constant 2 : i32
        %add3A_712 = arith.addi %mul3A_572, %add3A_711 : i32
        %get3A_713 = arith.index_cast %add3A_712 : i32 to index
        %get3A_714 = arith.constant 96 : index
        %get3A_715 = tpu.vector_load %arg11[%get3A_713, %get3A_714] {strides = array<i32>} : memref<100x128xf32, #tpu.memory_space<vmem>>, vector<1x16xf32>,
        %get3A_716 = vector.shape_cast %get3A_715 : vector<1x16xf32> to vector<16xf32>
        %max3A_717 = arith.maximumf %max3A_668, %get3A_716 : vector<16xf32>
        %add3A_718 = arith.constant 3 : i32
        %add3A_719 = arith.addi %mul3A_572, %add3A_718 : i32
        %get3A_720 = arith.index_cast %add3A_719 : i32 to index
        %get3A_721 = arith.constant 0 : index
        %get3A_722 = tpu.vector_load %arg11[%get3A_720, %get3A_721] {strides = array<i32>} : memref<100x128xf32, #tpu.memory_space<vmem>>, vector<1x16xf32>,
        %get3A_723 = vector.shape_cast %get3A_722 : vector<1x16xf32> to vector<16xf32>
        %max3A_724 = arith.maximumf %max3A_675, %get3A_723 : vector<16xf32>
        %add3A_725 = arith.constant 3 : i32
        %add3A_726 = arith.addi %mul3A_572, %add3A_725 : i32
        %get3A_727 = arith.index_cast %add3A_726 : i32 to index
        %get3A_728 = arith.constant 16 : index
        %get3A_729 = tpu.vector_load %arg11[%get3A_727, %get3A_728] {strides = array<i32>} : memref<100x128xf32, #tpu.memory_space<vmem>>, vector<1x16xf32>,
        %get3A_730 = vector.shape_cast %get3A_729 : vector<1x16xf32> to vector<16xf32>
        %max3A_731 = arith.maximumf %max3A_682, %get3A_730 : vector<16xf32>
        %add3A_732 = arith.constant 3 : i32
        %add3A_733 = arith.addi %mul3A_572, %add3A_732 : i32
        %get3A_734 = arith.index_cast %add3A_733 : i32 to index
        %get3A_735 = arith.constant 32 : index
        %get3A_736 = tpu.vector_load %arg11[%get3A_734, %get3A_735] {strides = array<i32>} : memref<100x128xf32, #tpu.memory_space<vmem>>, vector<1x16xf32>,
        %get3A_737 = vector.shape_cast %get3A_736 : vector<1x16xf32> to vector<16xf32>
        %max3A_738 = arith.maximumf %max3A_689, %get3A_737 : vector<16xf32>
        %add3A_739 = arith.constant 3 : i32
        %add3A_740 = arith.addi %mul3A_572, %add3A_739 : i32
        %get3A_741 = arith.index_cast %add3A_740 : i32 to index
        %get3A_742 = arith.constant 48 : index
        %get3A_743 = tpu.vector_load %arg11[%get3A_741, %get3A_742] {strides = array<i32>} : memref<100x128xf32, #tpu.memory_space<vmem>>, vector<1x16xf32>,
        %get3A_744 = vector.shape_cast %get3A_743 : vector<1x16xf32> to vector<16xf32>
        %max3A_745 = arith.maximumf %max3A_696, %get3A_744 : vector<16xf32>
        %add3A_746 = arith.constant 3 : i32
        %add3A_747 = arith.addi %mul3A_572, %add3A_746 : i32
        %get3A_748 = arith.index_cast %add3A_747 : i32 to index
        %get3A_749 = arith.constant 64 : index
        %get3A_750 = tpu.vector_load %arg11[%get3A_748, %get3A_749] {strides = array<i32>} : memref<100x128xf32, #tpu.memory_space<vmem>>, vector<1x16xf32>,
        %get3A_751 = vector.shape_cast %get3A_750 : vector<1x16xf32> to vector<16xf32>
        %max3A_752 = arith.maximumf %max3A_703, %get3A_751 : vector<16xf32>
        %add3A_753 = arith.constant 3 : i32
        %add3A_754 = arith.addi %mul3A_572, %add3A_753 : i32
        %get3A_755 = arith.index_cast %add3A_754 : i32 to index
        %get3A_756 = arith.constant 80 : index
        %get3A_757 = tpu.vector_load %arg11[%get3A_755, %get3A_756] {strides = array<i32>} : memref<100x128xf32, #tpu.memory_space<vmem>>, vector<1x16xf32>,
        %get3A_758 = vector.shape_cast %get3A_757 : vector<1x16xf32> to vector<16xf32>
        %max3A_759 = arith.maximumf %max3A_710, %get3A_758 : vector<16xf32>
        %add3A_760 = arith.constant 3 : i32
        %add3A_761 = arith.addi %mul3A_572, %add3A_760 : i32
        %get3A_762 = arith.index_cast %add3A_761 : i32 to index
        %get3A_763 = arith.constant 96 : index
        %get3A_764 = tpu.vector_load %arg11[%get3A_762, %get3A_763] {strides = array<i32>} : memref<100x128xf32, #tpu.memory_space<vmem>>, vector<1x16xf32>,
        %get3A_765 = vector.shape_cast %get3A_764 : vector<1x16xf32> to vector<16xf32>
        %max3A_766 = arith.maximumf %max3A_717, %get3A_765 : vector<16xf32>
        scf.yield %max3A_724, %max3A_731, %max3A_738, %max3A_745, %max3A_752, %max3A_759, %max3A_766 : vector<16xf32>, vector<16xf32>, vector<16xf32>, vector<16xf32>, vector<16xf32>, vector<16xf32>, vector<16xf32>
      }
      %scan3A_509 = arith.constant 25 : i32
      %mul3A_510 = arith.constant 3 : i32
      %mul3A_511 = arith.muli %mul3A_510, %scan3A_237 : i32
      %add3A_512 = arith.constant 2 : i32
      %add3A_513 = arith.addi %mul3A_511, %add3A_512 : i32
      %swap3A_514 = arith.index_cast %add3A_513 : i32 to index
      %swap3A_515 = arith.constant 0 : index
      %swap3A_516 = tpu.vector_load %arg12[%swap3A_514, %swap3A_515] {strides = array<i32>} : memref<128x112xf32, #tpu.memory_space<vmem>>, vector<1x16xf32>,
      %swap3A_517 = vector.shape_cast %swap3A_516 : vector<1x16xf32> to vector<16xf32>
      %swap3A_518 = vector.shape_cast %scan3A_508#0 : vector<16xf32> to vector<1x16xf32>
      tpu.vector_store %arg12[%swap3A_514, %swap3A_515], %swap3A_518 {strides = array<i32>} : memref<128x112xf32, #tpu.memory_space<vmem>>, vector<1x16xf32>,
      %swap3A_519 = arith.index_cast %add3A_513 : i32 to index
      %swap3A_520 = arith.constant 16 : index
      %swap3A_521 = tpu.vector_load %arg12[%swap3A_519, %swap3A_520] {strides = array<i32>} : memref<128x112xf32, #tpu.memory_space<vmem>>, vector<1x16xf32>,
      %swap3A_522 = vector.shape_cast %swap3A_521 : vector<1x16xf32> to vector<16xf32>
      %swap3A_523 = vector.shape_cast %scan3A_508#1 : vector<16xf32> to vector<1x16xf32>
      tpu.vector_store %arg12[%swap3A_519, %swap3A_520], %swap3A_523 {strides = array<i32>} : memref<128x112xf32, #tpu.memory_space<vmem>>, vector<1x16xf32>,
      %swap3A_524 = arith.index_cast %add3A_513 : i32 to index
      %swap3A_525 = arith.constant 32 : index
      %swap3A_526 = tpu.vector_load %arg12[%swap3A_524, %swap3A_525] {strides = array<i32>} : memref<128x112xf32, #tpu.memory_space<vmem>>, vector<1x16xf32>,
      %swap3A_527 = vector.shape_cast %swap3A_526 : vector<1x16xf32> to vector<16xf32>
      %swap3A_528 = vector.shape_cast %scan3A_508#2 : vector<16xf32> to vector<1x16xf32>
      tpu.vector_store %arg12[%swap3A_524, %swap3A_525], %swap3A_528 {strides = array<i32>} : memref<128x112xf32, #tpu.memory_space<vmem>>, vector<1x16xf32>,
      %swap3A_529 = arith.index_cast %add3A_513 : i32 to index
      %swap3A_530 = arith.constant 48 : index
      %swap3A_531 = tpu.vector_load %arg12[%swap3A_529, %swap3A_530] {strides = array<i32>} : memref<128x112xf32, #tpu.memory_space<vmem>>, vector<1x16xf32>,
      %swap3A_532 = vector.shape_cast %swap3A_531 : vector<1x16xf32> to vector<16xf32>
      %swap3A_533 = vector.shape_cast %scan3A_508#3 : vector<16xf32> to vector<1x16xf32>
      tpu.vector_store %arg12[%swap3A_529, %swap3A_530], %swap3A_533 {strides = array<i32>} : memref<128x112xf32, #tpu.memory_space<vmem>>, vector<1x16xf32>,
      %swap3A_534 = arith.index_cast %add3A_513 : i32 to index
      %swap3A_535 = arith.constant 64 : index
      %swap3A_536 = tpu.vector_load %arg12[%swap3A_534, %swap3A_535] {strides = array<i32>} : memref<128x112xf32, #tpu.memory_space<vmem>>, vector<1x16xf32>,
      %swap3A_537 = vector.shape_cast %swap3A_536 : vector<1x16xf32> to vector<16xf32>
      %swap3A_538 = vector.shape_cast %scan3A_508#4 : vector<16xf32> to vector<1x16xf32>
      tpu.vector_store %arg12[%swap3A_534, %swap3A_535], %swap3A_538 {strides = array<i32>} : memref<128x112xf32, #tpu.memory_space<vmem>>, vector<1x16xf32>,
      %swap3A_539 = arith.index_cast %add3A_513 : i32 to index
      %swap3A_540 = arith.constant 80 : index
      %swap3A_541 = tpu.vector_load %arg12[%swap3A_539, %swap3A_540] {strides = array<i32>} : memref<128x112xf32, #tpu.memory_space<vmem>>, vector<1x16xf32>,
      %swap3A_542 = vector.shape_cast %swap3A_541 : vector<1x16xf32> to vector<16xf32>
      %swap3A_543 = vector.shape_cast %scan3A_508#5 : vector<16xf32> to vector<1x16xf32>
      tpu.vector_store %arg12[%swap3A_539, %swap3A_540], %swap3A_543 {strides = array<i32>} : memref<128x112xf32, #tpu.memory_space<vmem>>, vector<1x16xf32>,
      %swap3A_544 = arith.index_cast %add3A_513 : i32 to index
      %swap3A_545 = arith.constant 96 : index
      %swap3A_546 = tpu.vector_load %arg12[%swap3A_544, %swap3A_545] {strides = array<i32>} : memref<128x112xf32, #tpu.memory_space<vmem>>, vector<1x16xf32>,
      %swap3A_547 = vector.shape_cast %swap3A_546 : vector<1x16xf32> to vector<16xf32>
      %swap3A_548 = vector.shape_cast %scan3A_508#6 : vector<16xf32> to vector<1x16xf32>
      tpu.vector_store %arg12[%swap3A_544, %swap3A_545], %swap3A_548 {strides = array<i32>} : memref<128x112xf32, #tpu.memory_space<vmem>>, vector<1x16xf32>,
      %broadcast_in_dim3A_549 = arith.constant 0xFF800000 : f32
      %broadcast_in_dim3A_550 = vector.broadcast %broadcast_in_dim3A_549 : f32 to vector<16xf32>
      %broadcast_in_dim3A_551 = arith.constant 0xFF800000 : f32
      %broadcast_in_dim3A_552 = vector.broadcast %broadcast_in_dim3A_551 : f32 to vector<16xf32>
      %broadcast_in_dim3A_553 = arith.constant 0xFF800000 : f32
      %broadcast_in_dim3A_554 = vector.broadcast %broadcast_in_dim3A_553 : f32 to vector<16xf32>
      %broadcast_in_dim3A_555 = arith.constant 0xFF800000 : f32
      %broadcast_in_dim3A_556 = vector.broadcast %broadcast_in_dim3A_555 : f32 to vector<16xf32>
      %broadcast_in_dim3A_557 = arith.constant 0xFF800000 : f32
      %broadcast_in_dim3A_558 = vector.broadcast %broadcast_in_dim3A_557 : f32 to vector<16xf32>
      %broadcast_in_dim3A_559 = arith.constant 0xFF800000 : f32
      %broadcast_in_dim3A_560 = vector.broadcast %broadcast_in_dim3A_559 : f32 to vector<16xf32>
      %broadcast_in_dim3A_561 = arith.constant 0xFF800000 : f32
      %broadcast_in_dim3A_562 = vector.broadcast %broadcast_in_dim3A_561 : f32 to vector<16xf32>
    }
    %scan3A_52 = arith.constant 42 : i32
    %broadcast_in_dim3A = arith.constant 0xFF800000 : f32
    %broadcast_in_dim3A_53 = vector.broadcast %broadcast_in_dim3A : f32 to vector<16xf32>
    %broadcast_in_dim3A_54 = arith.constant 0xFF800000 : f32
    %broadcast_in_dim3A_55 = vector.broadcast %broadcast_in_dim3A_54 : f32 to vector<16xf32>
    %broadcast_in_dim3A_56 = arith.constant 0xFF800000 : f32
    %broadcast_in_dim3A_57 = vector.broadcast %broadcast_in_dim3A_56 : f32 to vector<16xf32>
    %broadcast_in_dim3A_58 = arith.constant 0xFF800000 : f32
    %broadcast_in_dim3A_59 = vector.broadcast %broadcast_in_dim3A_58 : f32 to vector<16xf32>
    %broadcast_in_dim3A_60 = arith.constant 0xFF800000 : f32
    %broadcast_in_dim3A_61 = vector.broadcast %broadcast_in_dim3A_60 : f32 to vector<16xf32>
    %broadcast_in_dim3A_62 = arith.constant 0xFF800000 : f32
    %broadcast_in_dim3A_63 = vector.broadcast %broadcast_in_dim3A_62 : f32 to vector<16xf32>
    %broadcast_in_dim3A_64 = arith.constant 0xFF800000 : f32
    %broadcast_in_dim3A_65 = vector.broadcast %broadcast_in_dim3A_64 : f32 to vector<16xf32>
    %dma_wait3A = arith.constant 0 : i32
    %dma_wait3A_66 = arith.constant 0 : i32
    %dma_wait3A_67 = tpu.memref_slice %arg5[%dma_wait3A, %dma_wait3A_66] : memref<256x100xi32, #tpu.memory_space<vmem>> -> memref<1x100xi32, #tpu.memory_space<vmem>>
    %dma_wait3A_68 = tpu.memref_squeeze %dma_wait3A_67 : memref<1x100xi32, #tpu.memory_space<vmem>> -> memref<100xi32, #tpu.memory_space<vmem>>
    %dma_wait3A_69 = arith.constant 0 : i32
    %dma_wait3A_70 = arith.constant 0 : i32
    %dma_wait3A_71 = tpu.memref_slice %arg3[%dma_wait3A_69, %dma_wait3A_70] : memref<100000x128xf32, #tpu.memory_space<hbm>> -> memref<100000x128xf32, #tpu.memory_space<hbm>>
    tpu.wait_indirect_dma semaphore(%arg13 : memref<!tpu.dma_semaphore, #tpu.memory_space<semaphore_mem>>) src(%dma_wait3A_71 : memref<100000x128xf32, #tpu.memory_space<hbm>>) dst(%arg6 : memref<100x128xf32, #tpu.memory_space<vmem>>)
    %scan3A_72 = arith.constant 0 : i32
    %scan3A_73 = arith.constant 25 : i32
    %scan3A_74 = arith.addi %scan3A_72, %scan3A_73 : i32
    %scan3A_75 = arith.constant 1 : i32
    %scan3A_76:7 = scf.for %scan3A_237 = %scan3A_72 to %scan3A_74 step %scan3A_75 iter_args(%scan3A_238 = %broadcast_in_dim3A_53, %scan3A_239 = %broadcast_in_dim3A_55, %scan3A_240 = %broadcast_in_dim3A_57, %scan3A_241 = %broadcast_in_dim3A_59, %scan3A_242 = %broadcast_in_dim3A_61, %scan3A_243 = %broadcast_in_dim3A_63, %scan3A_244 = %broadcast_in_dim3A_65) -> (vector<16xf32>, vector<16xf32>, vector<16xf32>, vector<16xf32>, vector<16xf32>, vector<16xf32>, vector<16xf32>)  : i32 {
      %mul3A_245 = arith.constant 4 : i32
      %mul3A_246 = arith.muli %mul3A_245, %scan3A_237 : i32
      %add3A_247 = arith.constant 0 : i32
      %add3A_248 = arith.addi %mul3A_246, %add3A_247 : i32
      %get3A = arith.index_cast %add3A_248 : i32 to index
      %get3A_249 = arith.constant 0 : index
      %get3A_250 = tpu.vector_load %arg6[%get3A, %get3A_249] {strides = array<i32>} : memref<100x128xf32, #tpu.memory_space<vmem>>, vector<1x16xf32>,
      %get3A_251 = vector.shape_cast %get3A_250 : vector<1x16xf32> to vector<16xf32>
      %max3A = arith.maximumf %scan3A_238, %get3A_251 : vector<16xf32>
      %add3A_252 = arith.constant 0 : i32
      %add3A_253 = arith.addi %mul3A_246, %add3A_252 : i32
      %get3A_254 = arith.index_cast %add3A_253 : i32 to index
      %get3A_255 = arith.constant 16 : index
      %get3A_256 = tpu.vector_load %arg6[%get3A_254, %get3A_255] {strides = array<i32>} : memref<100x128xf32, #tpu.memory_space<vmem>>, vector<1x16xf32>,
      %get3A_257 = vector.shape_cast %get3A_256 : vector<1x16xf32> to vector<16xf32>
      %max3A_258 = arith.maximumf %scan3A_239, %get3A_257 : vector<16xf32>
      %add3A_259 = arith.constant 0 : i32
      %add3A_260 = arith.addi %mul3A_246, %add3A_259 : i32
      %get3A_261 = arith.index_cast %add3A_260 : i32 to index
      %get3A_262 = arith.constant 32 : index
      %get3A_263 = tpu.vector_load %arg6[%get3A_261, %get3A_262] {strides = array<i32>} : memref<100x128xf32, #tpu.memory_space<vmem>>, vector<1x16xf32>,
      %get3A_264 = vector.shape_cast %get3A_263 : vector<1x16xf32> to vector<16xf32>
      %max3A_265 = arith.maximumf %scan3A_240, %get3A_264 : vector<16xf32>
      %add3A_266 = arith.constant 0 : i32
      %add3A_267 = arith.addi %mul3A_246, %add3A_266 : i32
      %get3A_268 = arith.index_cast %add3A_267 : i32 to index
      %get3A_269 = arith.constant 48 : index
      %get3A_270 = tpu.vector_load %arg6[%get3A_268, %get3A_269] {strides = array<i32>} : memref<100x128xf32, #tpu.memory_space<vmem>>, vector<1x16xf32>,
      %get3A_271 = vector.shape_cast %get3A_270 : vector<1x16xf32> to vector<16xf32>
      %max3A_272 = arith.maximumf %scan3A_241, %get3A_271 : vector<16xf32>
      %add3A_273 = arith.constant 0 : i32
      %add3A_274 = arith.addi %mul3A_246, %add3A_273 : i32
      %get3A_275 = arith.index_cast %add3A_274 : i32 to index
      %get3A_276 = arith.constant 64 : index
      %get3A_277 = tpu.vector_load %arg6[%get3A_275, %get3A_276] {strides = array<i32>} : memref<100x128xf32, #tpu.memory_space<vmem>>, vector<1x16xf32>,
      %get3A_278 = vector.shape_cast %get3A_277 : vector<1x16xf32> to vector<16xf32>
      %max3A_279 = arith.maximumf %scan3A_242, %get3A_278 : vector<16xf32>
      %add3A_280 = arith.constant 0 : i32
      %add3A_281 = arith.addi %mul3A_246, %add3A_280 : i32
      %get3A_282 = arith.index_cast %add3A_281 : i32 to index
      %get3A_283 = arith.constant 80 : index
      %get3A_284 = tpu.vector_load %arg6[%get3A_282, %get3A_283] {strides = array<i32>} : memref<100x128xf32, #tpu.memory_space<vmem>>, vector<1x16xf32>,
      %get3A_285 = vector.shape_cast %get3A_284 : vector<1x16xf32> to vector<16xf32>
      %max3A_286 = arith.maximumf %scan3A_243, %get3A_285 : vector<16xf32>
      %add3A_287 = arith.constant 0 : i32
      %add3A_288 = arith.addi %mul3A_246, %add3A_287 : i32
      %get3A_289 = arith.index_cast %add3A_288 : i32 to index
      %get3A_290 = arith.constant 96 : index
      %get3A_291 = tpu.vector_load %arg6[%get3A_289, %get3A_290] {strides = array<i32>} : memref<100x128xf32, #tpu.memory_space<vmem>>, vector<1x16xf32>,
      %get3A_292 = vector.shape_cast %get3A_291 : vector<1x16xf32> to vector<16xf32>
      %max3A_293 = arith.maximumf %scan3A_244, %get3A_292 : vector<16xf32>
      %add3A_294 = arith.constant 1 : i32
      %add3A_295 = arith.addi %mul3A_246, %add3A_294 : i32
      %get3A_296 = arith.index_cast %add3A_295 : i32 to index
      %get3A_297 = arith.constant 0 : index
      %get3A_298 = tpu.vector_load %arg6[%get3A_296, %get3A_297] {strides = array<i32>} : memref<100x128xf32, #tpu.memory_space<vmem>>, vector<1x16xf32>,
      %get3A_299 = vector.shape_cast %get3A_298 : vector<1x16xf32> to vector<16xf32>
      %max3A_300 = arith.maximumf %max3A, %get3A_299 : vector<16xf32>
      %add3A_301 = arith.constant 1 : i32
      %add3A_302 = arith.addi %mul3A_246, %add3A_301 : i32
      %get3A_303 = arith.index_cast %add3A_302 : i32 to index
      %get3A_304 = arith.constant 16 : index
      %get3A_305 = tpu.vector_load %arg6[%get3A_303, %get3A_304] {strides = array<i32>} : memref<100x128xf32, #tpu.memory_space<vmem>>, vector<1x16xf32>,
      %get3A_306 = vector.shape_cast %get3A_305 : vector<1x16xf32> to vector<16xf32>
      %max3A_307 = arith.maximumf %max3A_258, %get3A_306 : vector<16xf32>
      %add3A_308 = arith.constant 1 : i32
      %add3A_309 = arith.addi %mul3A_246, %add3A_308 : i32
      %get3A_310 = arith.index_cast %add3A_309 : i32 to index
      %get3A_311 = arith.constant 32 : index
      %get3A_312 = tpu.vector_load %arg6[%get3A_310, %get3A_311] {strides = array<i32>} : memref<100x128xf32, #tpu.memory_space<vmem>>, vector<1x16xf32>,
      %get3A_313 = vector.shape_cast %get3A_312 : vector<1x16xf32> to vector<16xf32>
      %max3A_314 = arith.maximumf %max3A_265, %get3A_313 : vector<16xf32>
      %add3A_315 = arith.constant 1 : i32
      %add3A_316 = arith.addi %mul3A_246, %add3A_315 : i32
      %get3A_317 = arith.index_cast %add3A_316 : i32 to index
      %get3A_318 = arith.constant 48 : index
      %get3A_319 = tpu.vector_load %arg6[%get3A_317, %get3A_318] {strides = array<i32>} : memref<100x128xf32, #tpu.memory_space<vmem>>, vector<1x16xf32>,
      %get3A_320 = vector.shape_cast %get3A_319 : vector<1x16xf32> to vector<16xf32>
      %max3A_321 = arith.maximumf %max3A_272, %get3A_320 : vector<16xf32>
      %add3A_322 = arith.constant 1 : i32
      %add3A_323 = arith.addi %mul3A_246, %add3A_322 : i32
      %get3A_324 = arith.index_cast %add3A_323 : i32 to index
      %get3A_325 = arith.constant 64 : index
      %get3A_326 = tpu.vector_load %arg6[%get3A_324, %get3A_325] {strides = array<i32>} : memref<100x128xf32, #tpu.memory_space<vmem>>, vector<1x16xf32>,
      %get3A_327 = vector.shape_cast %get3A_326 : vector<1x16xf32> to vector<16xf32>
      %max3A_328 = arith.maximumf %max3A_279, %get3A_327 : vector<16xf32>
      %add3A_329 = arith.constant 1 : i32
      %add3A_330 = arith.addi %mul3A_246, %add3A_329 : i32
      %get3A_331 = arith.index_cast %add3A_330 : i32 to index
      %get3A_332 = arith.constant 80 : index
      %get3A_333 = tpu.vector_load %arg6[%get3A_331, %get3A_332] {strides = array<i32>} : memref<100x128xf32, #tpu.memory_space<vmem>>, vector<1x16xf32>,
      %get3A_334 = vector.shape_cast %get3A_333 : vector<1x16xf32> to vector<16xf32>
      %max3A_335 = arith.maximumf %max3A_286, %get3A_334 : vector<16xf32>
      %add3A_336 = arith.constant 1 : i32
      %add3A_337 = arith.addi %mul3A_246, %add3A_336 : i32
      %get3A_338 = arith.index_cast %add3A_337 : i32 to index
      %get3A_339 = arith.constant 96 : index
      %get3A_340 = tpu.vector_load %arg6[%get3A_338, %get3A_339] {strides = array<i32>} : memref<100x128xf32, #tpu.memory_space<vmem>>, vector<1x16xf32>,
      %get3A_341 = vector.shape_cast %get3A_340 : vector<1x16xf32> to vector<16xf32>
      %max3A_342 = arith.maximumf %max3A_293, %get3A_341 : vector<16xf32>
      %add3A_343 = arith.constant 2 : i32
      %add3A_344 = arith.addi %mul3A_246, %add3A_343 : i32
      %get3A_345 = arith.index_cast %add3A_344 : i32 to index
      %get3A_346 = arith.constant 0 : index
      %get3A_347 = tpu.vector_load %arg6[%get3A_345, %get3A_346] {strides = array<i32>} : memref<100x128xf32, #tpu.memory_space<vmem>>, vector<1x16xf32>,
      %get3A_348 = vector.shape_cast %get3A_347 : vector<1x16xf32> to vector<16xf32>
      %max3A_349 = arith.maximumf %max3A_300, %get3A_348 : vector<16xf32>
      %add3A_350 = arith.constant 2 : i32
      %add3A_351 = arith.addi %mul3A_246, %add3A_350 : i32
      %get3A_352 = arith.index_cast %add3A_351 : i32 to index
      %get3A_353 = arith.constant 16 : index
      %get3A_354 = tpu.vector_load %arg6[%get3A_352, %get3A_353] {strides = array<i32>} : memref<100x128xf32, #tpu.memory_space<vmem>>, vector<1x16xf32>,
      %get3A_355 = vector.shape_cast %get3A_354 : vector<1x16xf32> to vector<16xf32>
      %max3A_356 = arith.maximumf %max3A_307, %get3A_355 : vector<16xf32>
      %add3A_357 = arith.constant 2 : i32
      %add3A_358 = arith.addi %mul3A_246, %add3A_357 : i32
      %get3A_359 = arith.index_cast %add3A_358 : i32 to index
      %get3A_360 = arith.constant 32 : index
      %get3A_361 = tpu.vector_load %arg6[%get3A_359, %get3A_360] {strides = array<i32>} : memref<100x128xf32, #tpu.memory_space<vmem>>, vector<1x16xf32>,
      %get3A_362 = vector.shape_cast %get3A_361 : vector<1x16xf32> to vector<16xf32>
      %max3A_363 = arith.maximumf %max3A_314, %get3A_362 : vector<16xf32>
      %add3A_364 = arith.constant 2 : i32
      %add3A_365 = arith.addi %mul3A_246, %add3A_364 : i32
      %get3A_366 = arith.index_cast %add3A_365 : i32 to index
      %get3A_367 = arith.constant 48 : index
      %get3A_368 = tpu.vector_load %arg6[%get3A_366, %get3A_367] {strides = array<i32>} : memref<100x128xf32, #tpu.memory_space<vmem>>, vector<1x16xf32>,
      %get3A_369 = vector.shape_cast %get3A_368 : vector<1x16xf32> to vector<16xf32>
      %max3A_370 = arith.maximumf %max3A_321, %get3A_369 : vector<16xf32>
      %add3A_371 = arith.constant 2 : i32
      %add3A_372 = arith.addi %mul3A_246, %add3A_371 : i32
      %get3A_373 = arith.index_cast %add3A_372 : i32 to index
      %get3A_374 = arith.constant 64 : index
      %get3A_375 = tpu.vector_load %arg6[%get3A_373, %get3A_374] {strides = array<i32>} : memref<100x128xf32, #tpu.memory_space<vmem>>, vector<1x16xf32>,
      %get3A_376 = vector.shape_cast %get3A_375 : vector<1x16xf32> to vector<16xf32>
      %max3A_377 = arith.maximumf %max3A_328, %get3A_376 : vector<16xf32>
      %add3A_378 = arith.constant 2 : i32
      %add3A_379 = arith.addi %mul3A_246, %add3A_378 : i32
      %get3A_380 = arith.index_cast %add3A_379 : i32 to index
      %get3A_381 = arith.constant 80 : index
      %get3A_382 = tpu.vector_load %arg6[%get3A_380, %get3A_381] {strides = array<i32>} : memref<100x128xf32, #tpu.memory_space<vmem>>, vector<1x16xf32>,
      %get3A_383 = vector.shape_cast %get3A_382 : vector<1x16xf32> to vector<16xf32>
      %max3A_384 = arith.maximumf %max3A_335, %get3A_383 : vector<16xf32>
      %add3A_385 = arith.constant 2 : i32
      %add3A_386 = arith.addi %mul3A_246, %add3A_385 : i32
      %get3A_387 = arith.index_cast %add3A_386 : i32 to index
      %get3A_388 = arith.constant 96 : index
      %get3A_389 = tpu.vector_load %arg6[%get3A_387, %get3A_388] {strides = array<i32>} : memref<100x128xf32, #tpu.memory_space<vmem>>, vector<1x16xf32>,
      %get3A_390 = vector.shape_cast %get3A_389 : vector<1x16xf32> to vector<16xf32>
      %max3A_391 = arith.maximumf %max3A_342, %get3A_390 : vector<16xf32>
      %add3A_392 = arith.constant 3 : i32
      %add3A_393 = arith.addi %mul3A_246, %add3A_392 : i32
      %get3A_394 = arith.index_cast %add3A_393 : i32 to index
      %get3A_395 = arith.constant 0 : index
      %get3A_396 = tpu.vector_load %arg6[%get3A_394, %get3A_395] {strides = array<i32>} : memref<100x128xf32, #tpu.memory_space<vmem>>, vector<1x16xf32>,
      %get3A_397 = vector.shape_cast %get3A_396 : vector<1x16xf32> to vector<16xf32>
      %max3A_398 = arith.maximumf %max3A_349, %get3A_397 : vector<16xf32>
      %add3A_399 = arith.constant 3 : i32
      %add3A_400 = arith.addi %mul3A_246, %add3A_399 : i32
      %get3A_401 = arith.index_cast %add3A_400 : i32 to index
      %get3A_402 = arith.constant 16 : index
      %get3A_403 = tpu.vector_load %arg6[%get3A_401, %get3A_402] {strides = array<i32>} : memref<100x128xf32, #tpu.memory_space<vmem>>, vector<1x16xf32>,
      %get3A_404 = vector.shape_cast %get3A_403 : vector<1x16xf32> to vector<16xf32>
      %max3A_405 = arith.maximumf %max3A_356, %get3A_404 : vector<16xf32>
      %add3A_406 = arith.constant 3 : i32
      %add3A_407 = arith.addi %mul3A_246, %add3A_406 : i32
      %get3A_408 = arith.index_cast %add3A_407 : i32 to index
      %get3A_409 = arith.constant 32 : index
      %get3A_410 = tpu.vector_load %arg6[%get3A_408, %get3A_409] {strides = array<i32>} : memref<100x128xf32, #tpu.memory_space<vmem>>, vector<1x16xf32>,
      %get3A_411 = vector.shape_cast %get3A_410 : vector<1x16xf32> to vector<16xf32>
      %max3A_412 = arith.maximumf %max3A_363, %get3A_411 : vector<16xf32>
      %add3A_413 = arith.constant 3 : i32
      %add3A_414 = arith.addi %mul3A_246, %add3A_413 : i32
      %get3A_415 = arith.index_cast %add3A_414 : i32 to index
      %get3A_416 = arith.constant 48 : index
      %get3A_417 = tpu.vector_load %arg6[%get3A_415, %get3A_416] {strides = array<i32>} : memref<100x128xf32, #tpu.memory_space<vmem>>, vector<1x16xf32>,
      %get3A_418 = vector.shape_cast %get3A_417 : vector<1x16xf32> to vector<16xf32>
      %max3A_419 = arith.maximumf %max3A_370, %get3A_418 : vector<16xf32>
      %add3A_420 = arith.constant 3 : i32
      %add3A_421 = arith.addi %mul3A_246, %add3A_420 : i32
      %get3A_422 = arith.index_cast %add3A_421 : i32 to index
      %get3A_423 = arith.constant 64 : index
      %get3A_424 = tpu.vector_load %arg6[%get3A_422, %get3A_423] {strides = array<i32>} : memref<100x128xf32, #tpu.memory_space<vmem>>, vector<1x16xf32>,
      %get3A_425 = vector.shape_cast %get3A_424 : vector<1x16xf32> to vector<16xf32>
      %max3A_426 = arith.maximumf %max3A_377, %get3A_425 : vector<16xf32>
      %add3A_427 = arith.constant 3 : i32
      %add3A_428 = arith.addi %mul3A_246, %add3A_427 : i32
      %get3A_429 = arith.index_cast %add3A_428 : i32 to index
      %get3A_430 = arith.constant 80 : index
      %get3A_431 = tpu.vector_load %arg6[%get3A_429, %get3A_430] {strides = array<i32>} : memref<100x128xf32, #tpu.memory_space<vmem>>, vector<1x16xf32>,
      %get3A_432 = vector.shape_cast %get3A_431 : vector<1x16xf32> to vector<16xf32>
      %max3A_433 = arith.maximumf %max3A_384, %get3A_432 : vector<16xf32>
      %add3A_434 = arith.constant 3 : i32
      %add3A_435 = arith.addi %mul3A_246, %add3A_434 : i32
      %get3A_436 = arith.index_cast %add3A_435 : i32 to index
      %get3A_437 = arith.constant 96 : index
      %get3A_438 = tpu.vector_load %arg6[%get3A_436, %get3A_437] {strides = array<i32>} : memref<100x128xf32, #tpu.memory_space<vmem>>, vector<1x16xf32>,
      %get3A_439 = vector.shape_cast %get3A_438 : vector<1x16xf32> to vector<16xf32>
      %max3A_440 = arith.maximumf %max3A_391, %get3A_439 : vector<16xf32>
      scf.yield %max3A_398, %max3A_405, %max3A_412, %max3A_419, %max3A_426, %max3A_433, %max3A_440 : vector<16xf32>, vector<16xf32>, vector<16xf32>, vector<16xf32>, vector<16xf32>, vector<16xf32>, vector<16xf32>
    }
    %scan3A_77 = arith.constant 25 : i32
    %dma_wait3A_78 = arith.constant 0 : i32
    %dma_wait3A_79 = arith.constant 0 : i32
    %dma_wait3A_80 = tpu.memref_slice %arg5[%dma_wait3A_78, %dma_wait3A_79] : memref<256x100xi32, #tpu.memory_space<vmem>> -> memref<1x100xi32, #tpu.memory_space<vmem>>
    %dma_wait3A_81 = tpu.memref_squeeze %dma_wait3A_80 : memref<1x100xi32, #tpu.memory_space<vmem>> -> memref<100xi32, #tpu.memory_space<vmem>>
    %dma_wait3A_82 = arith.constant 0 : i32
    %dma_wait3A_83 = arith.constant 0 : i32
    %dma_wait3A_84 = tpu.memref_slice %arg3[%dma_wait3A_82, %dma_wait3A_83] : memref<100000x128xf32, #tpu.memory_space<hbm>> -> memref<100000x128xf32, #tpu.memory_space<hbm>>
    tpu.wait_indirect_dma semaphore(%arg14 : memref<!tpu.dma_semaphore, #tpu.memory_space<semaphore_mem>>) src(%dma_wait3A_84 : memref<100000x128xf32, #tpu.memory_space<hbm>>) dst(%arg7 : memref<100x128xf32, #tpu.memory_space<vmem>>)
    %scan3A_85 = arith.constant 0 : i32
    %scan3A_86 = arith.constant 25 : i32
    %scan3A_87 = arith.addi %scan3A_85, %scan3A_86 : i32
    %scan3A_88 = arith.constant 1 : i32
    %scan3A_89:7 = scf.for %scan3A_237 = %scan3A_85 to %scan3A_87 step %scan3A_88 iter_args(%scan3A_238 = %scan3A_76#0, %scan3A_239 = %scan3A_76#1, %scan3A_240 = %scan3A_76#2, %scan3A_241 = %scan3A_76#3, %scan3A_242 = %scan3A_76#4, %scan3A_243 = %scan3A_76#5, %scan3A_244 = %scan3A_76#6) -> (vector<16xf32>, vector<16xf32>, vector<16xf32>, vector<16xf32>, vector<16xf32>, vector<16xf32>, vector<16xf32>)  : i32 {
      %mul3A_245 = arith.constant 4 : i32
      %mul3A_246 = arith.muli %mul3A_245, %scan3A_237 : i32
      %add3A_247 = arith.constant 0 : i32
      %add3A_248 = arith.addi %mul3A_246, %add3A_247 : i32
      %get3A = arith.index_cast %add3A_248 : i32 to index
      %get3A_249 = arith.constant 0 : index
      %get3A_250 = tpu.vector_load %arg7[%get3A, %get3A_249] {strides = array<i32>} : memref<100x128xf32, #tpu.memory_space<vmem>>, vector<1x16xf32>,
      %get3A_251 = vector.shape_cast %get3A_250 : vector<1x16xf32> to vector<16xf32>
      %max3A = arith.maximumf %scan3A_238, %get3A_251 : vector<16xf32>
      %add3A_252 = arith.constant 0 : i32
      %add3A_253 = arith.addi %mul3A_246, %add3A_252 : i32
      %get3A_254 = arith.index_cast %add3A_253 : i32 to index
      %get3A_255 = arith.constant 16 : index
      %get3A_256 = tpu.vector_load %arg7[%get3A_254, %get3A_255] {strides = array<i32>} : memref<100x128xf32, #tpu.memory_space<vmem>>, vector<1x16xf32>,
      %get3A_257 = vector.shape_cast %get3A_256 : vector<1x16xf32> to vector<16xf32>
      %max3A_258 = arith.maximumf %scan3A_239, %get3A_257 : vector<16xf32>
      %add3A_259 = arith.constant 0 : i32
      %add3A_260 = arith.addi %mul3A_246, %add3A_259 : i32
      %get3A_261 = arith.index_cast %add3A_260 : i32 to index
      %get3A_262 = arith.constant 32 : index
      %get3A_263 = tpu.vector_load %arg7[%get3A_261, %get3A_262] {strides = array<i32>} : memref<100x128xf32, #tpu.memory_space<vmem>>, vector<1x16xf32>,
      %get3A_264 = vector.shape_cast %get3A_263 : vector<1x16xf32> to vector<16xf32>
      %max3A_265 = arith.maximumf %scan3A_240, %get3A_264 : vector<16xf32>
      %add3A_266 = arith.constant 0 : i32
      %add3A_267 = arith.addi %mul3A_246, %add3A_266 : i32
      %get3A_268 = arith.index_cast %add3A_267 : i32 to index
      %get3A_269 = arith.constant 48 : index
      %get3A_270 = tpu.vector_load %arg7[%get3A_268, %get3A_269] {strides = array<i32>} : memref<100x128xf32, #tpu.memory_space<vmem>>, vector<1x16xf32>,
      %get3A_271 = vector.shape_cast %get3A_270 : vector<1x16xf32> to vector<16xf32>
      %max3A_272 = arith.maximumf %scan3A_241, %get3A_271 : vector<16xf32>
      %add3A_273 = arith.constant 0 : i32
      %add3A_274 = arith.addi %mul3A_246, %add3A_273 : i32
      %get3A_275 = arith.index_cast %add3A_274 : i32 to index
      %get3A_276 = arith.constant 64 : index
      %get3A_277 = tpu.vector_load %arg7[%get3A_275, %get3A_276] {strides = array<i32>} : memref<100x128xf32, #tpu.memory_space<vmem>>, vector<1x16xf32>,
      %get3A_278 = vector.shape_cast %get3A_277 : vector<1x16xf32> to vector<16xf32>
      %max3A_279 = arith.maximumf %scan3A_242, %get3A_278 : vector<16xf32>
      %add3A_280 = arith.constant 0 : i32
      %add3A_281 = arith.addi %mul3A_246, %add3A_280 : i32
      %get3A_282 = arith.index_cast %add3A_281 : i32 to index
      %get3A_283 = arith.constant 80 : index
      %get3A_284 = tpu.vector_load %arg7[%get3A_282, %get3A_283] {strides = array<i32>} : memref<100x128xf32, #tpu.memory_space<vmem>>, vector<1x16xf32>,
      %get3A_285 = vector.shape_cast %get3A_284 : vector<1x16xf32> to vector<16xf32>
      %max3A_286 = arith.maximumf %scan3A_243, %get3A_285 : vector<16xf32>
      %add3A_287 = arith.constant 0 : i32
      %add3A_288 = arith.addi %mul3A_246, %add3A_287 : i32
      %get3A_289 = arith.index_cast %add3A_288 : i32 to index
      %get3A_290 = arith.constant 96 : index
      %get3A_291 = tpu.vector_load %arg7[%get3A_289, %get3A_290] {strides = array<i32>} : memref<100x128xf32, #tpu.memory_space<vmem>>, vector<1x16xf32>,
      %get3A_292 = vector.shape_cast %get3A_291 : vector<1x16xf32> to vector<16xf32>
      %max3A_293 = arith.maximumf %scan3A_244, %get3A_292 : vector<16xf32>
      %add3A_294 = arith.constant 1 : i32
      %add3A_295 = arith.addi %mul3A_246, %add3A_294 : i32
      %get3A_296 = arith.index_cast %add3A_295 : i32 to index
      %get3A_297 = arith.constant 0 : index
      %get3A_298 = tpu.vector_load %arg7[%get3A_296, %get3A_297] {strides = array<i32>} : memref<100x128xf32, #tpu.memory_space<vmem>>, vector<1x16xf32>,
      %get3A_299 = vector.shape_cast %get3A_298 : vector<1x16xf32> to vector<16xf32>
      %max3A_300 = arith.maximumf %max3A, %get3A_299 : vector<16xf32>
      %add3A_301 = arith.constant 1 : i32
      %add3A_302 = arith.addi %mul3A_246, %add3A_301 : i32
      %get3A_303 = arith.index_cast %add3A_302 : i32 to index
      %get3A_304 = arith.constant 16 : index
      %get3A_305 = tpu.vector_load %arg7[%get3A_303, %get3A_304] {strides = array<i32>} : memref<100x128xf32, #tpu.memory_space<vmem>>, vector<1x16xf32>,
      %get3A_306 = vector.shape_cast %get3A_305 : vector<1x16xf32> to vector<16xf32>
      %max3A_307 = arith.maximumf %max3A_258, %get3A_306 : vector<16xf32>
      %add3A_308 = arith.constant 1 : i32
      %add3A_309 = arith.addi %mul3A_246, %add3A_308 : i32
      %get3A_310 = arith.index_cast %add3A_309 : i32 to index
      %get3A_311 = arith.constant 32 : index
      %get3A_312 = tpu.vector_load %arg7[%get3A_310, %get3A_311] {strides = array<i32>} : memref<100x128xf32, #tpu.memory_space<vmem>>, vector<1x16xf32>,
      %get3A_313 = vector.shape_cast %get3A_312 : vector<1x16xf32> to vector<16xf32>
      %max3A_314 = arith.maximumf %max3A_265, %get3A_313 : vector<16xf32>
      %add3A_315 = arith.constant 1 : i32
      %add3A_316 = arith.addi %mul3A_246, %add3A_315 : i32
      %get3A_317 = arith.index_cast %add3A_316 : i32 to index
      %get3A_318 = arith.constant 48 : index
      %get3A_319 = tpu.vector_load %arg7[%get3A_317, %get3A_318] {strides = array<i32>} : memref<100x128xf32, #tpu.memory_space<vmem>>, vector<1x16xf32>,
      %get3A_320 = vector.shape_cast %get3A_319 : vector<1x16xf32> to vector<16xf32>
      %max3A_321 = arith.maximumf %max3A_272, %get3A_320 : vector<16xf32>
      %add3A_322 = arith.constant 1 : i32
      %add3A_323 = arith.addi %mul3A_246, %add3A_322 : i32
      %get3A_324 = arith.index_cast %add3A_323 : i32 to index
      %get3A_325 = arith.constant 64 : index
      %get3A_326 = tpu.vector_load %arg7[%get3A_324, %get3A_325] {strides = array<i32>} : memref<100x128xf32, #tpu.memory_space<vmem>>, vector<1x16xf32>,
      %get3A_327 = vector.shape_cast %get3A_326 : vector<1x16xf32> to vector<16xf32>
      %max3A_328 = arith.maximumf %max3A_279, %get3A_327 : vector<16xf32>
      %add3A_329 = arith.constant 1 : i32
      %add3A_330 = arith.addi %mul3A_246, %add3A_329 : i32
      %get3A_331 = arith.index_cast %add3A_330 : i32 to index
      %get3A_332 = arith.constant 80 : index
      %get3A_333 = tpu.vector_load %arg7[%get3A_331, %get3A_332] {strides = array<i32>} : memref<100x128xf32, #tpu.memory_space<vmem>>, vector<1x16xf32>,
      %get3A_334 = vector.shape_cast %get3A_333 : vector<1x16xf32> to vector<16xf32>
      %max3A_335 = arith.maximumf %max3A_286, %get3A_334 : vector<16xf32>
      %add3A_336 = arith.constant 1 : i32
      %add3A_337 = arith.addi %mul3A_246, %add3A_336 : i32
      %get3A_338 = arith.index_cast %add3A_337 : i32 to index
      %get3A_339 = arith.constant 96 : index
      %get3A_340 = tpu.vector_load %arg7[%get3A_338, %get3A_339] {strides = array<i32>} : memref<100x128xf32, #tpu.memory_space<vmem>>, vector<1x16xf32>,
      %get3A_341 = vector.shape_cast %get3A_340 : vector<1x16xf32> to vector<16xf32>
      %max3A_342 = arith.maximumf %max3A_293, %get3A_341 : vector<16xf32>
      %add3A_343 = arith.constant 2 : i32
      %add3A_344 = arith.addi %mul3A_246, %add3A_343 : i32
      %get3A_345 = arith.index_cast %add3A_344 : i32 to index
      %get3A_346 = arith.constant 0 : index
      %get3A_347 = tpu.vector_load %arg7[%get3A_345, %get3A_346] {strides = array<i32>} : memref<100x128xf32, #tpu.memory_space<vmem>>, vector<1x16xf32>,
      %get3A_348 = vector.shape_cast %get3A_347 : vector<1x16xf32> to vector<16xf32>
      %max3A_349 = arith.maximumf %max3A_300, %get3A_348 : vector<16xf32>
      %add3A_350 = arith.constant 2 : i32
      %add3A_351 = arith.addi %mul3A_246, %add3A_350 : i32
      %get3A_352 = arith.index_cast %add3A_351 : i32 to index
      %get3A_353 = arith.constant 16 : index
      %get3A_354 = tpu.vector_load %arg7[%get3A_352, %get3A_353] {strides = array<i32>} : memref<100x128xf32, #tpu.memory_space<vmem>>, vector<1x16xf32>,
      %get3A_355 = vector.shape_cast %get3A_354 : vector<1x16xf32> to vector<16xf32>
      %max3A_356 = arith.maximumf %max3A_307, %get3A_355 : vector<16xf32>
      %add3A_357 = arith.constant 2 : i32
      %add3A_358 = arith.addi %mul3A_246, %add3A_357 : i32
      %get3A_359 = arith.index_cast %add3A_358 : i32 to index
      %get3A_360 = arith.constant 32 : index
      %get3A_361 = tpu.vector_load %arg7[%get3A_359, %get3A_360] {strides = array<i32>} : memref<100x128xf32, #tpu.memory_space<vmem>>, vector<1x16xf32>,
      %get3A_362 = vector.shape_cast %get3A_361 : vector<1x16xf32> to vector<16xf32>
      %max3A_363 = arith.maximumf %max3A_314, %get3A_362 : vector<16xf32>
      %add3A_364 = arith.constant 2 : i32
      %add3A_365 = arith.addi %mul3A_246, %add3A_364 : i32
      %get3A_366 = arith.index_cast %add3A_365 : i32 to index
      %get3A_367 = arith.constant 48 : index
      %get3A_368 = tpu.vector_load %arg7[%get3A_366, %get3A_367] {strides = array<i32>} : memref<100x128xf32, #tpu.memory_space<vmem>>, vector<1x16xf32>,
      %get3A_369 = vector.shape_cast %get3A_368 : vector<1x16xf32> to vector<16xf32>
      %max3A_370 = arith.maximumf %max3A_321, %get3A_369 : vector<16xf32>
      %add3A_371 = arith.constant 2 : i32
      %add3A_372 = arith.addi %mul3A_246, %add3A_371 : i32
      %get3A_373 = arith.index_cast %add3A_372 : i32 to index
      %get3A_374 = arith.constant 64 : index
      %get3A_375 = tpu.vector_load %arg7[%get3A_373, %get3A_374] {strides = array<i32>} : memref<100x128xf32, #tpu.memory_space<vmem>>, vector<1x16xf32>,
      %get3A_376 = vector.shape_cast %get3A_375 : vector<1x16xf32> to vector<16xf32>
      %max3A_377 = arith.maximumf %max3A_328, %get3A_376 : vector<16xf32>
      %add3A_378 = arith.constant 2 : i32
      %add3A_379 = arith.addi %mul3A_246, %add3A_378 : i32
      %get3A_380 = arith.index_cast %add3A_379 : i32 to index
      %get3A_381 = arith.constant 80 : index
      %get3A_382 = tpu.vector_load %arg7[%get3A_380, %get3A_381] {strides = array<i32>} : memref<100x128xf32, #tpu.memory_space<vmem>>, vector<1x16xf32>,
      %get3A_383 = vector.shape_cast %get3A_382 : vector<1x16xf32> to vector<16xf32>
      %max3A_384 = arith.maximumf %max3A_335, %get3A_383 : vector<16xf32>
      %add3A_385 = arith.constant 2 : i32
      %add3A_386 = arith.addi %mul3A_246, %add3A_385 : i32
      %get3A_387 = arith.index_cast %add3A_386 : i32 to index
      %get3A_388 = arith.constant 96 : index
      %get3A_389 = tpu.vector_load %arg7[%get3A_387, %get3A_388] {strides = array<i32>} : memref<100x128xf32, #tpu.memory_space<vmem>>, vector<1x16xf32>,
      %get3A_390 = vector.shape_cast %get3A_389 : vector<1x16xf32> to vector<16xf32>
      %max3A_391 = arith.maximumf %max3A_342, %get3A_390 : vector<16xf32>
      %add3A_392 = arith.constant 3 : i32
      %add3A_393 = arith.addi %mul3A_246, %add3A_392 : i32
      %get3A_394 = arith.index_cast %add3A_393 : i32 to index
      %get3A_395 = arith.constant 0 : index
      %get3A_396 = tpu.vector_load %arg7[%get3A_394, %get3A_395] {strides = array<i32>} : memref<100x128xf32, #tpu.memory_space<vmem>>, vector<1x16xf32>,
      %get3A_397 = vector.shape_cast %get3A_396 : vector<1x16xf32> to vector<16xf32>
      %max3A_398 = arith.maximumf %max3A_349, %get3A_397 : vector<16xf32>
      %add3A_399 = arith.constant 3 : i32
      %add3A_400 = arith.addi %mul3A_246, %add3A_399 : i32
      %get3A_401 = arith.index_cast %add3A_400 : i32 to index
      %get3A_402 = arith.constant 16 : index
      %get3A_403 = tpu.vector_load %arg7[%get3A_401, %get3A_402] {strides = array<i32>} : memref<100x128xf32, #tpu.memory_space<vmem>>, vector<1x16xf32>,
      %get3A_404 = vector.shape_cast %get3A_403 : vector<1x16xf32> to vector<16xf32>
      %max3A_405 = arith.maximumf %max3A_356, %get3A_404 : vector<16xf32>
      %add3A_406 = arith.constant 3 : i32
      %add3A_407 = arith.addi %mul3A_246, %add3A_406 : i32
      %get3A_408 = arith.index_cast %add3A_407 : i32 to index
      %get3A_409 = arith.constant 32 : index
      %get3A_410 = tpu.vector_load %arg7[%get3A_408, %get3A_409] {strides = array<i32>} : memref<100x128xf32, #tpu.memory_space<vmem>>, vector<1x16xf32>,
      %get3A_411 = vector.shape_cast %get3A_410 : vector<1x16xf32> to vector<16xf32>
      %max3A_412 = arith.maximumf %max3A_363, %get3A_411 : vector<16xf32>
      %add3A_413 = arith.constant 3 : i32
      %add3A_414 = arith.addi %mul3A_246, %add3A_413 : i32
      %get3A_415 = arith.index_cast %add3A_414 : i32 to index
      %get3A_416 = arith.constant 48 : index
      %get3A_417 = tpu.vector_load %arg7[%get3A_415, %get3A_416] {strides = array<i32>} : memref<100x128xf32, #tpu.memory_space<vmem>>, vector<1x16xf32>,
      %get3A_418 = vector.shape_cast %get3A_417 : vector<1x16xf32> to vector<16xf32>
      %max3A_419 = arith.maximumf %max3A_370, %get3A_418 : vector<16xf32>
      %add3A_420 = arith.constant 3 : i32
      %add3A_421 = arith.addi %mul3A_246, %add3A_420 : i32
      %get3A_422 = arith.index_cast %add3A_421 : i32 to index
      %get3A_423 = arith.constant 64 : index
      %get3A_424 = tpu.vector_load %arg7[%get3A_422, %get3A_423] {strides = array<i32>} : memref<100x128xf32, #tpu.memory_space<vmem>>, vector<1x16xf32>,
      %get3A_425 = vector.shape_cast %get3A_424 : vector<1x16xf32> to vector<16xf32>
      %max3A_426 = arith.maximumf %max3A_377, %get3A_425 : vector<16xf32>
      %add3A_427 = arith.constant 3 : i32
      %add3A_428 = arith.addi %mul3A_246, %add3A_427 : i32
      %get3A_429 = arith.index_cast %add3A_428 : i32 to index
      %get3A_430 = arith.constant 80 : index
      %get3A_431 = tpu.vector_load %arg7[%get3A_429, %get3A_430] {strides = array<i32>} : memref<100x128xf32, #tpu.memory_space<vmem>>, vector<1x16xf32>,
      %get3A_432 = vector.shape_cast %get3A_431 : vector<1x16xf32> to vector<16xf32>
      %max3A_433 = arith.maximumf %max3A_384, %get3A_432 : vector<16xf32>
      %add3A_434 = arith.constant 3 : i32
      %add3A_435 = arith.addi %mul3A_246, %add3A_434 : i32
      %get3A_436 = arith.index_cast %add3A_435 : i32 to index
      %get3A_437 = arith.constant 96 : index
      %get3A_438 = tpu.vector_load %arg7[%get3A_436, %get3A_437] {strides = array<i32>} : memref<100x128xf32, #tpu.memory_space<vmem>>, vector<1x16xf32>,
      %get3A_439 = vector.shape_cast %get3A_438 : vector<1x16xf32> to vector<16xf32>
      %max3A_440 = arith.maximumf %max3A_391, %get3A_439 : vector<16xf32>
      scf.yield %max3A_398, %max3A_405, %max3A_412, %max3A_419, %max3A_426, %max3A_433, %max3A_440 : vector<16xf32>, vector<16xf32>, vector<16xf32>, vector<16xf32>, vector<16xf32>, vector<16xf32>, vector<16xf32>
    }
    %scan3A_90 = arith.constant 25 : i32
    %swap3A = arith.constant 126 : i32
    %swap3A_91 = arith.index_cast %swap3A : i32 to index
    %swap3A_92 = arith.constant 0 : index
    %swap3A_93 = tpu.vector_load %arg12[%swap3A_91, %swap3A_92] {strides = array<i32>} : memref<128x112xf32, #tpu.memory_space<vmem>>, vector<1x16xf32>,
    %swap3A_94 = vector.shape_cast %swap3A_93 : vector<1x16xf32> to vector<16xf32>
    %swap3A_95 = vector.shape_cast %scan3A_89#0 : vector<16xf32> to vector<1x16xf32>
    tpu.vector_store %arg12[%swap3A_91, %swap3A_92], %swap3A_95 {strides = array<i32>} : memref<128x112xf32, #tpu.memory_space<vmem>>, vector<1x16xf32>,
    %swap3A_96 = arith.constant 126 : i32
    %swap3A_97 = arith.index_cast %swap3A_96 : i32 to index
    %swap3A_98 = arith.constant 16 : index
    %swap3A_99 = tpu.vector_load %arg12[%swap3A_97, %swap3A_98] {strides = array<i32>} : memref<128x112xf32, #tpu.memory_space<vmem>>, vector<1x16xf32>,
    %swap3A_100 = vector.shape_cast %swap3A_99 : vector<1x16xf32> to vector<16xf32>
    %swap3A_101 = vector.shape_cast %scan3A_89#1 : vector<16xf32> to vector<1x16xf32>
    tpu.vector_store %arg12[%swap3A_97, %swap3A_98], %swap3A_101 {strides = array<i32>} : memref<128x112xf32, #tpu.memory_space<vmem>>, vector<1x16xf32>,
    %swap3A_102 = arith.constant 126 : i32
    %swap3A_103 = arith.index_cast %swap3A_102 : i32 to index
    %swap3A_104 = arith.constant 32 : index
    %swap3A_105 = tpu.vector_load %arg12[%swap3A_103, %swap3A_104] {strides = array<i32>} : memref<128x112xf32, #tpu.memory_space<vmem>>, vector<1x16xf32>,
    %swap3A_106 = vector.shape_cast %swap3A_105 : vector<1x16xf32> to vector<16xf32>
    %swap3A_107 = vector.shape_cast %scan3A_89#2 : vector<16xf32> to vector<1x16xf32>
    tpu.vector_store %arg12[%swap3A_103, %swap3A_104], %swap3A_107 {strides = array<i32>} : memref<128x112xf32, #tpu.memory_space<vmem>>, vector<1x16xf32>,
    %swap3A_108 = arith.constant 126 : i32
    %swap3A_109 = arith.index_cast %swap3A_108 : i32 to index
    %swap3A_110 = arith.constant 48 : index
    %swap3A_111 = tpu.vector_load %arg12[%swap3A_109, %swap3A_110] {strides = array<i32>} : memref<128x112xf32, #tpu.memory_space<vmem>>, vector<1x16xf32>,
    %swap3A_112 = vector.shape_cast %swap3A_111 : vector<1x16xf32> to vector<16xf32>
    %swap3A_113 = vector.shape_cast %scan3A_89#3 : vector<16xf32> to vector<1x16xf32>
    tpu.vector_store %arg12[%swap3A_109, %swap3A_110], %swap3A_113 {strides = array<i32>} : memref<128x112xf32, #tpu.memory_space<vmem>>, vector<1x16xf32>,
    %swap3A_114 = arith.constant 126 : i32
    %swap3A_115 = arith.index_cast %swap3A_114 : i32 to index
    %swap3A_116 = arith.constant 64 : index
    %swap3A_117 = tpu.vector_load %arg12[%swap3A_115, %swap3A_116] {strides = array<i32>} : memref<128x112xf32, #tpu.memory_space<vmem>>, vector<1x16xf32>,
    %swap3A_118 = vector.shape_cast %swap3A_117 : vector<1x16xf32> to vector<16xf32>
    %swap3A_119 = vector.shape_cast %scan3A_89#4 : vector<16xf32> to vector<1x16xf32>
    tpu.vector_store %arg12[%swap3A_115, %swap3A_116], %swap3A_119 {strides = array<i32>} : memref<128x112xf32, #tpu.memory_space<vmem>>, vector<1x16xf32>,
    %swap3A_120 = arith.constant 126 : i32
    %swap3A_121 = arith.index_cast %swap3A_120 : i32 to index
    %swap3A_122 = arith.constant 80 : index
    %swap3A_123 = tpu.vector_load %arg12[%swap3A_121, %swap3A_122] {strides = array<i32>} : memref<128x112xf32, #tpu.memory_space<vmem>>, vector<1x16xf32>,
    %swap3A_124 = vector.shape_cast %swap3A_123 : vector<1x16xf32> to vector<16xf32>
    %swap3A_125 = vector.shape_cast %scan3A_89#5 : vector<16xf32> to vector<1x16xf32>
    tpu.vector_store %arg12[%swap3A_121, %swap3A_122], %swap3A_125 {strides = array<i32>} : memref<128x112xf32, #tpu.memory_space<vmem>>, vector<1x16xf32>,
    %swap3A_126 = arith.constant 126 : i32
    %swap3A_127 = arith.index_cast %swap3A_126 : i32 to index
    %swap3A_128 = arith.constant 96 : index
    %swap3A_129 = tpu.vector_load %arg12[%swap3A_127, %swap3A_128] {strides = array<i32>} : memref<128x112xf32, #tpu.memory_space<vmem>>, vector<1x16xf32>,
    %swap3A_130 = vector.shape_cast %swap3A_129 : vector<1x16xf32> to vector<16xf32>
    %swap3A_131 = vector.shape_cast %scan3A_89#6 : vector<16xf32> to vector<1x16xf32>
    tpu.vector_store %arg12[%swap3A_127, %swap3A_128], %swap3A_131 {strides = array<i32>} : memref<128x112xf32, #tpu.memory_space<vmem>>, vector<1x16xf32>,
    %broadcast_in_dim3A_132 = arith.constant 0xFF800000 : f32
    %broadcast_in_dim3A_133 = vector.broadcast %broadcast_in_dim3A_132 : f32 to vector<16xf32>
    %broadcast_in_dim3A_134 = arith.constant 0xFF800000 : f32
    %broadcast_in_dim3A_135 = vector.broadcast %broadcast_in_dim3A_134 : f32 to vector<16xf32>
    %broadcast_in_dim3A_136 = arith.constant 0xFF800000 : f32
    %broadcast_in_dim3A_137 = vector.broadcast %broadcast_in_dim3A_136 : f32 to vector<16xf32>
    %broadcast_in_dim3A_138 = arith.constant 0xFF800000 : f32
    %broadcast_in_dim3A_139 = vector.broadcast %broadcast_in_dim3A_138 : f32 to vector<16xf32>
    %broadcast_in_dim3A_140 = arith.constant 0xFF800000 : f32
    %broadcast_in_dim3A_141 = vector.broadcast %broadcast_in_dim3A_140 : f32 to vector<16xf32>
    %broadcast_in_dim3A_142 = arith.constant 0xFF800000 : f32
    %broadcast_in_dim3A_143 = vector.broadcast %broadcast_in_dim3A_142 : f32 to vector<16xf32>
    %broadcast_in_dim3A_144 = arith.constant 0xFF800000 : f32
    %broadcast_in_dim3A_145 = vector.broadcast %broadcast_in_dim3A_144 : f32 to vector<16xf32>
    %dma_wait3A_146 = arith.constant 0 : i32
    %dma_wait3A_147 = arith.constant 0 : i32
    %dma_wait3A_148 = tpu.memref_slice %arg5[%dma_wait3A_146, %dma_wait3A_147] : memref<256x100xi32, #tpu.memory_space<vmem>> -> memref<1x100xi32, #tpu.memory_space<vmem>>
    %dma_wait3A_149 = tpu.memref_squeeze %dma_wait3A_148 : memref<1x100xi32, #tpu.memory_space<vmem>> -> memref<100xi32, #tpu.memory_space<vmem>>
    %dma_wait3A_150 = arith.constant 0 : i32
    %dma_wait3A_151 = arith.constant 0 : i32
    %dma_wait3A_152 = tpu.memref_slice %arg3[%dma_wait3A_150, %dma_wait3A_151] : memref<100000x128xf32, #tpu.memory_space<hbm>> -> memref<100000x128xf32, #tpu.memory_space<hbm>>
    tpu.wait_indirect_dma semaphore(%arg15 : memref<!tpu.dma_semaphore, #tpu.memory_space<semaphore_mem>>) src(%dma_wait3A_152 : memref<100000x128xf32, #tpu.memory_space<hbm>>) dst(%arg8 : memref<100x128xf32, #tpu.memory_space<vmem>>)
    %scan3A_153 = arith.constant 0 : i32
    %scan3A_154 = arith.constant 25 : i32
    %scan3A_155 = arith.addi %scan3A_153, %scan3A_154 : i32
    %scan3A_156 = arith.constant 1 : i32
    %scan3A_157:7 = scf.for %scan3A_237 = %scan3A_153 to %scan3A_155 step %scan3A_156 iter_args(%scan3A_238 = %broadcast_in_dim3A_133, %scan3A_239 = %broadcast_in_dim3A_135, %scan3A_240 = %broadcast_in_dim3A_137, %scan3A_241 = %broadcast_in_dim3A_139, %scan3A_242 = %broadcast_in_dim3A_141, %scan3A_243 = %broadcast_in_dim3A_143, %scan3A_244 = %broadcast_in_dim3A_145) -> (vector<16xf32>, vector<16xf32>, vector<16xf32>, vector<16xf32>, vector<16xf32>, vector<16xf32>, vector<16xf32>)  : i32 {
      %mul3A_245 = arith.constant 4 : i32
      %mul3A_246 = arith.muli %mul3A_245, %scan3A_237 : i32
      %add3A_247 = arith.constant 0 : i32
      %add3A_248 = arith.addi %mul3A_246, %add3A_247 : i32
      %get3A = arith.index_cast %add3A_248 : i32 to index
      %get3A_249 = arith.constant 0 : index
      %get3A_250 = tpu.vector_load %arg8[%get3A, %get3A_249] {strides = array<i32>} : memref<100x128xf32, #tpu.memory_space<vmem>>, vector<1x16xf32>,
      %get3A_251 = vector.shape_cast %get3A_250 : vector<1x16xf32> to vector<16xf32>
      %max3A = arith.maximumf %scan3A_238, %get3A_251 : vector<16xf32>
      %add3A_252 = arith.constant 0 : i32
      %add3A_253 = arith.addi %mul3A_246, %add3A_252 : i32
      %get3A_254 = arith.index_cast %add3A_253 : i32 to index
      %get3A_255 = arith.constant 16 : index
      %get3A_256 = tpu.vector_load %arg8[%get3A_254, %get3A_255] {strides = array<i32>} : memref<100x128xf32, #tpu.memory_space<vmem>>, vector<1x16xf32>,
      %get3A_257 = vector.shape_cast %get3A_256 : vector<1x16xf32> to vector<16xf32>
      %max3A_258 = arith.maximumf %scan3A_239, %get3A_257 : vector<16xf32>
      %add3A_259 = arith.constant 0 : i32
      %add3A_260 = arith.addi %mul3A_246, %add3A_259 : i32
      %get3A_261 = arith.index_cast %add3A_260 : i32 to index
      %get3A_262 = arith.constant 32 : index
      %get3A_263 = tpu.vector_load %arg8[%get3A_261, %get3A_262] {strides = array<i32>} : memref<100x128xf32, #tpu.memory_space<vmem>>, vector<1x16xf32>,
      %get3A_264 = vector.shape_cast %get3A_263 : vector<1x16xf32> to vector<16xf32>
      %max3A_265 = arith.maximumf %scan3A_240, %get3A_264 : vector<16xf32>
      %add3A_266 = arith.constant 0 : i32
      %add3A_267 = arith.addi %mul3A_246, %add3A_266 : i32
      %get3A_268 = arith.index_cast %add3A_267 : i32 to index
      %get3A_269 = arith.constant 48 : index
      %get3A_270 = tpu.vector_load %arg8[%get3A_268, %get3A_269] {strides = array<i32>} : memref<100x128xf32, #tpu.memory_space<vmem>>, vector<1x16xf32>,
      %get3A_271 = vector.shape_cast %get3A_270 : vector<1x16xf32> to vector<16xf32>
      %max3A_272 = arith.maximumf %scan3A_241, %get3A_271 : vector<16xf32>
      %add3A_273 = arith.constant 0 : i32
      %add3A_274 = arith.addi %mul3A_246, %add3A_273 : i32
      %get3A_275 = arith.index_cast %add3A_274 : i32 to index
      %get3A_276 = arith.constant 64 : index
      %get3A_277 = tpu.vector_load %arg8[%get3A_275, %get3A_276] {strides = array<i32>} : memref<100x128xf32, #tpu.memory_space<vmem>>, vector<1x16xf32>,
      %get3A_278 = vector.shape_cast %get3A_277 : vector<1x16xf32> to vector<16xf32>
      %max3A_279 = arith.maximumf %scan3A_242, %get3A_278 : vector<16xf32>
      %add3A_280 = arith.constant 0 : i32
      %add3A_281 = arith.addi %mul3A_246, %add3A_280 : i32
      %get3A_282 = arith.index_cast %add3A_281 : i32 to index
      %get3A_283 = arith.constant 80 : index
      %get3A_284 = tpu.vector_load %arg8[%get3A_282, %get3A_283] {strides = array<i32>} : memref<100x128xf32, #tpu.memory_space<vmem>>, vector<1x16xf32>,
      %get3A_285 = vector.shape_cast %get3A_284 : vector<1x16xf32> to vector<16xf32>
      %max3A_286 = arith.maximumf %scan3A_243, %get3A_285 : vector<16xf32>
      %add3A_287 = arith.constant 0 : i32
      %add3A_288 = arith.addi %mul3A_246, %add3A_287 : i32
      %get3A_289 = arith.index_cast %add3A_288 : i32 to index
      %get3A_290 = arith.constant 96 : index
      %get3A_291 = tpu.vector_load %arg8[%get3A_289, %get3A_290] {strides = array<i32>} : memref<100x128xf32, #tpu.memory_space<vmem>>, vector<1x16xf32>,
      %get3A_292 = vector.shape_cast %get3A_291 : vector<1x16xf32> to vector<16xf32>
      %max3A_293 = arith.maximumf %scan3A_244, %get3A_292 : vector<16xf32>
      %add3A_294 = arith.constant 1 : i32
      %add3A_295 = arith.addi %mul3A_246, %add3A_294 : i32
      %get3A_296 = arith.index_cast %add3A_295 : i32 to index
      %get3A_297 = arith.constant 0 : index
      %get3A_298 = tpu.vector_load %arg8[%get3A_296, %get3A_297] {strides = array<i32>} : memref<100x128xf32, #tpu.memory_space<vmem>>, vector<1x16xf32>,
      %get3A_299 = vector.shape_cast %get3A_298 : vector<1x16xf32> to vector<16xf32>
      %max3A_300 = arith.maximumf %max3A, %get3A_299 : vector<16xf32>
      %add3A_301 = arith.constant 1 : i32
      %add3A_302 = arith.addi %mul3A_246, %add3A_301 : i32
      %get3A_303 = arith.index_cast %add3A_302 : i32 to index
      %get3A_304 = arith.constant 16 : index
      %get3A_305 = tpu.vector_load %arg8[%get3A_303, %get3A_304] {strides = array<i32>} : memref<100x128xf32, #tpu.memory_space<vmem>>, vector<1x16xf32>,
      %get3A_306 = vector.shape_cast %get3A_305 : vector<1x16xf32> to vector<16xf32>
      %max3A_307 = arith.maximumf %max3A_258, %get3A_306 : vector<16xf32>
      %add3A_308 = arith.constant 1 : i32
      %add3A_309 = arith.addi %mul3A_246, %add3A_308 : i32
      %get3A_310 = arith.index_cast %add3A_309 : i32 to index
      %get3A_311 = arith.constant 32 : index
      %get3A_312 = tpu.vector_load %arg8[%get3A_310, %get3A_311] {strides = array<i32>} : memref<100x128xf32, #tpu.memory_space<vmem>>, vector<1x16xf32>,
      %get3A_313 = vector.shape_cast %get3A_312 : vector<1x16xf32> to vector<16xf32>
      %max3A_314 = arith.maximumf %max3A_265, %get3A_313 : vector<16xf32>
      %add3A_315 = arith.constant 1 : i32
      %add3A_316 = arith.addi %mul3A_246, %add3A_315 : i32
      %get3A_317 = arith.index_cast %add3A_316 : i32 to index
      %get3A_318 = arith.constant 48 : index
      %get3A_319 = tpu.vector_load %arg8[%get3A_317, %get3A_318] {strides = array<i32>} : memref<100x128xf32, #tpu.memory_space<vmem>>, vector<1x16xf32>,
      %get3A_320 = vector.shape_cast %get3A_319 : vector<1x16xf32> to vector<16xf32>
      %max3A_321 = arith.maximumf %max3A_272, %get3A_320 : vector<16xf32>
      %add3A_322 = arith.constant 1 : i32
      %add3A_323 = arith.addi %mul3A_246, %add3A_322 : i32
      %get3A_324 = arith.index_cast %add3A_323 : i32 to index
      %get3A_325 = arith.constant 64 : index
      %get3A_326 = tpu.vector_load %arg8[%get3A_324, %get3A_325] {strides = array<i32>} : memref<100x128xf32, #tpu.memory_space<vmem>>, vector<1x16xf32>,
      %get3A_327 = vector.shape_cast %get3A_326 : vector<1x16xf32> to vector<16xf32>
      %max3A_328 = arith.maximumf %max3A_279, %get3A_327 : vector<16xf32>
      %add3A_329 = arith.constant 1 : i32
      %add3A_330 = arith.addi %mul3A_246, %add3A_329 : i32
      %get3A_331 = arith.index_cast %add3A_330 : i32 to index
      %get3A_332 = arith.constant 80 : index
      %get3A_333 = tpu.vector_load %arg8[%get3A_331, %get3A_332] {strides = array<i32>} : memref<100x128xf32, #tpu.memory_space<vmem>>, vector<1x16xf32>,
      %get3A_334 = vector.shape_cast %get3A_333 : vector<1x16xf32> to vector<16xf32>
      %max3A_335 = arith.maximumf %max3A_286, %get3A_334 : vector<16xf32>
      %add3A_336 = arith.constant 1 : i32
      %add3A_337 = arith.addi %mul3A_246, %add3A_336 : i32
      %get3A_338 = arith.index_cast %add3A_337 : i32 to index
      %get3A_339 = arith.constant 96 : index
      %get3A_340 = tpu.vector_load %arg8[%get3A_338, %get3A_339] {strides = array<i32>} : memref<100x128xf32, #tpu.memory_space<vmem>>, vector<1x16xf32>,
      %get3A_341 = vector.shape_cast %get3A_340 : vector<1x16xf32> to vector<16xf32>
      %max3A_342 = arith.maximumf %max3A_293, %get3A_341 : vector<16xf32>
      %add3A_343 = arith.constant 2 : i32
      %add3A_344 = arith.addi %mul3A_246, %add3A_343 : i32
      %get3A_345 = arith.index_cast %add3A_344 : i32 to index
      %get3A_346 = arith.constant 0 : index
      %get3A_347 = tpu.vector_load %arg8[%get3A_345, %get3A_346] {strides = array<i32>} : memref<100x128xf32, #tpu.memory_space<vmem>>, vector<1x16xf32>,
      %get3A_348 = vector.shape_cast %get3A_347 : vector<1x16xf32> to vector<16xf32>
      %max3A_349 = arith.maximumf %max3A_300, %get3A_348 : vector<16xf32>
      %add3A_350 = arith.constant 2 : i32
      %add3A_351 = arith.addi %mul3A_246, %add3A_350 : i32
      %get3A_352 = arith.index_cast %add3A_351 : i32 to index
      %get3A_353 = arith.constant 16 : index
      %get3A_354 = tpu.vector_load %arg8[%get3A_352, %get3A_353] {strides = array<i32>} : memref<100x128xf32, #tpu.memory_space<vmem>>, vector<1x16xf32>,
      %get3A_355 = vector.shape_cast %get3A_354 : vector<1x16xf32> to vector<16xf32>
      %max3A_356 = arith.maximumf %max3A_307, %get3A_355 : vector<16xf32>
      %add3A_357 = arith.constant 2 : i32
      %add3A_358 = arith.addi %mul3A_246, %add3A_357 : i32
      %get3A_359 = arith.index_cast %add3A_358 : i32 to index
      %get3A_360 = arith.constant 32 : index
      %get3A_361 = tpu.vector_load %arg8[%get3A_359, %get3A_360] {strides = array<i32>} : memref<100x128xf32, #tpu.memory_space<vmem>>, vector<1x16xf32>,
      %get3A_362 = vector.shape_cast %get3A_361 : vector<1x16xf32> to vector<16xf32>
      %max3A_363 = arith.maximumf %max3A_314, %get3A_362 : vector<16xf32>
      %add3A_364 = arith.constant 2 : i32
      %add3A_365 = arith.addi %mul3A_246, %add3A_364 : i32
      %get3A_366 = arith.index_cast %add3A_365 : i32 to index
      %get3A_367 = arith.constant 48 : index
      %get3A_368 = tpu.vector_load %arg8[%get3A_366, %get3A_367] {strides = array<i32>} : memref<100x128xf32, #tpu.memory_space<vmem>>, vector<1x16xf32>,
      %get3A_369 = vector.shape_cast %get3A_368 : vector<1x16xf32> to vector<16xf32>
      %max3A_370 = arith.maximumf %max3A_321, %get3A_369 : vector<16xf32>
      %add3A_371 = arith.constant 2 : i32
      %add3A_372 = arith.addi %mul3A_246, %add3A_371 : i32
      %get3A_373 = arith.index_cast %add3A_372 : i32 to index
      %get3A_374 = arith.constant 64 : index
      %get3A_375 = tpu.vector_load %arg8[%get3A_373, %get3A_374] {strides = array<i32>} : memref<100x128xf32, #tpu.memory_space<vmem>>, vector<1x16xf32>,
      %get3A_376 = vector.shape_cast %get3A_375 : vector<1x16xf32> to vector<16xf32>
      %max3A_377 = arith.maximumf %max3A_328, %get3A_376 : vector<16xf32>
      %add3A_378 = arith.constant 2 : i32
      %add3A_379 = arith.addi %mul3A_246, %add3A_378 : i32
      %get3A_380 = arith.index_cast %add3A_379 : i32 to index
      %get3A_381 = arith.constant 80 : index
      %get3A_382 = tpu.vector_load %arg8[%get3A_380, %get3A_381] {strides = array<i32>} : memref<100x128xf32, #tpu.memory_space<vmem>>, vector<1x16xf32>,
      %get3A_383 = vector.shape_cast %get3A_382 : vector<1x16xf32> to vector<16xf32>
      %max3A_384 = arith.maximumf %max3A_335, %get3A_383 : vector<16xf32>
      %add3A_385 = arith.constant 2 : i32
      %add3A_386 = arith.addi %mul3A_246, %add3A_385 : i32
      %get3A_387 = arith.index_cast %add3A_386 : i32 to index
      %get3A_388 = arith.constant 96 : index
      %get3A_389 = tpu.vector_load %arg8[%get3A_387, %get3A_388] {strides = array<i32>} : memref<100x128xf32, #tpu.memory_space<vmem>>, vector<1x16xf32>,
      %get3A_390 = vector.shape_cast %get3A_389 : vector<1x16xf32> to vector<16xf32>
      %max3A_391 = arith.maximumf %max3A_342, %get3A_390 : vector<16xf32>
      %add3A_392 = arith.constant 3 : i32
      %add3A_393 = arith.addi %mul3A_246, %add3A_392 : i32
      %get3A_394 = arith.index_cast %add3A_393 : i32 to index
      %get3A_395 = arith.constant 0 : index
      %get3A_396 = tpu.vector_load %arg8[%get3A_394, %get3A_395] {strides = array<i32>} : memref<100x128xf32, #tpu.memory_space<vmem>>, vector<1x16xf32>,
      %get3A_397 = vector.shape_cast %get3A_396 : vector<1x16xf32> to vector<16xf32>
      %max3A_398 = arith.maximumf %max3A_349, %get3A_397 : vector<16xf32>
      %add3A_399 = arith.constant 3 : i32
      %add3A_400 = arith.addi %mul3A_246, %add3A_399 : i32
      %get3A_401 = arith.index_cast %add3A_400 : i32 to index
      %get3A_402 = arith.constant 16 : index
      %get3A_403 = tpu.vector_load %arg8[%get3A_401, %get3A_402] {strides = array<i32>} : memref<100x128xf32, #tpu.memory_space<vmem>>, vector<1x16xf32>,
      %get3A_404 = vector.shape_cast %get3A_403 : vector<1x16xf32> to vector<16xf32>
      %max3A_405 = arith.maximumf %max3A_356, %get3A_404 : vector<16xf32>
      %add3A_406 = arith.constant 3 : i32
      %add3A_407 = arith.addi %mul3A_246, %add3A_406 : i32
      %get3A_408 = arith.index_cast %add3A_407 : i32 to index
      %get3A_409 = arith.constant 32 : index
      %get3A_410 = tpu.vector_load %arg8[%get3A_408, %get3A_409] {strides = array<i32>} : memref<100x128xf32, #tpu.memory_space<vmem>>, vector<1x16xf32>,
      %get3A_411 = vector.shape_cast %get3A_410 : vector<1x16xf32> to vector<16xf32>
      %max3A_412 = arith.maximumf %max3A_363, %get3A_411 : vector<16xf32>
      %add3A_413 = arith.constant 3 : i32
      %add3A_414 = arith.addi %mul3A_246, %add3A_413 : i32
      %get3A_415 = arith.index_cast %add3A_414 : i32 to index
      %get3A_416 = arith.constant 48 : index
      %get3A_417 = tpu.vector_load %arg8[%get3A_415, %get3A_416] {strides = array<i32>} : memref<100x128xf32, #tpu.memory_space<vmem>>, vector<1x16xf32>,
      %get3A_418 = vector.shape_cast %get3A_417 : vector<1x16xf32> to vector<16xf32>
      %max3A_419 = arith.maximumf %max3A_370, %get3A_418 : vector<16xf32>
      %add3A_420 = arith.constant 3 : i32
      %add3A_421 = arith.addi %mul3A_246, %add3A_420 : i32
      %get3A_422 = arith.index_cast %add3A_421 : i32 to index
      %get3A_423 = arith.constant 64 : index
      %get3A_424 = tpu.vector_load %arg8[%get3A_422, %get3A_423] {strides = array<i32>} : memref<100x128xf32, #tpu.memory_space<vmem>>, vector<1x16xf32>,
      %get3A_425 = vector.shape_cast %get3A_424 : vector<1x16xf32> to vector<16xf32>
      %max3A_426 = arith.maximumf %max3A_377, %get3A_425 : vector<16xf32>
      %add3A_427 = arith.constant 3 : i32
      %add3A_428 = arith.addi %mul3A_246, %add3A_427 : i32
      %get3A_429 = arith.index_cast %add3A_428 : i32 to index
      %get3A_430 = arith.constant 80 : index
      %get3A_431 = tpu.vector_load %arg8[%get3A_429, %get3A_430] {strides = array<i32>} : memref<100x128xf32, #tpu.memory_space<vmem>>, vector<1x16xf32>,
      %get3A_432 = vector.shape_cast %get3A_431 : vector<1x16xf32> to vector<16xf32>
      %max3A_433 = arith.maximumf %max3A_384, %get3A_432 : vector<16xf32>
      %add3A_434 = arith.constant 3 : i32
      %add3A_435 = arith.addi %mul3A_246, %add3A_434 : i32
      %get3A_436 = arith.index_cast %add3A_435 : i32 to index
      %get3A_437 = arith.constant 96 : index
      %get3A_438 = tpu.vector_load %arg8[%get3A_436, %get3A_437] {strides = array<i32>} : memref<100x128xf32, #tpu.memory_space<vmem>>, vector<1x16xf32>,
      %get3A_439 = vector.shape_cast %get3A_438 : vector<1x16xf32> to vector<16xf32>
      %max3A_440 = arith.maximumf %max3A_391, %get3A_439 : vector<16xf32>
      scf.yield %max3A_398, %max3A_405, %max3A_412, %max3A_419, %max3A_426, %max3A_433, %max3A_440 : vector<16xf32>, vector<16xf32>, vector<16xf32>, vector<16xf32>, vector<16xf32>, vector<16xf32>, vector<16xf32>
    }
    %scan3A_158 = arith.constant 25 : i32
    %dma_wait3A_159 = arith.constant 0 : i32
    %dma_wait3A_160 = arith.constant 0 : i32
    %dma_wait3A_161 = tpu.memref_slice %arg5[%dma_wait3A_159, %dma_wait3A_160] : memref<256x100xi32, #tpu.memory_space<vmem>> -> memref<1x100xi32, #tpu.memory_space<vmem>>
    %dma_wait3A_162 = tpu.memref_squeeze %dma_wait3A_161 : memref<1x100xi32, #tpu.memory_space<vmem>> -> memref<100xi32, #tpu.memory_space<vmem>>
    %dma_wait3A_163 = arith.constant 0 : i32
    %dma_wait3A_164 = arith.constant 0 : i32
    %dma_wait3A_165 = tpu.memref_slice %arg3[%dma_wait3A_163, %dma_wait3A_164] : memref<100000x128xf32, #tpu.memory_space<hbm>> -> memref<100000x128xf32, #tpu.memory_space<hbm>>
    tpu.wait_indirect_dma semaphore(%arg16 : memref<!tpu.dma_semaphore, #tpu.memory_space<semaphore_mem>>) src(%dma_wait3A_165 : memref<100000x128xf32, #tpu.memory_space<hbm>>) dst(%arg9 : memref<100x128xf32, #tpu.memory_space<vmem>>)
    %scan3A_166 = arith.constant 0 : i32
    %scan3A_167 = arith.constant 25 : i32
    %scan3A_168 = arith.addi %scan3A_166, %scan3A_167 : i32
    %scan3A_169 = arith.constant 1 : i32
    %scan3A_170:7 = scf.for %scan3A_237 = %scan3A_166 to %scan3A_168 step %scan3A_169 iter_args(%scan3A_238 = %scan3A_157#0, %scan3A_239 = %scan3A_157#1, %scan3A_240 = %scan3A_157#2, %scan3A_241 = %scan3A_157#3, %scan3A_242 = %scan3A_157#4, %scan3A_243 = %scan3A_157#5, %scan3A_244 = %scan3A_157#6) -> (vector<16xf32>, vector<16xf32>, vector<16xf32>, vector<16xf32>, vector<16xf32>, vector<16xf32>, vector<16xf32>)  : i32 {
      %mul3A_245 = arith.constant 4 : i32
      %mul3A_246 = arith.muli %mul3A_245, %scan3A_237 : i32
      %add3A_247 = arith.constant 0 : i32
      %add3A_248 = arith.addi %mul3A_246, %add3A_247 : i32
      %get3A = arith.index_cast %add3A_248 : i32 to index
      %get3A_249 = arith.constant 0 : index
      %get3A_250 = tpu.vector_load %arg9[%get3A, %get3A_249] {strides = array<i32>} : memref<100x128xf32, #tpu.memory_space<vmem>>, vector<1x16xf32>,
      %get3A_251 = vector.shape_cast %get3A_250 : vector<1x16xf32> to vector<16xf32>
      %max3A = arith.maximumf %scan3A_238, %get3A_251 : vector<16xf32>
      %add3A_252 = arith.constant 0 : i32
      %add3A_253 = arith.addi %mul3A_246, %add3A_252 : i32
      %get3A_254 = arith.index_cast %add3A_253 : i32 to index
      %get3A_255 = arith.constant 16 : index
      %get3A_256 = tpu.vector_load %arg9[%get3A_254, %get3A_255] {strides = array<i32>} : memref<100x128xf32, #tpu.memory_space<vmem>>, vector<1x16xf32>,
      %get3A_257 = vector.shape_cast %get3A_256 : vector<1x16xf32> to vector<16xf32>
      %max3A_258 = arith.maximumf %scan3A_239, %get3A_257 : vector<16xf32>
      %add3A_259 = arith.constant 0 : i32
      %add3A_260 = arith.addi %mul3A_246, %add3A_259 : i32
      %get3A_261 = arith.index_cast %add3A_260 : i32 to index
      %get3A_262 = arith.constant 32 : index
      %get3A_263 = tpu.vector_load %arg9[%get3A_261, %get3A_262] {strides = array<i32>} : memref<100x128xf32, #tpu.memory_space<vmem>>, vector<1x16xf32>,
      %get3A_264 = vector.shape_cast %get3A_263 : vector<1x16xf32> to vector<16xf32>
      %max3A_265 = arith.maximumf %scan3A_240, %get3A_264 : vector<16xf32>
      %add3A_266 = arith.constant 0 : i32
      %add3A_267 = arith.addi %mul3A_246, %add3A_266 : i32
      %get3A_268 = arith.index_cast %add3A_267 : i32 to index
      %get3A_269 = arith.constant 48 : index
      %get3A_270 = tpu.vector_load %arg9[%get3A_268, %get3A_269] {strides = array<i32>} : memref<100x128xf32, #tpu.memory_space<vmem>>, vector<1x16xf32>,
      %get3A_271 = vector.shape_cast %get3A_270 : vector<1x16xf32> to vector<16xf32>
      %max3A_272 = arith.maximumf %scan3A_241, %get3A_271 : vector<16xf32>
      %add3A_273 = arith.constant 0 : i32
      %add3A_274 = arith.addi %mul3A_246, %add3A_273 : i32
      %get3A_275 = arith.index_cast %add3A_274 : i32 to index
      %get3A_276 = arith.constant 64 : index
      %get3A_277 = tpu.vector_load %arg9[%get3A_275, %get3A_276] {strides = array<i32>} : memref<100x128xf32, #tpu.memory_space<vmem>>, vector<1x16xf32>,
      %get3A_278 = vector.shape_cast %get3A_277 : vector<1x16xf32> to vector<16xf32>
      %max3A_279 = arith.maximumf %scan3A_242, %get3A_278 : vector<16xf32>
      %add3A_280 = arith.constant 0 : i32
      %add3A_281 = arith.addi %mul3A_246, %add3A_280 : i32
      %get3A_282 = arith.index_cast %add3A_281 : i32 to index
      %get3A_283 = arith.constant 80 : index
      %get3A_284 = tpu.vector_load %arg9[%get3A_282, %get3A_283] {strides = array<i32>} : memref<100x128xf32, #tpu.memory_space<vmem>>, vector<1x16xf32>,
      %get3A_285 = vector.shape_cast %get3A_284 : vector<1x16xf32> to vector<16xf32>
      %max3A_286 = arith.maximumf %scan3A_243, %get3A_285 : vector<16xf32>
      %add3A_287 = arith.constant 0 : i32
      %add3A_288 = arith.addi %mul3A_246, %add3A_287 : i32
      %get3A_289 = arith.index_cast %add3A_288 : i32 to index
      %get3A_290 = arith.constant 96 : index
      %get3A_291 = tpu.vector_load %arg9[%get3A_289, %get3A_290] {strides = array<i32>} : memref<100x128xf32, #tpu.memory_space<vmem>>, vector<1x16xf32>,
      %get3A_292 = vector.shape_cast %get3A_291 : vector<1x16xf32> to vector<16xf32>
      %max3A_293 = arith.maximumf %scan3A_244, %get3A_292 : vector<16xf32>
      %add3A_294 = arith.constant 1 : i32
      %add3A_295 = arith.addi %mul3A_246, %add3A_294 : i32
      %get3A_296 = arith.index_cast %add3A_295 : i32 to index
      %get3A_297 = arith.constant 0 : index
      %get3A_298 = tpu.vector_load %arg9[%get3A_296, %get3A_297] {strides = array<i32>} : memref<100x128xf32, #tpu.memory_space<vmem>>, vector<1x16xf32>,
      %get3A_299 = vector.shape_cast %get3A_298 : vector<1x16xf32> to vector<16xf32>
      %max3A_300 = arith.maximumf %max3A, %get3A_299 : vector<16xf32>
      %add3A_301 = arith.constant 1 : i32
      %add3A_302 = arith.addi %mul3A_246, %add3A_301 : i32
      %get3A_303 = arith.index_cast %add3A_302 : i32 to index
      %get3A_304 = arith.constant 16 : index
      %get3A_305 = tpu.vector_load %arg9[%get3A_303, %get3A_304] {strides = array<i32>} : memref<100x128xf32, #tpu.memory_space<vmem>>, vector<1x16xf32>,
      %get3A_306 = vector.shape_cast %get3A_305 : vector<1x16xf32> to vector<16xf32>
      %max3A_307 = arith.maximumf %max3A_258, %get3A_306 : vector<16xf32>
      %add3A_308 = arith.constant 1 : i32
      %add3A_309 = arith.addi %mul3A_246, %add3A_308 : i32
      %get3A_310 = arith.index_cast %add3A_309 : i32 to index
      %get3A_311 = arith.constant 32 : index
      %get3A_312 = tpu.vector_load %arg9[%get3A_310, %get3A_311] {strides = array<i32>} : memref<100x128xf32, #tpu.memory_space<vmem>>, vector<1x16xf32>,
      %get3A_313 = vector.shape_cast %get3A_312 : vector<1x16xf32> to vector<16xf32>
      %max3A_314 = arith.maximumf %max3A_265, %get3A_313 : vector<16xf32>
      %add3A_315 = arith.constant 1 : i32
      %add3A_316 = arith.addi %mul3A_246, %add3A_315 : i32
      %get3A_317 = arith.index_cast %add3A_316 : i32 to index
      %get3A_318 = arith.constant 48 : index
      %get3A_319 = tpu.vector_load %arg9[%get3A_317, %get3A_318] {strides = array<i32>} : memref<100x128xf32, #tpu.memory_space<vmem>>, vector<1x16xf32>,
      %get3A_320 = vector.shape_cast %get3A_319 : vector<1x16xf32> to vector<16xf32>
      %max3A_321 = arith.maximumf %max3A_272, %get3A_320 : vector<16xf32>
      %add3A_322 = arith.constant 1 : i32
      %add3A_323 = arith.addi %mul3A_246, %add3A_322 : i32
      %get3A_324 = arith.index_cast %add3A_323 : i32 to index
      %get3A_325 = arith.constant 64 : index
      %get3A_326 = tpu.vector_load %arg9[%get3A_324, %get3A_325] {strides = array<i32>} : memref<100x128xf32, #tpu.memory_space<vmem>>, vector<1x16xf32>,
      %get3A_327 = vector.shape_cast %get3A_326 : vector<1x16xf32> to vector<16xf32>
      %max3A_328 = arith.maximumf %max3A_279, %get3A_327 : vector<16xf32>
      %add3A_329 = arith.constant 1 : i32
      %add3A_330 = arith.addi %mul3A_246, %add3A_329 : i32
      %get3A_331 = arith.index_cast %add3A_330 : i32 to index
      %get3A_332 = arith.constant 80 : index
      %get3A_333 = tpu.vector_load %arg9[%get3A_331, %get3A_332] {strides = array<i32>} : memref<100x128xf32, #tpu.memory_space<vmem>>, vector<1x16xf32>,
      %get3A_334 = vector.shape_cast %get3A_333 : vector<1x16xf32> to vector<16xf32>
      %max3A_335 = arith.maximumf %max3A_286, %get3A_334 : vector<16xf32>
      %add3A_336 = arith.constant 1 : i32
      %add3A_337 = arith.addi %mul3A_246, %add3A_336 : i32
      %get3A_338 = arith.index_cast %add3A_337 : i32 to index
      %get3A_339 = arith.constant 96 : index
      %get3A_340 = tpu.vector_load %arg9[%get3A_338, %get3A_339] {strides = array<i32>} : memref<100x128xf32, #tpu.memory_space<vmem>>, vector<1x16xf32>,
      %get3A_341 = vector.shape_cast %get3A_340 : vector<1x16xf32> to vector<16xf32>
      %max3A_342 = arith.maximumf %max3A_293, %get3A_341 : vector<16xf32>
      %add3A_343 = arith.constant 2 : i32
      %add3A_344 = arith.addi %mul3A_246, %add3A_343 : i32
      %get3A_345 = arith.index_cast %add3A_344 : i32 to index
      %get3A_346 = arith.constant 0 : index
      %get3A_347 = tpu.vector_load %arg9[%get3A_345, %get3A_346] {strides = array<i32>} : memref<100x128xf32, #tpu.memory_space<vmem>>, vector<1x16xf32>,
      %get3A_348 = vector.shape_cast %get3A_347 : vector<1x16xf32> to vector<16xf32>
      %max3A_349 = arith.maximumf %max3A_300, %get3A_348 : vector<16xf32>
      %add3A_350 = arith.constant 2 : i32
      %add3A_351 = arith.addi %mul3A_246, %add3A_350 : i32
      %get3A_352 = arith.index_cast %add3A_351 : i32 to index
      %get3A_353 = arith.constant 16 : index
      %get3A_354 = tpu.vector_load %arg9[%get3A_352, %get3A_353] {strides = array<i32>} : memref<100x128xf32, #tpu.memory_space<vmem>>, vector<1x16xf32>,
      %get3A_355 = vector.shape_cast %get3A_354 : vector<1x16xf32> to vector<16xf32>
      %max3A_356 = arith.maximumf %max3A_307, %get3A_355 : vector<16xf32>
      %add3A_357 = arith.constant 2 : i32
      %add3A_358 = arith.addi %mul3A_246, %add3A_357 : i32
      %get3A_359 = arith.index_cast %add3A_358 : i32 to index
      %get3A_360 = arith.constant 32 : index
      %get3A_361 = tpu.vector_load %arg9[%get3A_359, %get3A_360] {strides = array<i32>} : memref<100x128xf32, #tpu.memory_space<vmem>>, vector<1x16xf32>,
      %get3A_362 = vector.shape_cast %get3A_361 : vector<1x16xf32> to vector<16xf32>
      %max3A_363 = arith.maximumf %max3A_314, %get3A_362 : vector<16xf32>
      %add3A_364 = arith.constant 2 : i32
      %add3A_365 = arith.addi %mul3A_246, %add3A_364 : i32
      %get3A_366 = arith.index_cast %add3A_365 : i32 to index
      %get3A_367 = arith.constant 48 : index
      %get3A_368 = tpu.vector_load %arg9[%get3A_366, %get3A_367] {strides = array<i32>} : memref<100x128xf32, #tpu.memory_space<vmem>>, vector<1x16xf32>,
      %get3A_369 = vector.shape_cast %get3A_368 : vector<1x16xf32> to vector<16xf32>
      %max3A_370 = arith.maximumf %max3A_321, %get3A_369 : vector<16xf32>
      %add3A_371 = arith.constant 2 : i32
      %add3A_372 = arith.addi %mul3A_246, %add3A_371 : i32
      %get3A_373 = arith.index_cast %add3A_372 : i32 to index
      %get3A_374 = arith.constant 64 : index
      %get3A_375 = tpu.vector_load %arg9[%get3A_373, %get3A_374] {strides = array<i32>} : memref<100x128xf32, #tpu.memory_space<vmem>>, vector<1x16xf32>,
      %get3A_376 = vector.shape_cast %get3A_375 : vector<1x16xf32> to vector<16xf32>
      %max3A_377 = arith.maximumf %max3A_328, %get3A_376 : vector<16xf32>
      %add3A_378 = arith.constant 2 : i32
      %add3A_379 = arith.addi %mul3A_246, %add3A_378 : i32
      %get3A_380 = arith.index_cast %add3A_379 : i32 to index
      %get3A_381 = arith.constant 80 : index
      %get3A_382 = tpu.vector_load %arg9[%get3A_380, %get3A_381] {strides = array<i32>} : memref<100x128xf32, #tpu.memory_space<vmem>>, vector<1x16xf32>,
      %get3A_383 = vector.shape_cast %get3A_382 : vector<1x16xf32> to vector<16xf32>
      %max3A_384 = arith.maximumf %max3A_335, %get3A_383 : vector<16xf32>
      %add3A_385 = arith.constant 2 : i32
      %add3A_386 = arith.addi %mul3A_246, %add3A_385 : i32
      %get3A_387 = arith.index_cast %add3A_386 : i32 to index
      %get3A_388 = arith.constant 96 : index
      %get3A_389 = tpu.vector_load %arg9[%get3A_387, %get3A_388] {strides = array<i32>} : memref<100x128xf32, #tpu.memory_space<vmem>>, vector<1x16xf32>,
      %get3A_390 = vector.shape_cast %get3A_389 : vector<1x16xf32> to vector<16xf32>
      %max3A_391 = arith.maximumf %max3A_342, %get3A_390 : vector<16xf32>
      %add3A_392 = arith.constant 3 : i32
      %add3A_393 = arith.addi %mul3A_246, %add3A_392 : i32
      %get3A_394 = arith.index_cast %add3A_393 : i32 to index
      %get3A_395 = arith.constant 0 : index
      %get3A_396 = tpu.vector_load %arg9[%get3A_394, %get3A_395] {strides = array<i32>} : memref<100x128xf32, #tpu.memory_space<vmem>>, vector<1x16xf32>,
      %get3A_397 = vector.shape_cast %get3A_396 : vector<1x16xf32> to vector<16xf32>
      %max3A_398 = arith.maximumf %max3A_349, %get3A_397 : vector<16xf32>
      %add3A_399 = arith.constant 3 : i32
      %add3A_400 = arith.addi %mul3A_246, %add3A_399 : i32
      %get3A_401 = arith.index_cast %add3A_400 : i32 to index
      %get3A_402 = arith.constant 16 : index
      %get3A_403 = tpu.vector_load %arg9[%get3A_401, %get3A_402] {strides = array<i32>} : memref<100x128xf32, #tpu.memory_space<vmem>>, vector<1x16xf32>,
      %get3A_404 = vector.shape_cast %get3A_403 : vector<1x16xf32> to vector<16xf32>
      %max3A_405 = arith.maximumf %max3A_356, %get3A_404 : vector<16xf32>
      %add3A_406 = arith.constant 3 : i32
      %add3A_407 = arith.addi %mul3A_246, %add3A_406 : i32
      %get3A_408 = arith.index_cast %add3A_407 : i32 to index
      %get3A_409 = arith.constant 32 : index
      %get3A_410 = tpu.vector_load %arg9[%get3A_408, %get3A_409] {strides = array<i32>} : memref<100x128xf32, #tpu.memory_space<vmem>>, vector<1x16xf32>,
      %get3A_411 = vector.shape_cast %get3A_410 : vector<1x16xf32> to vector<16xf32>
      %max3A_412 = arith.maximumf %max3A_363, %get3A_411 : vector<16xf32>
      %add3A_413 = arith.constant 3 : i32
      %add3A_414 = arith.addi %mul3A_246, %add3A_413 : i32
      %get3A_415 = arith.index_cast %add3A_414 : i32 to index
      %get3A_416 = arith.constant 48 : index
      %get3A_417 = tpu.vector_load %arg9[%get3A_415, %get3A_416] {strides = array<i32>} : memref<100x128xf32, #tpu.memory_space<vmem>>, vector<1x16xf32>,
      %get3A_418 = vector.shape_cast %get3A_417 : vector<1x16xf32> to vector<16xf32>
      %max3A_419 = arith.maximumf %max3A_370, %get3A_418 : vector<16xf32>
      %add3A_420 = arith.constant 3 : i32
      %add3A_421 = arith.addi %mul3A_246, %add3A_420 : i32
      %get3A_422 = arith.index_cast %add3A_421 : i32 to index
      %get3A_423 = arith.constant 64 : index
      %get3A_424 = tpu.vector_load %arg9[%get3A_422, %get3A_423] {strides = array<i32>} : memref<100x128xf32, #tpu.memory_space<vmem>>, vector<1x16xf32>,
      %get3A_425 = vector.shape_cast %get3A_424 : vector<1x16xf32> to vector<16xf32>
      %max3A_426 = arith.maximumf %max3A_377, %get3A_425 : vector<16xf32>
      %add3A_427 = arith.constant 3 : i32
      %add3A_428 = arith.addi %mul3A_246, %add3A_427 : i32
      %get3A_429 = arith.index_cast %add3A_428 : i32 to index
      %get3A_430 = arith.constant 80 : index
      %get3A_431 = tpu.vector_load %arg9[%get3A_429, %get3A_430] {strides = array<i32>} : memref<100x128xf32, #tpu.memory_space<vmem>>, vector<1x16xf32>,
      %get3A_432 = vector.shape_cast %get3A_431 : vector<1x16xf32> to vector<16xf32>
      %max3A_433 = arith.maximumf %max3A_384, %get3A_432 : vector<16xf32>
      %add3A_434 = arith.constant 3 : i32
      %add3A_435 = arith.addi %mul3A_246, %add3A_434 : i32
      %get3A_436 = arith.index_cast %add3A_435 : i32 to index
      %get3A_437 = arith.constant 96 : index
      %get3A_438 = tpu.vector_load %arg9[%get3A_436, %get3A_437] {strides = array<i32>} : memref<100x128xf32, #tpu.memory_space<vmem>>, vector<1x16xf32>,
      %get3A_439 = vector.shape_cast %get3A_438 : vector<1x16xf32> to vector<16xf32>
      %max3A_440 = arith.maximumf %max3A_391, %get3A_439 : vector<16xf32>
      scf.yield %max3A_398, %max3A_405, %max3A_412, %max3A_419, %max3A_426, %max3A_433, %max3A_440 : vector<16xf32>, vector<16xf32>, vector<16xf32>, vector<16xf32>, vector<16xf32>, vector<16xf32>, vector<16xf32>
    }
    %scan3A_171 = arith.constant 25 : i32
    %swap3A_172 = arith.constant 127 : i32
    %swap3A_173 = arith.index_cast %swap3A_172 : i32 to index
    %swap3A_174 = arith.constant 0 : index
    %swap3A_175 = tpu.vector_load %arg12[%swap3A_173, %swap3A_174] {strides = array<i32>} : memref<128x112xf32, #tpu.memory_space<vmem>>, vector<1x16xf32>,
    %swap3A_176 = vector.shape_cast %swap3A_175 : vector<1x16xf32> to vector<16xf32>
    %swap3A_177 = vector.shape_cast %scan3A_170#0 : vector<16xf32> to vector<1x16xf32>
    tpu.vector_store %arg12[%swap3A_173, %swap3A_174], %swap3A_177 {strides = array<i32>} : memref<128x112xf32, #tpu.memory_space<vmem>>, vector<1x16xf32>,
    %swap3A_178 = arith.constant 127 : i32
    %swap3A_179 = arith.index_cast %swap3A_178 : i32 to index
    %swap3A_180 = arith.constant 16 : index
    %swap3A_181 = tpu.vector_load %arg12[%swap3A_179, %swap3A_180] {strides = array<i32>} : memref<128x112xf32, #tpu.memory_space<vmem>>, vector<1x16xf32>,
    %swap3A_182 = vector.shape_cast %swap3A_181 : vector<1x16xf32> to vector<16xf32>
    %swap3A_183 = vector.shape_cast %scan3A_170#1 : vector<16xf32> to vector<1x16xf32>
    tpu.vector_store %arg12[%swap3A_179, %swap3A_180], %swap3A_183 {strides = array<i32>} : memref<128x112xf32, #tpu.memory_space<vmem>>, vector<1x16xf32>,
    %swap3A_184 = arith.constant 127 : i32
    %swap3A_185 = arith.index_cast %swap3A_184 : i32 to index
    %swap3A_186 = arith.constant 32 : index
    %swap3A_187 = tpu.vector_load %arg12[%swap3A_185, %swap3A_186] {strides = array<i32>} : memref<128x112xf32, #tpu.memory_space<vmem>>, vector<1x16xf32>,
    %swap3A_188 = vector.shape_cast %swap3A_187 : vector<1x16xf32> to vector<16xf32>
    %swap3A_189 = vector.shape_cast %scan3A_170#2 : vector<16xf32> to vector<1x16xf32>
    tpu.vector_store %arg12[%swap3A_185, %swap3A_186], %swap3A_189 {strides = array<i32>} : memref<128x112xf32, #tpu.memory_space<vmem>>, vector<1x16xf32>,
    %swap3A_190 = arith.constant 127 : i32
    %swap3A_191 = arith.index_cast %swap3A_190 : i32 to index
    %swap3A_192 = arith.constant 48 : index
    %swap3A_193 = tpu.vector_load %arg12[%swap3A_191, %swap3A_192] {strides = array<i32>} : memref<128x112xf32, #tpu.memory_space<vmem>>, vector<1x16xf32>,
    %swap3A_194 = vector.shape_cast %swap3A_193 : vector<1x16xf32> to vector<16xf32>
    %swap3A_195 = vector.shape_cast %scan3A_170#3 : vector<16xf32> to vector<1x16xf32>
    tpu.vector_store %arg12[%swap3A_191, %swap3A_192], %swap3A_195 {strides = array<i32>} : memref<128x112xf32, #tpu.memory_space<vmem>>, vector<1x16xf32>,
    %swap3A_196 = arith.constant 127 : i32
    %swap3A_197 = arith.index_cast %swap3A_196 : i32 to index
    %swap3A_198 = arith.constant 64 : index
    %swap3A_199 = tpu.vector_load %arg12[%swap3A_197, %swap3A_198] {strides = array<i32>} : memref<128x112xf32, #tpu.memory_space<vmem>>, vector<1x16xf32>,
    %swap3A_200 = vector.shape_cast %swap3A_199 : vector<1x16xf32> to vector<16xf32>
    %swap3A_201 = vector.shape_cast %scan3A_170#4 : vector<16xf32> to vector<1x16xf32>
    tpu.vector_store %arg12[%swap3A_197, %swap3A_198], %swap3A_201 {strides = array<i32>} : memref<128x112xf32, #tpu.memory_space<vmem>>, vector<1x16xf32>,
    %swap3A_202 = arith.constant 127 : i32
    %swap3A_203 = arith.index_cast %swap3A_202 : i32 to index
    %swap3A_204 = arith.constant 80 : index
    %swap3A_205 = tpu.vector_load %arg12[%swap3A_203, %swap3A_204] {strides = array<i32>} : memref<128x112xf32, #tpu.memory_space<vmem>>, vector<1x16xf32>,
    %swap3A_206 = vector.shape_cast %swap3A_205 : vector<1x16xf32> to vector<16xf32>
    %swap3A_207 = vector.shape_cast %scan3A_170#5 : vector<16xf32> to vector<1x16xf32>
    tpu.vector_store %arg12[%swap3A_203, %swap3A_204], %swap3A_207 {strides = array<i32>} : memref<128x112xf32, #tpu.memory_space<vmem>>, vector<1x16xf32>,
    %swap3A_208 = arith.constant 127 : i32
    %swap3A_209 = arith.index_cast %swap3A_208 : i32 to index
    %swap3A_210 = arith.constant 96 : index
    %swap3A_211 = tpu.vector_load %arg12[%swap3A_209, %swap3A_210] {strides = array<i32>} : memref<128x112xf32, #tpu.memory_space<vmem>>, vector<1x16xf32>,
    %swap3A_212 = vector.shape_cast %swap3A_211 : vector<1x16xf32> to vector<16xf32>
    %swap3A_213 = vector.shape_cast %scan3A_170#6 : vector<16xf32> to vector<1x16xf32>
    tpu.vector_store %arg12[%swap3A_209, %swap3A_210], %swap3A_213 {strides = array<i32>} : memref<128x112xf32, #tpu.memory_space<vmem>>, vector<1x16xf32>,
    %broadcast_in_dim3A_214 = arith.constant 0xFF800000 : f32
    %broadcast_in_dim3A_215 = vector.broadcast %broadcast_in_dim3A_214 : f32 to vector<16xf32>
    %broadcast_in_dim3A_216 = arith.constant 0xFF800000 : f32
    %broadcast_in_dim3A_217 = vector.broadcast %broadcast_in_dim3A_216 : f32 to vector<16xf32>
    %broadcast_in_dim3A_218 = arith.constant 0xFF800000 : f32
    %broadcast_in_dim3A_219 = vector.broadcast %broadcast_in_dim3A_218 : f32 to vector<16xf32>
    %broadcast_in_dim3A_220 = arith.constant 0xFF800000 : f32
    %broadcast_in_dim3A_221 = vector.broadcast %broadcast_in_dim3A_220 : f32 to vector<16xf32>
    %broadcast_in_dim3A_222 = arith.constant 0xFF800000 : f32
    %broadcast_in_dim3A_223 = vector.broadcast %broadcast_in_dim3A_222 : f32 to vector<16xf32>
    %broadcast_in_dim3A_224 = arith.constant 0xFF800000 : f32
    %broadcast_in_dim3A_225 = vector.broadcast %broadcast_in_dim3A_224 : f32 to vector<16xf32>
    %broadcast_in_dim3A_226 = arith.constant 0xFF800000 : f32
    %broadcast_in_dim3A_227 = vector.broadcast %broadcast_in_dim3A_226 : f32 to vector<16xf32>
    %dma_wait3A_228 = arith.constant 0 : i32
    %dma_wait3A_229 = arith.constant 0 : i32
    %dma_wait3A_230 = tpu.memref_slice %arg5[%dma_wait3A_228, %dma_wait3A_229] : memref<256x100xi32, #tpu.memory_space<vmem>> -> memref<1x100xi32, #tpu.memory_space<vmem>>
    %dma_wait3A_231 = tpu.memref_squeeze %dma_wait3A_230 : memref<1x100xi32, #tpu.memory_space<vmem>> -> memref<100xi32, #tpu.memory_space<vmem>>
    %dma_wait3A_232 = arith.constant 0 : i32
    %dma_wait3A_233 = arith.constant 0 : i32
    %dma_wait3A_234 = tpu.memref_slice %arg3[%dma_wait3A_232, %dma_wait3A_233] : memref<100000x128xf32, #tpu.memory_space<hbm>> -> memref<100000x128xf32, #tpu.memory_space<hbm>>
    tpu.wait_indirect_dma semaphore(%arg17 : memref<!tpu.dma_semaphore, #tpu.memory_space<semaphore_mem>>) src(%dma_wait3A_234 : memref<100000x128xf32, #tpu.memory_space<hbm>>) dst(%arg10 : memref<100x128xf32, #tpu.memory_space<vmem>>)
    %mul3A_235 = arith.constant 128 : i32
    %mul3A_236 = arith.muli %add3A, %mul3A_235 : i32
    "tpu.region"() ({
      %run_scoped3A = tpu.sem_alloc : memref<!tpu.dma_semaphore, #tpu.memory_space<semaphore_mem>>
      %dma_start3A_237 = arith.constant 0 : i32
      %dma_start3A_238 = tpu.memref_slice %arg4[%mul3A_236, %dma_start3A_237] : memref<4096x112xf32, #tpu.memory_space<hbm>> -> memref<128x112xf32, #tpu.memory_space<hbm>>
      %dma_start3A_239 = arith.constant 0 : i32
      %dma_start3A_240 = tpu.memref_slice %arg4[%mul3A_236, %dma_start3A_239] : memref<4096x112xf32, #tpu.memory_space<hbm>> -> memref<128x112xf32, #tpu.memory_space<hbm>>
      tpu.enqueue_dma source(%arg12 : memref<128x112xf32, #tpu.memory_space<vmem>>) target(%dma_start3A_240 : memref<128x112xf32, #tpu.memory_space<hbm>>) target_semaphore(%run_scoped3A : memref<!tpu.dma_semaphore, #tpu.memory_space<semaphore_mem>>)
      %dma_wait3A_241 = arith.constant 0 : i32
      %dma_wait3A_242 = tpu.memref_slice %arg4[%mul3A_236, %dma_wait3A_241] : memref<4096x112xf32, #tpu.memory_space<hbm>> -> memref<128x112xf32, #tpu.memory_space<hbm>>
      %dma_wait3A_243 = arith.constant 0 : i32
      %dma_wait3A_244 = tpu.memref_slice %arg4[%mul3A_236, %dma_wait3A_243] : memref<4096x112xf32, #tpu.memory_space<hbm>> -> memref<128x112xf32, #tpu.memory_space<hbm>>
      tpu.wait_dma2 semaphore(%run_scoped3A : memref<!tpu.dma_semaphore, #tpu.memory_space<semaphore_mem>>) src(%arg12 : memref<128x112xf32, #tpu.memory_space<vmem>>) dst(%dma_wait3A_244 : memref<128x112xf32, #tpu.memory_space<hbm>>)
      tpu.yield
    }) : () -> ()
    return
  }
}

module attributes {stable_mosaic.version = 14 : i64} {
  func.func @body(%arg0: i32, %arg1: memref<4000x64xf32, #tpu.memory_space<vmem>>, %arg2: memref<1x1x4000xf32, #tpu.memory_space<vmem>>, %arg3: memref<64x128xf32, #tpu.memory_space<vmem>>, %arg4: memref<1x128xf32, #tpu.memory_space<vmem>>, %arg5: memref<4000x128xf32, #tpu.memory_space<vmem>>) attributes {dimension_semantics = [#tpu.dimension_semantics<arbitrary>], iteration_bounds = array<i64: 25>, scalar_prefetch = 0 : i64, scratch_operands = 0 : i64, tpu.core_type = #tpu.core_type<tc>, window_params = [{transform_indices = @transform_0, window_bounds = array<i64: 4000, 64>}, {transform_indices = @transform_1, window_bounds = array<i64: 1, 1, 4000>}, {pipeline_mode = #tpu.pipeline_mode<synchronous>, transform_indices = @transform_2, window_bounds = array<i64: 64, 128>}, {pipeline_mode = #tpu.pipeline_mode<synchronous>, transform_indices = @transform_3, window_bounds = array<i64: 1, 128>}, {transform_indices = @transform_4, window_bounds = array<i64: 4000, 128>}]} {
    %get3A = arith.constant 0 : index
    %get3A_0 = arith.constant 0 : index
    %get3A_1 = vector.load %arg1[%get3A, %get3A_0] : memref<4000x64xf32, #tpu.memory_space<vmem>>, vector<4000x64xf32>
    %get3A_2 = arith.constant 0 : index
    %get3A_3 = arith.constant 0 : index
    %get3A_4 = vector.load %arg3[%get3A_2, %get3A_3] : memref<64x128xf32, #tpu.memory_space<vmem>>, vector<64x128xf32>
    %dot_general3A = arith.constant dense<0.000000e+00> : vector<4000x128xf32>
    %dot_general3A_5 = tpu.matmul %get3A_1, %get3A_4, %dot_general3A {dimension_numbers = #tpu.dot_dimension_numbers<[1], [0], [0], [1], [0, 0, 1, 1], [], []>, transpose_lhs_hint = false} : vector<4000x64xf32>, vector<64x128xf32>, vector<4000x128xf32> -> vector<4000x128xf32>
    %get3A_6 = arith.constant 0 : index
    %get3A_7 = arith.constant 0 : index
    %get3A_8 = arith.constant 0 : index
    %get3A_9 = vector.load %arg2[%get3A_6, %get3A_7, %get3A_8] : memref<1x1x4000xf32, #tpu.memory_space<vmem>>, vector<1x1x4000xf32>
    %get3A_10 = vector.shape_cast %get3A_9 : vector<1x1x4000xf32> to vector<1x4000xf32>
    %broadcast_in_dim3A = arith.constant 1.000000e+00 : f32
    %broadcast_in_dim3A_11 = vector.broadcast %broadcast_in_dim3A : f32 to vector<1x128xf32>
    %dot_general3A_12 = arith.constant dense<0.000000e+00> : vector<4000x128xf32>
    %dot_general3A_13 = tpu.matmul %get3A_10, %broadcast_in_dim3A_11, %dot_general3A_12 {dimension_numbers = #tpu.dot_dimension_numbers<[0], [0], [1], [1], [0, 1, 1, 1], [], []>, transpose_lhs_hint = false} : vector<1x4000xf32>, vector<1x128xf32>, vector<4000x128xf32> -> vector<4000x128xf32>
    %mul3A = arith.mulf %dot_general3A_5, %dot_general3A_13 : vector<4000x128xf32>
    %get3A_14 = arith.constant 0 : index
    %get3A_15 = arith.constant 0 : index
    %get3A_16 = vector.load %arg4[%get3A_14, %get3A_15] : memref<1x128xf32, #tpu.memory_space<vmem>>, vector<1x128xf32>
    %add3A = vector.broadcast %get3A_16 : vector<1x128xf32> to vector<4000x128xf32>
    %add3A_17 = arith.addf %mul3A, %add3A : vector<4000x128xf32>
    %swap3A = arith.constant 0 : index
    %swap3A_18 = arith.constant 0 : index
    %swap3A_19 = vector.load %arg5[%swap3A, %swap3A_18] : memref<4000x128xf32, #tpu.memory_space<vmem>>, vector<4000x128xf32>
    tpu.vector_store %arg5[%swap3A, %swap3A_18], %add3A_17 {strides = array<i32>} : memref<4000x128xf32, #tpu.memory_space<vmem>>, vector<4000x128xf32>,
    return
  }
  func.func @transform_0(%arg0: i32) -> (i32, i32) {
    %c0_i32 = arith.constant 0 : i32
    %c0_i32_0 = arith.constant 0 : i32
    return %arg0, %c0_i32 : i32, i32
  }
  func.func @transform_1(%arg0: i32) -> (i32, i32, i32) {
    %c0_i32 = arith.constant 0 : i32
    %c0_i32_0 = arith.constant 0 : i32
    %c0_i32_1 = arith.constant 0 : i32
    return %arg0, %c0_i32, %c0_i32_0 : i32, i32, i32
  }
  func.func @transform_2(%arg0: i32) -> (i32, i32) {
    %c0_i32 = arith.constant 0 : i32
    %c0_i32_0 = arith.constant 0 : i32
    %c0_i32_1 = arith.constant 0 : i32
    return %c0_i32, %c0_i32_0 : i32, i32
  }
  func.func @transform_3(%arg0: i32) -> (i32, i32) {
    %c0_i32 = arith.constant 0 : i32
    %c0_i32_0 = arith.constant 0 : i32
    %c0_i32_1 = arith.constant 0 : i32
    return %c0_i32, %c0_i32_0 : i32, i32
  }
  func.func @transform_4(%arg0: i32) -> (i32, i32) {
    %c0_i32 = arith.constant 0 : i32
    %c0_i32_0 = arith.constant 0 : i32
    return %arg0, %c0_i32 : i32, i32
  }
}

</mosaic_0001>

<sc_bundles>
// kernel: kernel.4.cloned.1.call-start
scs
__scs_entry_jumppad:
0x0: {  	(pc) =	sbr.rel $0x88, $3  }
0x1: {  	(tag) =	ssettag $0x0;
	lr =	simm.s32 $0x1  }
0x2: {  	[smem:$0x3F9C] =	sst lr;
	_ =	strace $0xD0000000  }
0x3: {  	_ = 	snop  }
0x4: {  	_ = 	snop  }
0x5: {  	_ = 	snop  }
0x6: {  	_ = 	snop  }
0x7: {  	_ = 	snop  }
__scs_overlays_trampoline_lowered:
0x8: {  	[smem:$0x3FAB] =	sst s0  }
0x9: {  	[smem:$0x3FAC] =	sst s1  }
0xa: {  	[smem:$0x3FAD] =	sst s2  }
0xb: {  	[smem:$0x3FAE] =	sst s3  }
0xc: {  	[smem:$0x3FAF] =	sst s4  }
0xd: {  	[smem:$0x3FB0] =	sst s5  }
0xe: {  	[smem:$0x3FB1] =	sst s6  }
0xf: {  	[smem:$0x3FB2] =	sst s7  }
0x10: {  	[smem:$0x3FB3] =	sst s8  }
0x11: {  	[smem:$0x3FB4] =	sst s9;
	s0 =	simm.s32 @!p0 $0x0  }
0x12: {  	s1 =	sld [smem:$0x3F9A];
	s0 =	simm.s32 @p0 $0x1  }
0x13: {  	[smem:$0x3FB5] =	sst s0;
	s0 =	simm.s32 @!p1 $0x0  }
0x14: {  	s2 =	sld [smem:$0x3F99];
	s0 =	simm.s32 @p1 $0x1  }
0x15: {  	[smem:$0x3FB6] =	sst s0;
	s0 =	simm.s32 @!p2 $0x0  }
0x16: {  	s3 =	sld [smem:$0x3FDB];
	s0 =	simm.s32 @p2 $0x1  }
0x17: {  	s4 =	simm.s32 $0x1BF5;
	[smem:$0x3FB8] =	sst s0  }
0x18: {  	s0 =	sld [smem:$0x3F9B];
	_ =	swait.ge [sflag:s4], $0x0  }
0x19: {  	s7 =	sld [smem:$0x3F9C]  }
0x1a: {  	s8 =	sadd.s32 $0xFFFFE003, lr  }
0x1b: {  	s9 =	sadd.s32 $0xFFFFFEF7, lr;
	s5 =	simm.s32 $0xFFFFFFFF;
	p2 =	slt.u32 s8, $0xFFFFF086  }
0x1c: {  	p1 =	slt.u32 s9, $0xF7A;
	s5 =	simm.s32 @!p2 $0x0  }
0x1d: {  	s5 =	simm.s32 @p1 $0x1;
	p0 =	seq.s32 s7, s2  }
0x1e: {  	s7 =	smul.u32 @!p0 $0xF7A, s2;
	p2 =	seq.s32 @!p0 s5, $0x0  }
0x1f: {  	s9 =	smul.u32 $0xF7A, s1;
	s8 =	simm.s32 @!p0 $0x1BF5;
	p2 =	por !p2, p0  }
0x20: {  	[sflag:s8] =	ssyncset.s32 @!p0 $0xFFFFF086;
	s6 =	sadd.s32 @!p0 s3, s7;
	s7 =	simm.s32 @!p0 $0x108  }
0x21: {  	s3 =	sadd.s32 s3, s9;
	s6 =	sadd.s32 @!p0 $0x88, s6;
	s7 =	simm.s32 @p2 $0x1082  }
0x22: {  	[simem:s7], [sflag:s8] =	dma.local @!p0 [hbm:s6], $0xF7A  }
0x23: {  	s9 =	sor.u32 $0xD0000000, s2;
	s6 =	simm.s32 $0x108;
	_ =	swait.ge @!p0 [sflag:s8], $0x0  }
0x24: {  	s3 =	sadd.s32 $0x88, s3;
	s6 =	simm.s32 @!p1 $0x1082;
	[sflag:s4] =	ssyncset.s32 $0xFFFFF086  }
0x25: {  	[simem:s6], [sflag:s4] =	dma.local [hbm:s3], $0xF7A  }
0x26: {  	[smem:$0x3F9C] =	sst s1;
	(tag) =	ssettag s2;
	_ =	strace s9  }
0x27: {  	s1 =	sld [smem:$0x3FAC]  }
0x28: {  	s2 =	sld [smem:$0x3FAD]  }
0x29: {  	s4 =	sld [smem:$0x3FAF]  }
0x2a: {  	p0 =	seq.s32 s5, $0x0;
	s5 =	sld [smem:$0x3FB0]  }
0x2b: {  	s6 =	sld [smem:$0x3FB1]  }
0x2c: {  	s7 =	sld [smem:$0x3FB2]  }
0x2d: {  	s3 =	simm.s32 $0x108;
	s8 =	sld [smem:$0x3FB3]  }
0x2e: {  	s3 =	simm.s32 @!p0 $0x1082;
	s9 =	sld [smem:$0x3FB4]  }
0x2f: {  	lr =	sadd.s32 s0, s3;
	s0 =	sld [smem:$0x3FAB]  }
0x30: {  	s3 =	sld [smem:$0x3FAE]  }
0x31: {  	[smem:$0x3FB7] =	sst s10  }
0x32: {  	s10 =	sld [smem:$0x3FB5];
	_ =	sdelay $0x3  }
0x33: {  	p0 =	seq.s32 s10, $0x1;
	s10 =	sld [smem:$0x3FB7];
	_ =	sdelay $0x3  }
0x34: {  	[smem:$0x3FB7] =	sst s10  }
0x35: {  	s10 =	sld [smem:$0x3FB6];
	_ =	sdelay $0x3  }
0x36: {  	p1 =	seq.s32 s10, $0x1;
	s10 =	sld [smem:$0x3FB7];
	_ =	sdelay $0x3  }
0x37: {  	[smem:$0x3FB7] =	sst s10  }
0x38: {  	s10 =	sld [smem:$0x3FB8]  }
0x39: {  	_ = 	snop;
	(pc) =	sbr.ind lr, $3  }
0x3a: {  	_ = 	snop  }
0x3b: {  	_ = 	snop  }
0x3c: {  	p2 =	seq.s32 s10, $0x1;
	s10 =	sld [smem:$0x3FB7]  }
0x3d: {  	_ =	shalt  }
0x3e: {  	_ =	shalt  }
0x3f: {  	_ =	shalt  }
0x40: {  	_ =	shalt  }
0x41: {  	_ =	shalt  }
0x42: {  	_ =	shalt  }
0x43: {  	_ =	shalt  }
0x44: {  	_ =	shalt  }
0x45: {  	_ =	shalt  }
0x46: {  	_ =	shalt  }
0x47: {  	_ =	shalt  }
0x48: {  	_ =	shalt  }
0x49: {  	_ =	shalt  }
0x4a: {  	_ =	shalt  }
0x4b: {  	_ =	shalt  }
0x4c: {  	_ =	shalt  }
0x4d: {  	_ =	shalt  }
0x4e: {  	_ =	shalt  }
0x4f: {  	_ =	shalt  }
0x50: {  	_ =	shalt  }
0x51: {  	_ =	shalt  }
0x52: {  	_ =	shalt  }
0x53: {  	_ =	shalt  }
0x54: {  	_ =	shalt  }
0x55: {  	_ =	shalt  }
0x56: {  	_ =	shalt  }
0x57: {  	_ =	shalt  }
0x58: {  	_ =	shalt  }
0x59: {  	_ =	shalt  }
0x5a: {  	_ =	shalt  }
0x5b: {  	_ =	shalt  }
0x5c: {  	_ =	shalt  }
0x5d: {  	_ =	shalt  }
0x5e: {  	_ =	shalt  }
0x5f: {  	_ =	shalt  }
0x60: {  	_ =	shalt  }
0x61: {  	_ =	shalt  }
0x62: {  	_ =	shalt  }
0x63: {  	_ =	shalt  }
0x64: {  	_ =	shalt  }
0x65: {  	_ =	shalt  }
0x66: {  	_ =	shalt  }
0x67: {  	_ =	shalt  }
0x68: {  	_ =	shalt  }
0x69: {  	_ =	shalt  }
0x6a: {  	_ =	shalt  }
0x6b: {  	_ =	shalt  }
0x6c: {  	_ =	shalt  }
0x6d: {  	_ =	shalt  }
0x6e: {  	_ =	shalt  }
0x6f: {  	_ =	shalt  }
0x70: {  	_ =	shalt  }
0x71: {  	_ =	shalt  }
0x72: {  	_ =	shalt  }
0x73: {  	_ =	shalt  }
0x74: {  	_ =	shalt  }
0x75: {  	_ =	shalt  }
0x76: {  	_ =	shalt  }
0x77: {  	_ =	shalt  }
0x78: {  	_ =	shalt  }
0x79: {  	_ =	shalt  }
0x7a: {  	_ =	shalt  }
0x7b: {  	_ =	shalt  }
0x7c: {  	_ =	shalt  }
0x7d: {  	_ =	shalt  }
0x7e: {  	_ =	shalt  }
0x7f: {  	_ =	shalt  }
0x80: {  	_ =	shalt  }
0x81: {  	_ =	shalt  }
0x82: {  	_ =	shalt  }
0x83: {  	_ =	shalt  }
0x84: {  	_ =	shalt  }
0x85: {  	_ =	shalt  }
0x86: {  	_ =	shalt  }
0x87: {  	_ =	shalt  }
.Lfunc_end0:
.L_simem_size_0:
called_computation_lowered:
.L_overlay_start_0:
0x88: {  	s2 =	sld [smem:$0x3FD9]  }
0x89: {  	s3 =	sld [smem:$0x3FFE];
	_ =	sdelay $0x1  }
0x8a: {  	s1 =	srdreg.scid  }
0x8b: {  	s0 =	sand.u32 $0x1, s1  }
0x8c: {  	s16 =	sshll.u32 s0, $0xA;
	s2 =	sadd.s32 s3, s2  }
0x8d: {  	s2 =	sadd.s32 s2, s16  }
0x8e: {  	[smem:$0x3FC3] =	sst s2  }
0x8f: {  	_ = 	snop  }
0x90: {  	(tm) =	ssettm $0x1  }
0x91: {  	s17 =	sld [smem:$0x3FFB];
	_ =	sdelay $0x3  }
0x92: {  	_ =	strace s17  }
0x93: {  	s2 =	sld [smem:$0x3FFC];
	_ =	sdelay $0x3  }
0x94: {  	_ =	strace s2  }
0x95: {  	s2 =	sld [smem:$0x3FFD];
	_ =	sdelay $0x3  }
0x96: {  	_ =	strace s2  }
0x97: {  	_ =	strace $0x8FFFFFFF  }
0x98: {  	s18 =	sld [smem:$0x3FDB];
	_ =	sdelay $0x1  }
0x99: {  	s19 =	simm.s32 $_scs_section_size  }
0x9a: {  	s4 =	simm.s32 $_size__tile_overlayer_lowered;
	s5 =	simm.s32 $_tile_overlayer_lowered  }
0x9b: {  	s22 =	simm.s32 $0x1BFF;
	s21 =	sshll.u32 s5, $0x1;
	s2 =	sadd.s32 s19, s18  }
0x9c: {  	s6 =	simm.s32 $0x0;
	s20 =	sshll.u32 s4, $0x1;
	s4 =	sadd.s32 s21, s2  }
0x9d: {  	[timem:s6], [sflag:s22] =	dma.local [hbm:s4], s20  }
0x9e: {  	_ =	swait.ge [sflag:s22], s20  }
0x9f: {  	s3 =	ssub.s32 $0x0, s20;
	[sflag:s22] =	ssyncset.done $0x0  }
0xa0: {  	[sflag:s22] =	ssyncadd.s32 s3;
	_ =	sdelay $0x1  }
0xa1: {  	s23 =	simm.s32 $0x1B8B  }
0xa2: {  	_ =	swait.ge [sflag:s23], $0x1  }
0xa3: {  	[sflag:s23] =	ssyncset.done $0x0  }
0xa4: {  	s25 =	simm.s32 $0x1B8E;
	s24 =	sld [smem:$0x3FFE];
	[sflag:s23] =	ssyncadd.s32 $0xFFFFFFFF  }
0xa5: {  	s26 =	simm.s32 $execute0_lowered;
	[smem:$0x3FD2] =	sst s25  }
0xa6: {  	s4 =	sshll.u32 s26, $0x1;
	_ =	strace $0x80000046;
	[dreg:$0x1] =	wrdreg $0xFFFFFFFF  }
0xa7: {  	s28 =	simm.s32 $_size_execute0_lowered;
	s2 =	sadd.s32 s2, s4;
	[dreg:$0x0] =	wrdreg $0x0  }
0xa8: {  	s4 =	sshll.u32 s28, $0x1;
	[dreg:$0x2] =	wrdreg s2  }
0xa9: {  	[dreg:$0x3] =	wrdreg s4  }
0xaa: {  	[dreg:$0x4] =	wrdreg $0xC0  }
0xab: {  	_ =	task [dreg:s6], $0x5FFFF  }
0xac: {  	[dreg:$0x1] =	wrdreg $0xFFFFFFFF  }
0xad: {  	[dreg:$0x0] =	wrdreg $0x60  }
0xae: {  	[dreg:$0x2] =	wrdreg s24  }
0xaf: {  	[dreg:$0x3] =	wrdreg $0x9  }
0xb0: {  	_ =	task.clear_ibuf [dreg:s6], $0x4FFFF;
	_ =	strace $0x90000046  }
0xb1: {  	s29 =	simm.s32 $0x9;
	_ =	strace $0x80000048  }
0xb2: {  	_ =	swait.ge [sflag:s29], $0x1  }
0xb3: {  	[sflag:s29] =	ssyncadd.s32 $0xFFFFFFFF  }
0xb4: {  	_ =	strace $0x90000048  }
0xb5: {  	_ =	sfence  }
0xb6: {  	s30 =	sld [smem:$0x0];
	_ =	sdelay $0x2  }
0xb7: {  	s31 =	sshll.u32 s1, $0xD;
	s1 =	sshrl.u32 s1, $0x2  }
0xb8: {  	s3 =	sand.u32 $0x4000, s31;
	s1 =	sadd.s32 s1, s30  }
0xb9: {  	s0 =	sor.u32 s3, s0;
	s1 =	sshll.u32 s1, $0x11  }
0xba: {  	s0 =	sor.u32 s1, s0  }
0xbb: {  	s0 =	sadd.s32 $0x8F2B, s0  }
0xbc: {  	[sflag:s0] =	ssyncadd.remote.s32 $0x1  }
0xbd: {  	_ =	sfence.sel $0xFFFF  }
0xbe: {  	[dreg:$0x0] =	wrdreg $0xFFFFFFFF;
	(pc) =	sbr.abs _section_cstart, $3  }
0xbf: {  	[dreg:$0x1] =	wrdreg $0xFFFFFFFF  }
0xc0: {  	_ =	task.clear_ibuf [dreg:s6], $0x2FFFF;
	_ =	strace $0x9FFFFFFF  }
0xc1: {  	(tm) =	ssettm $0x7FFFFFFF  }
tec
execute0_lowered:
.L_overlay_start_1:
0x0: {  	(tag) =	ssettag $0x1  }
0x1: {  	s1 =	srdreg.scid  }
0x2: {  	s0 =	stileid.u32;
	s5 =	rddreg [dreg:$0x0]  }
0x3: {  	s2 =	simm.s32 $0x0;
	s9 =	simm.s32 $0x8000;
	s10 =	simm.s32 $0x80  }
0x4: {  	s11 =	simm.s32 $0xB400;
	s12 =	simm.s32 $0x100;
	s13 =	simm.s32 $0xE800  }
0x5: {  	s14 =	simm.s32 $0x180;
	s15 =	simm.s32 $0x11C00;
	s16 =	simm.s32 $0x200  }
0x6: {  	s17 =	simm.s32 $0x15000;
	s18 =	simm.s32 $0x18400;
	s19 =	simm.s32 $0x1  }
0x7: {  	s20 =	simm.s32 $0x2;
	s21 =	simm.s32 $0x3;
	s22 =	simm.s32 $0x4  }
0x8: {  	s23 =	simm.s32 $0x5;
	s24 =	simm.s32 $0x6;
	s25 =	simm.s32 $0x1B800  }
0x9: {  	s26 =	simm.s32 $0x0;
	s1 =	sand.u32 $0x1, s1;
	s3 =	sshll.u32 s0, $0x1  }
0xa: {  	[smem:$0x7FF] =	sst s2;
	s4 =	sor.u32 s1, s3;
	s1 =	ssub.s32 $0x2, s1  }
0xb: {  	_ =	strace $0x80000047;
	s3 =	sshll.u32 s4, $0xC;
	s7 =	sshrl.u32 s1, $0x1  }
0xc: {  	s8 =	sshll.u32 s4, $0xB;
	s6 =	sadd.s32 s3, s5;
	s3 =	sadd.s32 $0x1A6A00, s5  }
0xd: {  	s1 =	ssub.s32 s1, s7;
	s5 =	sadd.s32 s5, s8;
	s7 =	simm.s32 $0x7  }
0xe: {  	s8 =	simm.s32 $0x64;
	s4 =	sadd.s32 $0x186A00, s6;
	s6 =	smax.u32 s1, $0x1  }
.LBB2_1:
0xf: {  	[tilespmem:s2], [sflag:$0x7] =	stream.linear.gather [hbm4b:s4+s2], $0x8000, $0x38;
	[tilespmem:$0x1F800] =	vst v63  }
0x10: {  	_ =	swait.ge [sflag:s7], $0x8000  }
0x11: {  	[sflag:s7] =	ssyncset.done $0x0  }
0x12: {  	[sflag:s7] =	ssyncadd.s32 $0xFFFF8000  }
0x13: {  	[tilespmem:s9], [sflag:$0x1] =	stream.indirect.gather [hbm4b:s3+s8], $0x80, s2, s8, $0xb8;
	[tilespmem:$0x1F800] =	vst v63  }
0x14: {  	_ = 	snop  }
0x15: {  	[tilespmem:s11], [sflag:$0x2] =	stream.indirect.gather [hbm4b:s3+s8], $0x80, s10, s8, $0xb8;
	[tilespmem:$0x1F800] =	vst v63  }
0x16: {  	_ = 	snop  }
0x17: {  	[tilespmem:s13], [sflag:$0x3] =	stream.indirect.gather [hbm4b:s3+s8], $0x80, s12, s8, $0xb8;
	[tilespmem:$0x1F800] =	vst v63  }
0x18: {  	_ = 	snop  }
0x19: {  	[tilespmem:s15], [sflag:$0x4] =	stream.indirect.gather [hbm4b:s3+s8], $0x80, s14, s8, $0xb8;
	[tilespmem:$0x1F800] =	vst v63  }
0x1a: {  	s28 =	simm.s32 $0x0  }
0x1b: {  	[tilespmem:s17], [sflag:$0x5] =	stream.indirect.gather [hbm4b:s3+s8], $0x80, s16, s8, $0xb8;
	[tilespmem:$0x1F800] =	vst v63  }
.LBB2_2:
0x1c: {  	s1 =	smul.u32 $0xC00, s28;
	_ =	sdelay $0x1  }
0x1d: {  	s30 =	sshra.s32 s1, $0x2  }
0x1e: {  	s1 =	sadd.s32 $0x280, s30  }
0x1f: {  	[tilespmem:s18], [sflag:$0x6] =	stream.indirect.gather [hbm4b:s3+s8], $0x80, s1, s8, $0xb8;
	[tilespmem:$0x1F800] =	vst v63  }
0x20: {  	_ =	swait.ge [sflag:s19], $0x3200  }
0x21: {  	[sflag:s19] =	ssyncset.done $0x0  }
0x22: {  	s29 =	simm.s32 $0x0;
	[sflag:s19] =	ssyncadd.s32 $0xFFFFCE00  }
0x23: {  	v14 =	vld [tilespmem:s29+$0x8180]  }
0x24: {  	v4 =	vld [tilespmem:s29+$0x8190]  }
0x25: {  	v6 =	vld [tilespmem:s29+$0x81A0]  }
0x26: {  	v8 =	vld [tilespmem:s29+$0x81B0]  }
0x27: {  	v0 =	vld [tilespmem:s29+$0x81C0]  }
0x28: {  	v1 =	vld [tilespmem:s29+$0x81D0]  }
0x29: {  	v2 =	vld [tilespmem:s29+$0x8100]  }
0x2a: {  	v19 =	vld [tilespmem:s29+$0x8110]  }
0x2b: {  	v20 =	vld [tilespmem:s29+$0x8120]  }
0x2c: {  	v23 =	vld [tilespmem:s29+$0x8130]  }
0x2d: {  	v10 =	vld [tilespmem:s29+$0x8140]  }
0x2e: {  	v11 =	vld [tilespmem:s29+$0x8150]  }
0x2f: {  	v3 =	vld [tilespmem:s29+$0x8080]  }
0x30: {  	v30 =	vld [tilespmem:s29+$0x8090]  }
0x31: {  	v31 =	vld [tilespmem:s29+$0x80A0]  }
0x32: {  	v5 =	vld [tilespmem:s29+$0x8000]  }
0x33: {  	v33 =	vld [tilespmem:s29+$0x80B0]  }
0x34: {  	v21 =	vld [tilespmem:s29+$0x80C0]  }
0x35: {  	v37 =	vld [tilespmem:s29+$0x8010]  }
0x36: {  	v38 =	vld [tilespmem:s29+$0x8020]  }
0x37: {  	v22 =	vimm.f32 $-Inf;
	v39 =	vld [tilespmem:s29+$0x8030]  }
0x38: {  	v27 =	vimm.f32 $-Inf;
	v29 =	vld [tilespmem:s29+$0x80D0];
	v5 =	vmax.f32 v22, v5  }
0x39: {  	v28 =	vimm.f32 $-Inf;
	v16 =	vimm.f32 $-Inf;
	v32 =	vld [tilespmem:s29+$0x8040];
	v3 =	vmax.f32 v5, v3  }
0x3a: {  	s31 =	simm.s32 $0x800;
	v17 =	vimm.f32 $-Inf;
	v18 =	vimm.f32 $-Inf;
	v36 =	vld [tilespmem:s29+$0x8050];
	v35 =	vmax.f32 v3, v2  }
.LBB2_3:
0x3b: {  	p0 =	sne.s32 s31, $0xC000;
	v2 =	vld [tilespmem:s29+$0x8060];
	v3 =	vmax.f32 v35, v14  }
0x3c: {  	v5 =	vmax.f32 v22, v37;
	v7 =	vmax.f32 v27, v38;
	v9 =	vmax.f32 v28, v39;
	v12 =	vld [tilespmem:s29+$0x80E0]  }
0x3d: {  	v5 =	vmax.f32 v5, v30;
	v7 =	vmax.f32 v7, v31;
	v9 =	vmax.f32 v9, v33;
	v13 =	vld [tilespmem:s29+$0x8160]  }
0x3e: {  	v5 =	vmax.f32 v5, v19;
	v7 =	vmax.f32 v7, v20;
	v9 =	vmax.f32 v9, v23;
	v15 =	vld [tilespmem:s29+$0x81E0];
	s29 =	sshra.s32 s31, $0x2  }
0x3f: {  	v22 =	vmax.f32 v5, v4;
	v27 =	vmax.f32 v7, v6;
	v14 =	vld [tilespmem:s29+$0x8180];
	v28 =	vmax.f32 v9, v8  }
0x40: {  	v5 =	vmax.f32 v16, v32;
	v7 =	vmax.f32 v17, v36;
	v4 =	vld [tilespmem:s29+$0x8190];
	v2 =	vmax.f32 v18, v2  }
0x41: {  	v5 =	vmax.f32 v5, v21;
	v7 =	vmax.f32 v7, v29;
	v6 =	vld [tilespmem:s29+$0x81A0];
	v2 =	vmax.f32 v2, v12  }
0x42: {  	v5 =	vmax.f32 v5, v10;
	v7 =	vmax.f32 v7, v11;
	v8 =	vld [tilespmem:s29+$0x81B0];
	v2 =	vmax.f32 v2, v13  }
0x43: {  	v16 =	vmax.f32 v5, v0;
	v17 =	vmax.f32 v7, v1;
	v0 =	vld [tilespmem:s29+$0x81C0];
	v18 =	vmax.f32 v2, v15  }
0x44: {  	v1 =	vld [tilespmem:s29+$0x81D0]  }
0x45: {  	v2 =	vld [tilespmem:s29+$0x8100]  }
0x46: {  	v19 =	vld [tilespmem:s29+$0x8110]  }
0x47: {  	v20 =	vld [tilespmem:s29+$0x8120]  }
0x48: {  	v23 =	vld [tilespmem:s29+$0x8130]  }
0x49: {  	v10 =	vld [tilespmem:s29+$0x8140]  }
0x4a: {  	v11 =	vld [tilespmem:s29+$0x8150]  }
0x4b: {  	v5 =	vld [tilespmem:s29+$0x8080]  }
0x4c: {  	v30 =	vld [tilespmem:s29+$0x8090]  }
0x4d: {  	v31 =	vld [tilespmem:s29+$0x80A0]  }
0x4e: {  	v33 =	vld [tilespmem:s29+$0x80B0]  }
0x4f: {  	v7 =	vld [tilespmem:s29+$0x8000]  }
0x50: {  	v21 =	vld [tilespmem:s29+$0x80C0]  }
0x51: {  	v37 =	vld [tilespmem:s29+$0x8010]  }
.Ltmp0:
0x52: {  	v38 =	vld [tilespmem:s29+$0x8020];
	(pc) =	sbr.rel @p0 .LBB2_3-.Ltmp0, $4  }
0x53: {  	v39 =	vld [tilespmem:s29+$0x8030]  }
0x54: {  	v3 =	vmax.f32 v3, v7;
	v29 =	vld [tilespmem:s29+$0x80D0]  }
0x55: {  	v32 =	vld [tilespmem:s29+$0x8040];
	v3 =	vmax.f32 v3, v5  }
0x56: {  	s31 =	sadd.s32 $0x800, s31;
	v36 =	vld [tilespmem:s29+$0x8050];
	v35 =	vmax.f32 v3, v2  }
0x57: {  	v40 =	vld [tilespmem:s29+$0x8060]  }
0x58: {  	v41 =	vld [tilespmem:s29+$0x80E0]  }
0x59: {  	v42 =	vld [tilespmem:s29+$0x8160];
	s1 =	sadd.s32 $0x300, s30  }
0x5a: {  	v43 =	vld [tilespmem:s29+$0x81E0];
	[tilespmem:s9], [sflag:$0x1] =	stream.indirect.gather [hbm4b:s3+s8], $0x80, s1, s8, $0xb8  }
0x5b: {  	_ =	swait.ge [sflag:s20], $0x3200  }
0x5c: {  	[sflag:s20] =	ssyncset.done $0x0  }
0x5d: {  	s29 =	simm.s32 $0x0;
	[sflag:s20] =	ssyncadd.s32 $0xFFFFCE00  }
0x5e: {  	v15 =	vld [tilespmem:s29+$0xB580]  }
0x5f: {  	v5 =	vld [tilespmem:s29+$0xB590]  }
0x60: {  	v7 =	vld [tilespmem:s29+$0xB5A0]  }
0x61: {  	v9 =	vld [tilespmem:s29+$0xB5B0]  }
0x62: {  	v2 =	vld [tilespmem:s29+$0xB5C0]  }
0x63: {  	v3 =	vld [tilespmem:s29+$0xB5D0]  }
0x64: {  	v44 =	vld [tilespmem:s29+$0xB500]  }
0x65: {  	v24 =	vld [tilespmem:s29+$0xB510]  }
0x66: {  	v25 =	vld [tilespmem:s29+$0xB520]  }
0x67: {  	v26 =	vld [tilespmem:s29+$0xB530]  }
0x68: {  	v13 =	vld [tilespmem:s29+$0xB540]  }
0x69: {  	v12 =	vld [tilespmem:s29+$0xB550]  }
0x6a: {  	v45 =	vld [tilespmem:s29+$0xB480]  }
0x6b: {  	v34 =	vld [tilespmem:s29+$0xB490]  }
0x6c: {  	v46 =	vmax.f32 v35, v14;
	v35 =	vld [tilespmem:s29+$0xB4A0]  }
0x6d: {  	v14 =	vmax.f32 v22, v37;
	v27 =	vmax.f32 v27, v38;
	v28 =	vmax.f32 v28, v39;
	v22 =	vld [tilespmem:s29+$0xB4B0]  }
0x6e: {  	v14 =	vmax.f32 v14, v30;
	v27 =	vmax.f32 v27, v31;
	v28 =	vmax.f32 v28, v33;
	v63 =	vld [tilespmem:s29+$0xB400]  }
0x6f: {  	v14 =	vmax.f32 v14, v19;
	v20 =	vmax.f32 v27, v20;
	v23 =	vmax.f32 v28, v23;
	v19 =	vld [tilespmem:s29+$0xB4C0]  }
0x70: {  	v14 =	vmax.f32 v14, v4;
	v6 =	vmax.f32 v20, v6;
	v4 =	vmax.f32 v16, v32;
	v20 =	vld [tilespmem:s29+$0xB410]  }
0x71: {  	v8 =	vmax.f32 v23, v8;
	v16 =	vmax.f32 v17, v36;
	v18 =	vmax.f32 v18, v40;
	v17 =	vld [tilespmem:s29+$0xB420]  }
0x72: {  	v4 =	vmax.f32 v4, v21;
	v16 =	vmax.f32 v16, v29;
	v21 =	vmax.f32 v18, v41;
	v18 =	vld [tilespmem:s29+$0xB430]  }
0x73: {  	v4 =	vmax.f32 v4, v10;
	v10 =	vld [tilespmem:s29+$0xB4D0];
	v16 =	vmax.f32 v16, v11;
	v11 =	vmax.f32 v46, v63  }
0x74: {  	v21 =	vmax.f32 v21, v42;
	v1 =	vmax.f32 v16, v1;
	v16 =	vld [tilespmem:s29+$0xB450];
	v23 =	vmax.f32 v11, v45  }
0x75: {  	s1 =	simm.s32 $0x800;
	v4 =	vmax.f32 v4, v0;
	v0 =	vmax.f32 v21, v43;
	v11 =	vld [tilespmem:s29+$0xB440];
	v21 =	vmax.f32 v23, v44  }
.LBB2_5:
0x76: {  	p0 =	sne.s32 s1, $0xC000;
	v23 =	vld [tilespmem:s29+$0xB460];
	v21 =	vmax.f32 v21, v15  }
0x77: {  	v14 =	vmax.f32 v14, v20;
	v6 =	vmax.f32 v6, v17;
	v8 =	vmax.f32 v8, v18;
	v17 =	vld [tilespmem:s29+$0xB4E0]  }
0x78: {  	v14 =	vmax.f32 v14, v34;
	v6 =	vmax.f32 v6, v35;
	v8 =	vmax.f32 v8, v22;
	v18 =	vld [tilespmem:s29+$0xB560]  }
0x79: {  	v14 =	vmax.f32 v14, v24;
	v6 =	vmax.f32 v6, v25;
	v8 =	vmax.f32 v8, v26;
	v20 =	vld [tilespmem:s29+$0xB5E0];
	s29 =	sshra.s32 s1, $0x2  }
0x7a: {  	v14 =	vmax.f32 v14, v5;
	v6 =	vmax.f32 v6, v7;
	v15 =	vld [tilespmem:s29+$0xB580];
	v8 =	vmax.f32 v8, v9  }
0x7b: {  	v4 =	vmax.f32 v4, v11;
	v1 =	vmax.f32 v1, v16;
	v5 =	vld [tilespmem:s29+$0xB590];
	v0 =	vmax.f32 v0, v23  }
0x7c: {  	v4 =	vmax.f32 v4, v19;
	v1 =	vmax.f32 v1, v10;
	v7 =	vld [tilespmem:s29+$0xB5A0];
	v0 =	vmax.f32 v0, v17  }
0x7d: {  	v4 =	vmax.f32 v4, v13;
	v1 =	vmax.f32 v1, v12;
	v9 =	vld [tilespmem:s29+$0xB5B0];
	v0 =	vmax.f32 v0, v18  }
0x7e: {  	v4 =	vmax.f32 v4, v2;
	v1 =	vmax.f32 v1, v3;
	v2 =	vld [tilespmem:s29+$0xB5C0];
	v0 =	vmax.f32 v0, v20  }
0x7f: {  	v3 =	vld [tilespmem:s29+$0xB5D0]  }
0x80: {  	v23 =	vld [tilespmem:s29+$0xB500]  }
0x81: {  	v24 =	vld [tilespmem:s29+$0xB510]  }
0x82: {  	v25 =	vld [tilespmem:s29+$0xB520]  }
0x83: {  	v26 =	vld [tilespmem:s29+$0xB530]  }
0x84: {  	v13 =	vld [tilespmem:s29+$0xB540]  }
0x85: {  	v12 =	vld [tilespmem:s29+$0xB550]  }
0x86: {  	v16 =	vld [tilespmem:s29+$0xB480]  }
0x87: {  	v34 =	vld [tilespmem:s29+$0xB490]  }
0x88: {  	v35 =	vld [tilespmem:s29+$0xB4A0]  }
0x89: {  	v22 =	vld [tilespmem:s29+$0xB4B0]  }
0x8a: {  	v10 =	vld [tilespmem:s29+$0xB400]  }
0x8b: {  	v19 =	vld [tilespmem:s29+$0xB4C0]  }
0x8c: {  	v20 =	vld [tilespmem:s29+$0xB410]  }
.Ltmp1:
0x8d: {  	v17 =	vld [tilespmem:s29+$0xB420];
	(pc) =	sbr.rel @p0 .LBB2_5-.Ltmp1, $4  }
0x8e: {  	v18 =	vld [tilespmem:s29+$0xB430]  }
0x8f: {  	v21 =	vmax.f32 v21, v10;
	v10 =	vld [tilespmem:s29+$0xB4D0]  }
0x90: {  	v11 =	vld [tilespmem:s29+$0xB440];
	v21 =	vmax.f32 v21, v16  }
0x91: {  	s1 =	sadd.s32 $0x800, s1;
	v16 =	vld [tilespmem:s29+$0xB450];
	v21 =	vmax.f32 v21, v23  }
0x92: {  	v23 =	vld [tilespmem:s29+$0xB460];
	v15 =	vmax.f32 v21, v15  }
0x93: {  	v14 =	vmax.f32 v14, v20;
	v6 =	vmax.f32 v6, v17;
	v17 =	vld [tilespmem:s29+$0xB4E0];
	s1 =	smul.u32 $0x600, s28;
	v8 =	vmax.f32 v8, v18  }
0x94: {  	v20 =	vld [tilespmem:s29+$0xB5E0];
	v14 =	vmax.f32 v14, v34;
	v6 =	vmax.f32 v6, v35;
	v8 =	vmax.f32 v8, v22  }
0x95: {  	v18 =	vld [tilespmem:s29+$0xB560];
	v14 =	vmax.f32 v14, v24;
	v6 =	vmax.f32 v6, v25;
	s29 =	sshra.s32 s1, $0x2;
	v8 =	vmax.f32 v8, v26  }
0x96: {  	v5 =	vmax.f32 v14, v5;
	v6 =	vmax.f32 v6, v7;
	v4 =	vmax.f32 v4, v11;
	[tilespmem:s29+$0x1B800] =	vst v15  }
0x97: {  	v7 =	vmax.f32 v8, v9;
	v1 =	vmax.f32 v1, v16;
	v4 =	vmax.f32 v4, v19;
	[tilespmem:s29+$0x1B810] =	vst v5  }
0x98: {  	[tilespmem:s29+$0x1B820] =	vst v6;
	v0 =	vmax.f32 v0, v23;
	v1 =	vmax.f32 v1, v10;
	v4 =	vmax.f32 v4, v13  }
0x99: {  	[tilespmem:s29+$0x1B830] =	vst v7;
	v0 =	vmax.f32 v0, v17;
	v1 =	vmax.f32 v1, v12;
	v2 =	vmax.f32 v4, v2  }
0x9a: {  	v0 =	vmax.f32 v0, v18;
	v1 =	vmax.f32 v1, v3;
	[tilespmem:s29+$0x1B840] =	vst v2  }
0x9b: {  	v0 =	vmax.f32 v0, v20;
	[tilespmem:s29+$0x1B850] =	vst v1  }
0x9c: {  	s1 =	sadd.s32 $0x380, s30;
	[tilespmem:s29+$0x1B860] =	vst v0  }
0x9d: {  	[tilespmem:s11], [sflag:$0x2] =	stream.indirect.gather [hbm4b:s3+s8], $0x80, s1, s8, $0xb8;
	[tilespmem:$0x1F800] =	vst v63  }
0x9e: {  	_ =	swait.ge [sflag:s21], $0x3200  }
0x9f: {  	[sflag:s21] =	ssyncset.done $0x0  }
0xa0: {  	s31 =	simm.s32 $0x0;
	[sflag:s21] =	ssyncadd.s32 $0xFFFFCE00  }
0xa1: {  	v14 =	vld [tilespmem:s31+$0xE980]  }
0xa2: {  	v4 =	vld [tilespmem:s31+$0xE990]  }
0xa3: {  	v5 =	vld [tilespmem:s31+$0xE9A0]  }
0xa4: {  	v7 =	vld [tilespmem:s31+$0xE9B0]  }
0xa5: {  	v0 =	vld [tilespmem:s31+$0xE9C0]  }
0xa6: {  	v1 =	vld [tilespmem:s31+$0xE9D0]  }
0xa7: {  	v2 =	vld [tilespmem:s31+$0xE900]  }
0xa8: {  	v19 =	vld [tilespmem:s31+$0xE910]  }
0xa9: {  	v20 =	vld [tilespmem:s31+$0xE920]  }
0xaa: {  	v23 =	vld [tilespmem:s31+$0xE930]  }
0xab: {  	v10 =	vld [tilespmem:s31+$0xE940]  }
0xac: {  	v11 =	vld [tilespmem:s31+$0xE950]  }
0xad: {  	v3 =	vld [tilespmem:s31+$0xE880]  }
0xae: {  	v30 =	vld [tilespmem:s31+$0xE890]  }
0xaf: {  	v31 =	vld [tilespmem:s31+$0xE8A0]  }
0xb0: {  	v6 =	vld [tilespmem:s31+$0xE800]  }
0xb1: {  	v33 =	vld [tilespmem:s31+$0xE8B0]  }
0xb2: {  	v21 =	vld [tilespmem:s31+$0xE8C0]  }
0xb3: {  	v37 =	vld [tilespmem:s31+$0xE810]  }
0xb4: {  	v38 =	vld [tilespmem:s31+$0xE820]  }
0xb5: {  	v22 =	vimm.f32 $-Inf;
	v39 =	vld [tilespmem:s31+$0xE830]  }
0xb6: {  	v27 =	vimm.f32 $-Inf;
	v29 =	vld [tilespmem:s31+$0xE8D0];
	v6 =	vmax.f32 v22, v6  }
0xb7: {  	v28 =	vimm.f32 $-Inf;
	v16 =	vimm.f32 $-Inf;
	v32 =	vld [tilespmem:s31+$0xE840];
	v3 =	vmax.f32 v6, v3  }
0xb8: {  	v17 =	vimm.f32 $-Inf;
	v18 =	vimm.f32 $-Inf;
	s1 =	simm.s32 $0x800;
	v35 =	vld [tilespmem:s31+$0xE850];
	v36 =	vmax.f32 v3, v2  }
.LBB2_7:
0xb9: {  	p0 =	sne.s32 s1, $0xC000;
	v2 =	vld [tilespmem:s31+$0xE860];
	v3 =	vmax.f32 v36, v14  }
0xba: {  	v6 =	vmax.f32 v22, v37;
	v8 =	vmax.f32 v27, v38;
	v9 =	vmax.f32 v28, v39;
	v12 =	vld [tilespmem:s31+$0xE8E0]  }
0xbb: {  	v6 =	vmax.f32 v6, v30;
	v8 =	vmax.f32 v8, v31;
	v9 =	vmax.f32 v9, v33;
	v13 =	vld [tilespmem:s31+$0xE960]  }
0xbc: {  	v6 =	vmax.f32 v6, v19;
	v8 =	vmax.f32 v8, v20;
	v9 =	vmax.f32 v9, v23;
	v15 =	vld [tilespmem:s31+$0xE9E0];
	s31 =	sshra.s32 s1, $0x2  }
0xbd: {  	v22 =	vmax.f32 v6, v4;
	v27 =	vmax.f32 v8, v5;
	v14 =	vld [tilespmem:s31+$0xE980];
	v28 =	vmax.f32 v9, v7  }
0xbe: {  	v6 =	vmax.f32 v16, v32;
	v7 =	vmax.f32 v17, v35;
	v4 =	vld [tilespmem:s31+$0xE990];
	v2 =	vmax.f32 v18, v2  }
0xbf: {  	v6 =	vmax.f32 v6, v21;
	v8 =	vmax.f32 v7, v29;
	v5 =	vld [tilespmem:s31+$0xE9A0];
	v2 =	vmax.f32 v2, v12  }
0xc0: {  	v6 =	vmax.f32 v6, v10;
	v8 =	vmax.f32 v8, v11;
	v7 =	vld [tilespmem:s31+$0xE9B0];
	v2 =	vmax.f32 v2, v13  }
0xc1: {  	v16 =	vmax.f32 v6, v0;
	v17 =	vmax.f32 v8, v1;
	v0 =	vld [tilespmem:s31+$0xE9C0];
	v18 =	vmax.f32 v2, v15  }
0xc2: {  	v1 =	vld [tilespmem:s31+$0xE9D0]  }
0xc3: {  	v2 =	vld [tilespmem:s31+$0xE900]  }
0xc4: {  	v19 =	vld [tilespmem:s31+$0xE910]  }
0xc5: {  	v20 =	vld [tilespmem:s31+$0xE920]  }
0xc6: {  	v23 =	vld [tilespmem:s31+$0xE930]  }
0xc7: {  	v10 =	vld [tilespmem:s31+$0xE940]  }
0xc8: {  	v11 =	vld [tilespmem:s31+$0xE950]  }
0xc9: {  	v6 =	vld [tilespmem:s31+$0xE880]  }
0xca: {  	v30 =	vld [tilespmem:s31+$0xE890]  }
0xcb: {  	v31 =	vld [tilespmem:s31+$0xE8A0]  }
0xcc: {  	v33 =	vld [tilespmem:s31+$0xE8B0]  }
0xcd: {  	v8 =	vld [tilespmem:s31+$0xE800]  }
0xce: {  	v21 =	vld [tilespmem:s31+$0xE8C0]  }
0xcf: {  	v37 =	vld [tilespmem:s31+$0xE810]  }
.Ltmp2:
0xd0: {  	v38 =	vld [tilespmem:s31+$0xE820];
	(pc) =	sbr.rel @p0 .LBB2_7-.Ltmp2, $4  }
0xd1: {  	v39 =	vld [tilespmem:s31+$0xE830]  }
0xd2: {  	v3 =	vmax.f32 v3, v8;
	v29 =	vld [tilespmem:s31+$0xE8D0]  }
0xd3: {  	v32 =	vld [tilespmem:s31+$0xE840];
	v3 =	vmax.f32 v3, v6  }
0xd4: {  	s1 =	sadd.s32 $0x800, s1;
	v35 =	vld [tilespmem:s31+$0xE850];
	v36 =	vmax.f32 v3, v2  }
0xd5: {  	v40 =	vld [tilespmem:s31+$0xE860]  }
0xd6: {  	v41 =	vld [tilespmem:s31+$0xE8E0]  }
0xd7: {  	v42 =	vld [tilespmem:s31+$0xE960];
	s1 =	sadd.s32 $0x400, s30  }
0xd8: {  	v43 =	vld [tilespmem:s31+$0xE9E0];
	[tilespmem:s13], [sflag:$0x3] =	stream.indirect.gather [hbm4b:s3+s8], $0x80, s1, s8, $0xb8  }
0xd9: {  	_ =	swait.ge [sflag:s22], $0x3200  }
0xda: {  	[sflag:s22] =	ssyncset.done $0x0  }
0xdb: {  	s31 =	simm.s32 $0x0;
	[sflag:s22] =	ssyncadd.s32 $0xFFFFCE00  }
0xdc: {  	v15 =	vld [tilespmem:s31+$0x11D80]  }
0xdd: {  	v6 =	vld [tilespmem:s31+$0x11D90]  }
0xde: {  	v8 =	vld [tilespmem:s31+$0x11DA0]  }
0xdf: {  	v9 =	vld [tilespmem:s31+$0x11DB0]  }
0xe0: {  	v2 =	vld [tilespmem:s31+$0x11DC0]  }
0xe1: {  	v3 =	vld [tilespmem:s31+$0x11DD0]  }
0xe2: {  	v44 =	vld [tilespmem:s31+$0x11D00]  }
0xe3: {  	v24 =	vld [tilespmem:s31+$0x11D10]  }
0xe4: {  	v25 =	vld [tilespmem:s31+$0x11D20]  }
0xe5: {  	v26 =	vld [tilespmem:s31+$0x11D30]  }
0xe6: {  	v13 =	vld [tilespmem:s31+$0x11D40]  }
0xe7: {  	v12 =	vld [tilespmem:s31+$0x11D50]  }
0xe8: {  	v45 =	vld [tilespmem:s31+$0x11C80]  }
0xe9: {  	v34 =	vld [tilespmem:s31+$0x11C90]  }
0xea: {  	v46 =	vmax.f32 v36, v14;
	v36 =	vld [tilespmem:s31+$0x11CA0]  }
0xeb: {  	v14 =	vmax.f32 v22, v37;
	v27 =	vmax.f32 v27, v38;
	v28 =	vmax.f32 v28, v39;
	v22 =	vld [tilespmem:s31+$0x11CB0]  }
0xec: {  	v14 =	vmax.f32 v14, v30;
	v27 =	vmax.f32 v27, v31;
	v28 =	vmax.f32 v28, v33;
	v63 =	vld [tilespmem:s31+$0x11C00]  }
0xed: {  	v19 =	vmax.f32 v14, v19;
	v20 =	vmax.f32 v27, v20;
	v23 =	vmax.f32 v28, v23;
	v14 =	vld [tilespmem:s31+$0x11CC0]  }
0xee: {  	v4 =	vmax.f32 v19, v4;
	v5 =	vmax.f32 v20, v5;
	v16 =	vmax.f32 v16, v32;
	v19 =	vld [tilespmem:s31+$0x11C10]  }
0xef: {  	v7 =	vmax.f32 v23, v7;
	v17 =	vmax.f32 v17, v35;
	v20 =	vmax.f32 v18, v40;
	v18 =	vld [tilespmem:s31+$0x11C20]  }
0xf0: {  	v16 =	vmax.f32 v16, v21;
	v17 =	vmax.f32 v17, v29;
	v21 =	vmax.f32 v20, v41;
	v20 =	vld [tilespmem:s31+$0x11C30]  }
0xf1: {  	v10 =	vmax.f32 v16, v10;
	v17 =	vmax.f32 v17, v11;
	v11 =	vld [tilespmem:s31+$0x11CD0];
	v16 =	vmax.f32 v46, v63  }
0xf2: {  	v21 =	vmax.f32 v21, v42;
	v1 =	vmax.f32 v17, v1;
	v17 =	vld [tilespmem:s31+$0x11C50];
	v23 =	vmax.f32 v16, v45  }
0xf3: {  	s1 =	simm.s32 $0x800;
	v10 =	vmax.f32 v10, v0;
	v0 =	vmax.f32 v21, v43;
	v16 =	vld [tilespmem:s31+$0x11C40];
	v21 =	vmax.f32 v23, v44  }
.LBB2_9:
0xf4: {  	p0 =	sne.s32 s1, $0xC000;
	v23 =	vld [tilespmem:s31+$0x11C60];
	v21 =	vmax.f32 v21, v15  }
0xf5: {  	v4 =	vmax.f32 v4, v19;
	v5 =	vmax.f32 v5, v18;
	v7 =	vmax.f32 v7, v20;
	v18 =	vld [tilespmem:s31+$0x11CE0]  }
0xf6: {  	v4 =	vmax.f32 v4, v34;
	v5 =	vmax.f32 v5, v36;
	v7 =	vmax.f32 v7, v22;
	v19 =	vld [tilespmem:s31+$0x11D60]  }
0xf7: {  	v4 =	vmax.f32 v4, v24;
	v5 =	vmax.f32 v5, v25;
	v7 =	vmax.f32 v7, v26;
	v20 =	vld [tilespmem:s31+$0x11DE0];
	s31 =	sshra.s32 s1, $0x2  }
0xf8: {  	v4 =	vmax.f32 v4, v6;
	v5 =	vmax.f32 v5, v8;
	v15 =	vld [tilespmem:s31+$0x11D80];
	v7 =	vmax.f32 v7, v9  }
0xf9: {  	v9 =	vmax.f32 v10, v16;
	v1 =	vmax.f32 v1, v17;
	v6 =	vld [tilespmem:s31+$0x11D90];
	v0 =	vmax.f32 v0, v23  }
0xfa: {  	v10 =	vmax.f32 v9, v14;
	v1 =	vmax.f32 v1, v11;
	v8 =	vld [tilespmem:s31+$0x11DA0];
	v0 =	vmax.f32 v0, v18  }
0xfb: {  	v10 =	vmax.f32 v10, v13;
	v1 =	vmax.f32 v1, v12;
	v9 =	vld [tilespmem:s31+$0x11DB0];
	v0 =	vmax.f32 v0, v19  }
0xfc: {  	v10 =	vmax.f32 v10, v2;
	v1 =	vmax.f32 v1, v3;
	v2 =	vld [tilespmem:s31+$0x11DC0];
	v0 =	vmax.f32 v0, v20  }
0xfd: {  	v3 =	vld [tilespmem:s31+$0x11DD0]  }
0xfe: {  	v23 =	vld [tilespmem:s31+$0x11D00]  }
0xff: {  	v24 =	vld [tilespmem:s31+$0x11D10]  }
0x100: {  	v25 =	vld [tilespmem:s31+$0x11D20]  }
0x101: {  	v26 =	vld [tilespmem:s31+$0x11D30]  }
0x102: {  	v13 =	vld [tilespmem:s31+$0x11D40]  }
0x103: {  	v12 =	vld [tilespmem:s31+$0x11D50]  }
0x104: {  	v17 =	vld [tilespmem:s31+$0x11C80]  }
0x105: {  	v34 =	vld [tilespmem:s31+$0x11C90]  }
0x106: {  	v36 =	vld [tilespmem:s31+$0x11CA0]  }
0x107: {  	v22 =	vld [tilespmem:s31+$0x11CB0]  }
0x108: {  	v11 =	vld [tilespmem:s31+$0x11C00]  }
0x109: {  	v14 =	vld [tilespmem:s31+$0x11CC0]  }
0x10a: {  	v19 =	vld [tilespmem:s31+$0x11C10]  }
.Ltmp3:
0x10b: {  	v18 =	vld [tilespmem:s31+$0x11C20];
	(pc) =	sbr.rel @p0 .LBB2_9-.Ltmp3, $4  }
0x10c: {  	v20 =	vld [tilespmem:s31+$0x11C30]  }
0x10d: {  	v21 =	vmax.f32 v21, v11;
	v11 =	vld [tilespmem:s31+$0x11CD0]  }
0x10e: {  	v16 =	vld [tilespmem:s31+$0x11C40];
	v21 =	vmax.f32 v21, v17  }
0x10f: {  	s1 =	sadd.s32 $0x800, s1;
	v17 =	vld [tilespmem:s31+$0x11C50];
	v21 =	vmax.f32 v21, v23  }
0x110: {  	v15 =	vmax.f32 v21, v15  }
0x111: {  	v23 =	vld [tilespmem:s31+$0x11C60];
	v4 =	vmax.f32 v4, v19;
	v5 =	vmax.f32 v5, v18;
	v7 =	vmax.f32 v7, v20  }
0x112: {  	v18 =	vld [tilespmem:s31+$0x11CE0];
	v4 =	vmax.f32 v4, v34;
	v5 =	vmax.f32 v5, v36;
	v7 =	vmax.f32 v7, v22  }
0x113: {  	v19 =	vld [tilespmem:s31+$0x11D60];
	v4 =	vmax.f32 v4, v24;
	v5 =	vmax.f32 v5, v25;
	v7 =	vmax.f32 v7, v26  }
0x114: {  	v20 =	vld [tilespmem:s31+$0x11DE0];
	[tilespmem:s29+$0x1B880] =	vst v15;
	v4 =	vmax.f32 v4, v6;
	v5 =	vmax.f32 v5, v8;
	v6 =	vmax.f32 v10, v16  }
0x115: {  	v7 =	vmax.f32 v7, v9;
	v1 =	vmax.f32 v1, v17;
	v6 =	vmax.f32 v6, v14;
	[tilespmem:s29+$0x1B890] =	vst v4  }
0x116: {  	[tilespmem:s29+$0x1B8A0] =	vst v5;
	v0 =	vmax.f32 v0, v23;
	v1 =	vmax.f32 v1, v11;
	v4 =	vmax.f32 v6, v13  }
0x117: {  	[tilespmem:s29+$0x1B8B0] =	vst v7;
	v0 =	vmax.f32 v0, v18;
	v1 =	vmax.f32 v1, v12;
	v2 =	vmax.f32 v4, v2  }
0x118: {  	v0 =	vmax.f32 v0, v19;
	v1 =	vmax.f32 v1, v3;
	[tilespmem:s29+$0x1B8C0] =	vst v2  }
0x119: {  	v0 =	vmax.f32 v0, v20;
	[tilespmem:s29+$0x1B8D0] =	vst v1  }
0x11a: {  	s1 =	sadd.s32 $0x480, s30;
	[tilespmem:s29+$0x1B8E0] =	vst v0  }
0x11b: {  	[tilespmem:s15], [sflag:$0x4] =	stream.indirect.gather [hbm4b:s3+s8], $0x80, s1, s8, $0xb8;
	[tilespmem:$0x1F800] =	vst v63  }
0x11c: {  	_ =	swait.ge [sflag:s23], $0x3200  }
0x11d: {  	[sflag:s23] =	ssyncset.done $0x0  }
0x11e: {  	s30 =	simm.s32 $0x0;
	[sflag:s23] =	ssyncadd.s32 $0xFFFFCE00  }
0x11f: {  	v14 =	vld [tilespmem:s30+$0x15180]  }
0x120: {  	v4 =	vld [tilespmem:s30+$0x15190]  }
0x121: {  	v5 =	vld [tilespmem:s30+$0x151A0]  }
0x122: {  	v6 =	vld [tilespmem:s30+$0x151B0]  }
0x123: {  	v0 =	vld [tilespmem:s30+$0x151C0]  }
0x124: {  	v1 =	vld [tilespmem:s30+$0x151D0]  }
0x125: {  	v2 =	vld [tilespmem:s30+$0x15100]  }
0x126: {  	v19 =	vld [tilespmem:s30+$0x15110]  }
0x127: {  	v20 =	vld [tilespmem:s30+$0x15120]  }
0x128: {  	v23 =	vld [tilespmem:s30+$0x15130]  }
0x129: {  	v8 =	vld [tilespmem:s30+$0x15140]  }
0x12a: {  	v10 =	vld [tilespmem:s30+$0x15150]  }
0x12b: {  	v3 =	vld [tilespmem:s30+$0x15080]  }
0x12c: {  	v30 =	vld [tilespmem:s30+$0x15090]  }
0x12d: {  	v31 =	vld [tilespmem:s30+$0x150A0]  }
0x12e: {  	v7 =	vld [tilespmem:s30+$0x15000]  }
0x12f: {  	v33 =	vld [tilespmem:s30+$0x150B0]  }
0x130: {  	v21 =	vld [tilespmem:s30+$0x150C0]  }
0x131: {  	v37 =	vld [tilespmem:s30+$0x15010]  }
0x132: {  	v38 =	vld [tilespmem:s30+$0x15020]  }
0x133: {  	v22 =	vimm.f32 $-Inf;
	v39 =	vld [tilespmem:s30+$0x15030]  }
0x134: {  	v25 =	vimm.f32 $-Inf;
	v29 =	vld [tilespmem:s30+$0x150D0];
	v7 =	vmax.f32 v22, v7  }
0x135: {  	v26 =	vimm.f32 $-Inf;
	v16 =	vimm.f32 $-Inf;
	v32 =	vld [tilespmem:s30+$0x15040];
	v3 =	vmax.f32 v7, v3  }
0x136: {  	v17 =	vimm.f32 $-Inf;
	v18 =	vimm.f32 $-Inf;
	s1 =	simm.s32 $0x800;
	v34 =	vld [tilespmem:s30+$0x15050];
	v36 =	vmax.f32 v3, v2  }
.LBB2_11:
0x137: {  	p0 =	sne.s32 s1, $0xC000;
	v2 =	vld [tilespmem:s30+$0x15060];
	v3 =	vmax.f32 v36, v14  }
0x138: {  	v7 =	vmax.f32 v22, v37;
	v9 =	vmax.f32 v25, v38;
	v11 =	vmax.f32 v26, v39;
	v12 =	vld [tilespmem:s30+$0x150E0]  }
0x139: {  	v7 =	vmax.f32 v7, v30;
	v9 =	vmax.f32 v9, v31;
	v11 =	vmax.f32 v11, v33;
	v13 =	vld [tilespmem:s30+$0x15160]  }
0x13a: {  	v7 =	vmax.f32 v7, v19;
	v9 =	vmax.f32 v9, v20;
	v11 =	vmax.f32 v11, v23;
	v15 =	vld [tilespmem:s30+$0x151E0];
	s30 =	sshra.s32 s1, $0x2  }
0x13b: {  	v22 =	vmax.f32 v7, v4;
	v25 =	vmax.f32 v9, v5;
	v14 =	vld [tilespmem:s30+$0x15180];
	v26 =	vmax.f32 v11, v6  }
0x13c: {  	v6 =	vmax.f32 v16, v32;
	v7 =	vmax.f32 v17, v34;
	v4 =	vld [tilespmem:s30+$0x15190];
	v2 =	vmax.f32 v18, v2  }
0x13d: {  	v9 =	vmax.f32 v6, v21;
	v7 =	vmax.f32 v7, v29;
	v5 =	vld [tilespmem:s30+$0x151A0];
	v2 =	vmax.f32 v2, v12  }
0x13e: {  	v8 =	vmax.f32 v9, v8;
	v7 =	vmax.f32 v7, v10;
	v6 =	vld [tilespmem:s30+$0x151B0];
	v2 =	vmax.f32 v2, v13  }
0x13f: {  	v16 =	vmax.f32 v8, v0;
	v17 =	vmax.f32 v7, v1;
	v0 =	vld [tilespmem:s30+$0x151C0];
	v18 =	vmax.f32 v2, v15  }
0x140: {  	v1 =	vld [tilespmem:s30+$0x151D0]  }
0x141: {  	v2 =	vld [tilespmem:s30+$0x15100]  }
0x142: {  	v19 =	vld [tilespmem:s30+$0x15110]  }
0x143: {  	v20 =	vld [tilespmem:s30+$0x15120]  }
0x144: {  	v23 =	vld [tilespmem:s30+$0x15130]  }
0x145: {  	v8 =	vld [tilespmem:s30+$0x15140]  }
0x146: {  	v10 =	vld [tilespmem:s30+$0x15150]  }
0x147: {  	v7 =	vld [tilespmem:s30+$0x15080]  }
0x148: {  	v30 =	vld [tilespmem:s30+$0x15090]  }
0x149: {  	v31 =	vld [tilespmem:s30+$0x150A0]  }
0x14a: {  	v33 =	vld [tilespmem:s30+$0x150B0]  }
0x14b: {  	v9 =	vld [tilespmem:s30+$0x15000]  }
0x14c: {  	v21 =	vld [tilespmem:s30+$0x150C0]  }
0x14d: {  	v37 =	vld [tilespmem:s30+$0x15010]  }
.Ltmp4:
0x14e: {  	v38 =	vld [tilespmem:s30+$0x15020];
	(pc) =	sbr.rel @p0 .LBB2_11-.Ltmp4, $4  }
0x14f: {  	v39 =	vld [tilespmem:s30+$0x15030]  }
0x150: {  	v3 =	vmax.f32 v3, v9;
	v29 =	vld [tilespmem:s30+$0x150D0]  }
0x151: {  	v32 =	vld [tilespmem:s30+$0x15040];
	v3 =	vmax.f32 v3, v7  }
0x152: {  	s1 =	sadd.s32 $0x800, s1;
	v34 =	vld [tilespmem:s30+$0x15050];
	v36 =	vmax.f32 v3, v2  }
0x153: {  	s1 =	smul.u32 $0x6, s28;
	_ =	sdelay $0x1  }
0x154: {  	v40 =	vld [tilespmem:s30+$0x15060];
	s1 =	smin.u32 s1, $0xF5  }
0x155: {  	v41 =	vld [tilespmem:s30+$0x150E0];
	s1 =	sshll.u32 s1, $0x7  }
0x156: {  	v42 =	vld [tilespmem:s30+$0x15160];
	s1 =	sadd.s32 $0x500, s1  }
0x157: {  	v43 =	vld [tilespmem:s30+$0x151E0];
	[tilespmem:s17], [sflag:$0x5] =	stream.indirect.gather [hbm4b:s3+s8], $0x80, s1, s8, $0xb8  }
0x158: {  	_ =	swait.ge [sflag:s24], $0x3200  }
0x159: {  	[sflag:s24] =	ssyncset.done $0x0  }
0x15a: {  	s30 =	simm.s32 $0x0;
	[sflag:s24] =	ssyncadd.s32 $0xFFFFCE00  }
0x15b: {  	v15 =	vld [tilespmem:s30+$0x18580]  }
0x15c: {  	v7 =	vld [tilespmem:s30+$0x18590]  }
0x15d: {  	v9 =	vld [tilespmem:s30+$0x185A0]  }
0x15e: {  	v11 =	vld [tilespmem:s30+$0x185B0]  }
0x15f: {  	v2 =	vld [tilespmem:s30+$0x185C0]  }
0x160: {  	v3 =	vld [tilespmem:s30+$0x185D0]  }
0x161: {  	v44 =	vld [tilespmem:s30+$0x18500]  }
0x162: {  	v24 =	vld [tilespmem:s30+$0x18510]  }
0x163: {  	v27 =	vld [tilespmem:s30+$0x18520]  }
0x164: {  	v28 =	vld [tilespmem:s30+$0x18530]  }
0x165: {  	v13 =	vld [tilespmem:s30+$0x18540]  }
0x166: {  	v12 =	vld [tilespmem:s30+$0x18550]  }
0x167: {  	v45 =	vld [tilespmem:s30+$0x18480]  }
0x168: {  	v35 =	vld [tilespmem:s30+$0x18490]  }
0x169: {  	v46 =	vmax.f32 v36, v14;
	v36 =	vld [tilespmem:s30+$0x184A0]  }
0x16a: {  	v14 =	vmax.f32 v22, v37;
	v25 =	vmax.f32 v25, v38;
	v26 =	vmax.f32 v26, v39;
	v22 =	vld [tilespmem:s30+$0x184B0]  }
0x16b: {  	v14 =	vmax.f32 v14, v30;
	v25 =	vmax.f32 v25, v31;
	v26 =	vmax.f32 v26, v33;
	v30 =	vld [tilespmem:s30+$0x18400]  }
0x16c: {  	v19 =	vmax.f32 v14, v19;
	v20 =	vmax.f32 v25, v20;
	v23 =	vmax.f32 v26, v23;
	v14 =	vld [tilespmem:s30+$0x184C0]  }
0x16d: {  	v4 =	vmax.f32 v19, v4;
	v5 =	vmax.f32 v20, v5;
	v16 =	vmax.f32 v16, v32;
	v19 =	vld [tilespmem:s30+$0x18410]  }
0x16e: {  	v6 =	vmax.f32 v23, v6;
	v17 =	vmax.f32 v17, v34;
	v20 =	vmax.f32 v18, v40;
	v18 =	vld [tilespmem:s30+$0x18420]  }
0x16f: {  	v16 =	vmax.f32 v16, v21;
	v17 =	vmax.f32 v17, v29;
	v21 =	vmax.f32 v20, v41;
	v20 =	vld [tilespmem:s30+$0x18430]  }
0x170: {  	v8 =	vmax.f32 v16, v8;
	v17 =	vmax.f32 v17, v10;
	v10 =	vld [tilespmem:s30+$0x184D0];
	v16 =	vmax.f32 v46, v30  }
0x171: {  	v21 =	vmax.f32 v21, v42;
	v1 =	vmax.f32 v17, v1;
	v17 =	vld [tilespmem:s30+$0x18450];
	v23 =	vmax.f32 v16, v45  }
0x172: {  	s1 =	simm.s32 $0x800;
	v8 =	vmax.f32 v8, v0;
	v0 =	vmax.f32 v21, v43;
	v16 =	vld [tilespmem:s30+$0x18440];
	v21 =	vmax.f32 v23, v44  }
.LBB2_13:
0x173: {  	p0 =	sne.s32 s1, $0xC000;
	v23 =	vld [tilespmem:s30+$0x18460];
	v21 =	vmax.f32 v21, v15  }
0x174: {  	v4 =	vmax.f32 v4, v19;
	v5 =	vmax.f32 v5, v18;
	v6 =	vmax.f32 v6, v20;
	v18 =	vld [tilespmem:s30+$0x184E0]  }
0x175: {  	v4 =	vmax.f32 v4, v35;
	v5 =	vmax.f32 v5, v36;
	v6 =	vmax.f32 v6, v22;
	v19 =	vld [tilespmem:s30+$0x18560]  }
0x176: {  	v4 =	vmax.f32 v4, v24;
	v5 =	vmax.f32 v5, v27;
	v6 =	vmax.f32 v6, v28;
	v20 =	vld [tilespmem:s30+$0x185E0];
	s30 =	sshra.s32 s1, $0x2  }
0x177: {  	v4 =	vmax.f32 v4, v7;
	v5 =	vmax.f32 v5, v9;
	v15 =	vld [tilespmem:s30+$0x18580];
	v6 =	vmax.f32 v6, v11  }
0x178: {  	v8 =	vmax.f32 v8, v16;
	v1 =	vmax.f32 v1, v17;
	v7 =	vld [tilespmem:s30+$0x18590];
	v0 =	vmax.f32 v0, v23  }
0x179: {  	v8 =	vmax.f32 v8, v14;
	v1 =	vmax.f32 v1, v10;
	v9 =	vld [tilespmem:s30+$0x185A0];
	v0 =	vmax.f32 v0, v18  }
0x17a: {  	v8 =	vmax.f32 v8, v13;
	v1 =	vmax.f32 v1, v12;
	v11 =	vld [tilespmem:s30+$0x185B0];
	v0 =	vmax.f32 v0, v19  }
0x17b: {  	v8 =	vmax.f32 v8, v2;
	v1 =	vmax.f32 v1, v3;
	v2 =	vld [tilespmem:s30+$0x185C0];
	v0 =	vmax.f32 v0, v20  }
0x17c: {  	v3 =	vld [tilespmem:s30+$0x185D0]  }
0x17d: {  	v23 =	vld [tilespmem:s30+$0x18500]  }
0x17e: {  	v24 =	vld [tilespmem:s30+$0x18510]  }
0x17f: {  	v27 =	vld [tilespmem:s30+$0x18520]  }
0x180: {  	v28 =	vld [tilespmem:s30+$0x18530]  }
0x181: {  	v13 =	vld [tilespmem:s30+$0x18540]  }
0x182: {  	v12 =	vld [tilespmem:s30+$0x18550]  }
0x183: {  	v17 =	vld [tilespmem:s30+$0x18480]  }
0x184: {  	v35 =	vld [tilespmem:s30+$0x18490]  }
0x185: {  	v36 =	vld [tilespmem:s30+$0x184A0]  }
0x186: {  	v22 =	vld [tilespmem:s30+$0x184B0]  }
0x187: {  	v10 =	vld [tilespmem:s30+$0x18400]  }
0x188: {  	v14 =	vld [tilespmem:s30+$0x184C0]  }
0x189: {  	v19 =	vld [tilespmem:s30+$0x18410]  }
.Ltmp5:
0x18a: {  	v18 =	vld [tilespmem:s30+$0x18420];
	(pc) =	sbr.rel @p0 .LBB2_13-.Ltmp5, $4  }
0x18b: {  	v20 =	vld [tilespmem:s30+$0x18430]  }
0x18c: {  	v21 =	vmax.f32 v21, v10;
	v10 =	vld [tilespmem:s30+$0x184D0]  }
0x18d: {  	v16 =	vld [tilespmem:s30+$0x18440];
	v21 =	vmax.f32 v21, v17  }
0x18e: {  	s1 =	sadd.s32 $0x800, s1;
	v17 =	vld [tilespmem:s30+$0x18450];
	v21 =	vmax.f32 v21, v23  }
0x18f: {  	v15 =	vmax.f32 v21, v15  }
0x190: {  	v23 =	vld [tilespmem:s30+$0x18460];
	v4 =	vmax.f32 v4, v19;
	v5 =	vmax.f32 v5, v18;
	v6 =	vmax.f32 v6, v20  }
0x191: {  	v59 =	vld [tilespmem:s30+$0x184E0];
	v4 =	vmax.f32 v4, v35;
	v5 =	vmax.f32 v5, v36;
	v6 =	vmax.f32 v6, v22  }
0x192: {  	v60 =	vld [tilespmem:s30+$0x18560];
	v4 =	vmax.f32 v4, v24;
	v5 =	vmax.f32 v5, v27;
	v6 =	vmax.f32 v6, v28  }
0x193: {  	v61 =	vld [tilespmem:s30+$0x185E0];
	s28 =	sadd.s32 $0x1, s28;
	[tilespmem:s29+$0x1B900] =	vst v15;
	v4 =	vmax.f32 v4, v7;
	v5 =	vmax.f32 v5, v9;
	v62 =	vmax.f32 v8, v16  }
0x194: {  	p0 =	sne.s32 s28, $0x2A;
	v6 =	vmax.f32 v6, v11;
	v1 =	vmax.f32 v1, v17;
	v7 =	vmax.f32 v62, v14;
	[tilespmem:s29+$0x1B910] =	vst v4  }
.Ltmp6:
0x195: {  	[tilespmem:s29+$0x1B920] =	vst v5;
	v0 =	vmax.f32 v0, v23;
	v1 =	vmax.f32 v1, v10;
	v63 =	vmax.f32 v7, v13;
	(pc) =	sbr.rel @p0 .LBB2_2-.Ltmp6, $4  }
0x196: {  	[tilespmem:s29+$0x1B930] =	vst v6;
	v0 =	vmax.f32 v0, v59;
	v1 =	vmax.f32 v1, v12;
	v2 =	vmax.f32 v63, v2  }
0x197: {  	v0 =	vmax.f32 v0, v60;
	v1 =	vmax.f32 v1, v3;
	[tilespmem:s29+$0x1B940] =	vst v2  }
0x198: {  	v0 =	vmax.f32 v0, v61;
	[tilespmem:s29+$0x1B950] =	vst v1  }
0x199: {  	[tilespmem:s29+$0x1B960] =	vst v0  }
0x19a: {  	_ =	swait.ge [sflag:s19], $0x3200  }
0x19b: {  	[sflag:s19] =	ssyncset.done $0x0  }
0x19c: {  	s28 =	simm.s32 $0x0;
	[sflag:s19] =	ssyncadd.s32 $0xFFFFCE00  }
0x19d: {  	v14 =	vld [tilespmem:s28+$0x8180]  }
0x19e: {  	v4 =	vld [tilespmem:s28+$0x8190]  }
0x19f: {  	v6 =	vld [tilespmem:s28+$0x81A0]  }
0x1a0: {  	v8 =	vld [tilespmem:s28+$0x81B0]  }
0x1a1: {  	v0 =	vld [tilespmem:s28+$0x81C0]  }
0x1a2: {  	v1 =	vld [tilespmem:s28+$0x81D0]  }
0x1a3: {  	v2 =	vld [tilespmem:s28+$0x8100]  }
0x1a4: {  	v19 =	vld [tilespmem:s28+$0x8110]  }
0x1a5: {  	v20 =	vld [tilespmem:s28+$0x8120]  }
0x1a6: {  	v23 =	vld [tilespmem:s28+$0x8130]  }
0x1a7: {  	v10 =	vld [tilespmem:s28+$0x8140]  }
0x1a8: {  	v11 =	vld [tilespmem:s28+$0x8150]  }
0x1a9: {  	v3 =	vld [tilespmem:s28+$0x8080]  }
0x1aa: {  	v30 =	vld [tilespmem:s28+$0x8090]  }
0x1ab: {  	v31 =	vld [tilespmem:s28+$0x80A0]  }
0x1ac: {  	v5 =	vld [tilespmem:s28+$0x8000]  }
0x1ad: {  	v33 =	vld [tilespmem:s28+$0x80B0]  }
0x1ae: {  	v21 =	vld [tilespmem:s28+$0x80C0]  }
0x1af: {  	v37 =	vld [tilespmem:s28+$0x8010]  }
0x1b0: {  	v38 =	vld [tilespmem:s28+$0x8020]  }
0x1b1: {  	v22 =	vimm.f32 $-Inf;
	v39 =	vld [tilespmem:s28+$0x8030]  }
0x1b2: {  	v27 =	vimm.f32 $-Inf;
	v29 =	vld [tilespmem:s28+$0x80D0];
	v5 =	vmax.f32 v22, v5  }
0x1b3: {  	v28 =	vimm.f32 $-Inf;
	v16 =	vimm.f32 $-Inf;
	v32 =	vld [tilespmem:s28+$0x8040];
	v3 =	vmax.f32 v5, v3  }
0x1b4: {  	s1 =	simm.s32 $0x800;
	v17 =	vimm.f32 $-Inf;
	v18 =	vimm.f32 $-Inf;
	v36 =	vld [tilespmem:s28+$0x8050];
	v35 =	vmax.f32 v3, v2  }
.LBB2_16:
0x1b5: {  	p0 =	sne.s32 s1, $0xC000;
	v2 =	vld [tilespmem:s28+$0x8060];
	v3 =	vmax.f32 v35, v14  }
0x1b6: {  	v5 =	vmax.f32 v22, v37;
	v7 =	vmax.f32 v27, v38;
	v9 =	vmax.f32 v28, v39;
	v12 =	vld [tilespmem:s28+$0x80E0]  }
0x1b7: {  	v5 =	vmax.f32 v5, v30;
	v7 =	vmax.f32 v7, v31;
	v9 =	vmax.f32 v9, v33;
	v13 =	vld [tilespmem:s28+$0x8160]  }
0x1b8: {  	v5 =	vmax.f32 v5, v19;
	v7 =	vmax.f32 v7, v20;
	v9 =	vmax.f32 v9, v23;
	v15 =	vld [tilespmem:s28+$0x81E0];
	s28 =	sshra.s32 s1, $0x2  }
0x1b9: {  	v22 =	vmax.f32 v5, v4;
	v27 =	vmax.f32 v7, v6;
	v14 =	vld [tilespmem:s28+$0x8180];
	v28 =	vmax.f32 v9, v8  }
0x1ba: {  	v5 =	vmax.f32 v16, v32;
	v7 =	vmax.f32 v17, v36;
	v4 =	vld [tilespmem:s28+$0x8190];
	v2 =	vmax.f32 v18, v2  }
0x1bb: {  	v5 =	vmax.f32 v5, v21;
	v7 =	vmax.f32 v7, v29;
	v6 =	vld [tilespmem:s28+$0x81A0];
	v2 =	vmax.f32 v2, v12  }
0x1bc: {  	v5 =	vmax.f32 v5, v10;
	v7 =	vmax.f32 v7, v11;
	v8 =	vld [tilespmem:s28+$0x81B0];
	v2 =	vmax.f32 v2, v13  }
0x1bd: {  	v16 =	vmax.f32 v5, v0;
	v17 =	vmax.f32 v7, v1;
	v0 =	vld [tilespmem:s28+$0x81C0];
	v18 =	vmax.f32 v2, v15  }
0x1be: {  	v1 =	vld [tilespmem:s28+$0x81D0]  }
0x1bf: {  	v2 =	vld [tilespmem:s28+$0x8100]  }
0x1c0: {  	v19 =	vld [tilespmem:s28+$0x8110]  }
0x1c1: {  	v20 =	vld [tilespmem:s28+$0x8120]  }
0x1c2: {  	v23 =	vld [tilespmem:s28+$0x8130]  }
0x1c3: {  	v10 =	vld [tilespmem:s28+$0x8140]  }
0x1c4: {  	v11 =	vld [tilespmem:s28+$0x8150]  }
0x1c5: {  	v5 =	vld [tilespmem:s28+$0x8080]  }
0x1c6: {  	v30 =	vld [tilespmem:s28+$0x8090]  }
0x1c7: {  	v31 =	vld [tilespmem:s28+$0x80A0]  }
0x1c8: {  	v33 =	vld [tilespmem:s28+$0x80B0]  }
0x1c9: {  	v7 =	vld [tilespmem:s28+$0x8000]  }
0x1ca: {  	v21 =	vld [tilespmem:s28+$0x80C0]  }
0x1cb: {  	v37 =	vld [tilespmem:s28+$0x8010]  }
.Ltmp7:
0x1cc: {  	v38 =	vld [tilespmem:s28+$0x8020];
	(pc) =	sbr.rel @p0 .LBB2_16-.Ltmp7, $4  }
0x1cd: {  	v39 =	vld [tilespmem:s28+$0x8030]  }
0x1ce: {  	v3 =	vmax.f32 v3, v7;
	v29 =	vld [tilespmem:s28+$0x80D0]  }
0x1cf: {  	v32 =	vld [tilespmem:s28+$0x8040];
	v3 =	vmax.f32 v3, v5  }
0x1d0: {  	s1 =	sadd.s32 $0x800, s1;
	v36 =	vld [tilespmem:s28+$0x8050];
	v35 =	vmax.f32 v3, v2  }
0x1d1: {  	v40 =	vld [tilespmem:s28+$0x8060]  }
0x1d2: {  	v41 =	vld [tilespmem:s28+$0x80E0]  }
0x1d3: {  	v42 =	vld [tilespmem:s28+$0x8160]  }
0x1d4: {  	v43 =	vld [tilespmem:s28+$0x81E0];
	_ =	swait.ge [sflag:s20], $0x3200  }
0x1d5: {  	[sflag:s20] =	ssyncset.done $0x0  }
0x1d6: {  	s28 =	simm.s32 $0x0;
	[sflag:s20] =	ssyncadd.s32 $0xFFFFCE00  }
0x1d7: {  	v15 =	vld [tilespmem:s28+$0xB580]  }
0x1d8: {  	v5 =	vld [tilespmem:s28+$0xB590]  }
0x1d9: {  	v7 =	vld [tilespmem:s28+$0xB5A0]  }
0x1da: {  	v9 =	vld [tilespmem:s28+$0xB5B0]  }
0x1db: {  	v2 =	vld [tilespmem:s28+$0xB5C0]  }
0x1dc: {  	v3 =	vld [tilespmem:s28+$0xB5D0]  }
0x1dd: {  	v44 =	vld [tilespmem:s28+$0xB500]  }
0x1de: {  	v24 =	vld [tilespmem:s28+$0xB510]  }
0x1df: {  	v25 =	vld [tilespmem:s28+$0xB520]  }
0x1e0: {  	v26 =	vld [tilespmem:s28+$0xB530]  }
0x1e1: {  	v13 =	vld [tilespmem:s28+$0xB540]  }
0x1e2: {  	v12 =	vld [tilespmem:s28+$0xB550]  }
0x1e3: {  	v45 =	vld [tilespmem:s28+$0xB480]  }
0x1e4: {  	v34 =	vld [tilespmem:s28+$0xB490]  }
0x1e5: {  	v46 =	vmax.f32 v35, v14;
	v35 =	vld [tilespmem:s28+$0xB4A0]  }
0x1e6: {  	v14 =	vmax.f32 v22, v37;
	v27 =	vmax.f32 v27, v38;
	v28 =	vmax.f32 v28, v39;
	v22 =	vld [tilespmem:s28+$0xB4B0]  }
0x1e7: {  	v14 =	vmax.f32 v14, v30;
	v27 =	vmax.f32 v27, v31;
	v28 =	vmax.f32 v28, v33;
	v63 =	vld [tilespmem:s28+$0xB400]  }
0x1e8: {  	v19 =	vmax.f32 v14, v19;
	v20 =	vmax.f32 v27, v20;
	v23 =	vmax.f32 v28, v23;
	v14 =	vld [tilespmem:s28+$0xB4C0]  }
0x1e9: {  	v4 =	vmax.f32 v19, v4;
	v6 =	vmax.f32 v20, v6;
	v19 =	vld [tilespmem:s28+$0xB410];
	v16 =	vmax.f32 v16, v32  }
0x1ea: {  	v8 =	vmax.f32 v23, v8;
	v17 =	vmax.f32 v17, v36;
	v20 =	vmax.f32 v18, v40;
	v18 =	vld [tilespmem:s28+$0xB420]  }
0x1eb: {  	v16 =	vmax.f32 v16, v21;
	v17 =	vmax.f32 v17, v29;
	v21 =	vmax.f32 v20, v41;
	v20 =	vld [tilespmem:s28+$0xB430]  }
0x1ec: {  	v10 =	vmax.f32 v16, v10;
	v17 =	vmax.f32 v17, v11;
	v11 =	vld [tilespmem:s28+$0xB4D0];
	v16 =	vmax.f32 v46, v63  }
0x1ed: {  	v21 =	vmax.f32 v21, v42;
	v1 =	vmax.f32 v17, v1;
	v17 =	vld [tilespmem:s28+$0xB450];
	v23 =	vmax.f32 v16, v45  }
0x1ee: {  	s1 =	simm.s32 $0x800;
	v10 =	vmax.f32 v10, v0;
	v0 =	vmax.f32 v21, v43;
	v16 =	vld [tilespmem:s28+$0xB440];
	v21 =	vmax.f32 v23, v44  }
.LBB2_18:
0x1ef: {  	p0 =	sne.s32 s1, $0xC000;
	v23 =	vld [tilespmem:s28+$0xB460];
	v21 =	vmax.f32 v21, v15  }
0x1f0: {  	v4 =	vmax.f32 v4, v19;
	v6 =	vmax.f32 v6, v18;
	v8 =	vmax.f32 v8, v20;
	v18 =	vld [tilespmem:s28+$0xB4E0]  }
0x1f1: {  	v4 =	vmax.f32 v4, v34;
	v6 =	vmax.f32 v6, v35;
	v8 =	vmax.f32 v8, v22;
	v19 =	vld [tilespmem:s28+$0xB560]  }
0x1f2: {  	v4 =	vmax.f32 v4, v24;
	v6 =	vmax.f32 v6, v25;
	v8 =	vmax.f32 v8, v26;
	v20 =	vld [tilespmem:s28+$0xB5E0];
	s28 =	sshra.s32 s1, $0x2  }
0x1f3: {  	v4 =	vmax.f32 v4, v5;
	v6 =	vmax.f32 v6, v7;
	v15 =	vld [tilespmem:s28+$0xB580];
	v8 =	vmax.f32 v8, v9  }
0x1f4: {  	v9 =	vmax.f32 v10, v16;
	v1 =	vmax.f32 v1, v17;
	v5 =	vld [tilespmem:s28+$0xB590];
	v0 =	vmax.f32 v0, v23  }
0x1f5: {  	v10 =	vmax.f32 v9, v14;
	v1 =	vmax.f32 v1, v11;
	v7 =	vld [tilespmem:s28+$0xB5A0];
	v0 =	vmax.f32 v0, v18  }
0x1f6: {  	v10 =	vmax.f32 v10, v13;
	v1 =	vmax.f32 v1, v12;
	v9 =	vld [tilespmem:s28+$0xB5B0];
	v0 =	vmax.f32 v0, v19  }
0x1f7: {  	v10 =	vmax.f32 v10, v2;
	v1 =	vmax.f32 v1, v3;
	v2 =	vld [tilespmem:s28+$0xB5C0];
	v0 =	vmax.f32 v0, v20  }
0x1f8: {  	v3 =	vld [tilespmem:s28+$0xB5D0]  }
0x1f9: {  	v23 =	vld [tilespmem:s28+$0xB500]  }
0x1fa: {  	v24 =	vld [tilespmem:s28+$0xB510]  }
0x1fb: {  	v25 =	vld [tilespmem:s28+$0xB520]  }
0x1fc: {  	v26 =	vld [tilespmem:s28+$0xB530]  }
0x1fd: {  	v13 =	vld [tilespmem:s28+$0xB540]  }
0x1fe: {  	v12 =	vld [tilespmem:s28+$0xB550]  }
0x1ff: {  	v17 =	vld [tilespmem:s28+$0xB480]  }
0x200: {  	v34 =	vld [tilespmem:s28+$0xB490]  }
0x201: {  	v35 =	vld [tilespmem:s28+$0xB4A0]  }
0x202: {  	v22 =	vld [tilespmem:s28+$0xB4B0]  }
0x203: {  	v11 =	vld [tilespmem:s28+$0xB400]  }
0x204: {  	v14 =	vld [tilespmem:s28+$0xB4C0]  }
0x205: {  	v19 =	vld [tilespmem:s28+$0xB410]  }
.Ltmp8:
0x206: {  	v18 =	vld [tilespmem:s28+$0xB420];
	(pc) =	sbr.rel @p0 .LBB2_18-.Ltmp8, $4  }
0x207: {  	v20 =	vld [tilespmem:s28+$0xB430]  }
0x208: {  	v21 =	vmax.f32 v21, v11;
	v11 =	vld [tilespmem:s28+$0xB4D0]  }
0x209: {  	v16 =	vld [tilespmem:s28+$0xB440];
	v21 =	vmax.f32 v21, v17  }
0x20a: {  	s1 =	sadd.s32 $0x800, s1;
	v17 =	vld [tilespmem:s28+$0xB450];
	v21 =	vmax.f32 v21, v23  }
0x20b: {  	v15 =	vmax.f32 v21, v15  }
0x20c: {  	v23 =	vld [tilespmem:s28+$0xB460];
	v4 =	vmax.f32 v4, v19;
	v6 =	vmax.f32 v6, v18;
	v8 =	vmax.f32 v8, v20  }
0x20d: {  	v18 =	vld [tilespmem:s28+$0xB4E0];
	v4 =	vmax.f32 v4, v34;
	v6 =	vmax.f32 v6, v35;
	v8 =	vmax.f32 v8, v22  }
0x20e: {  	v19 =	vld [tilespmem:s28+$0xB560];
	v4 =	vmax.f32 v4, v24;
	v6 =	vmax.f32 v6, v25;
	v8 =	vmax.f32 v8, v26  }
0x20f: {  	v20 =	vld [tilespmem:s28+$0xB5E0];
	[tilespmem:$0x1F700] =	vst v15;
	v4 =	vmax.f32 v4, v5;
	v5 =	vmax.f32 v6, v7;
	v6 =	vmax.f32 v10, v16  }
0x210: {  	v7 =	vmax.f32 v8, v9;
	v1 =	vmax.f32 v1, v17;
	v6 =	vmax.f32 v6, v14;
	[tilespmem:$0x1F710] =	vst v4  }
0x211: {  	[tilespmem:$0x1F720] =	vst v5;
	v0 =	vmax.f32 v0, v23;
	v1 =	vmax.f32 v1, v11;
	v4 =	vmax.f32 v6, v13  }
0x212: {  	[tilespmem:$0x1F730] =	vst v7;
	v0 =	vmax.f32 v0, v18;
	v1 =	vmax.f32 v1, v12;
	v2 =	vmax.f32 v4, v2  }
0x213: {  	v0 =	vmax.f32 v0, v19;
	v1 =	vmax.f32 v1, v3;
	[tilespmem:$0x1F740] =	vst v2  }
0x214: {  	v0 =	vmax.f32 v0, v20;
	[tilespmem:$0x1F750] =	vst v1  }
0x215: {  	[tilespmem:$0x1F760] =	vst v0  }
0x216: {  	_ =	swait.ge [sflag:s21], $0x3200  }
0x217: {  	[sflag:s21] =	ssyncset.done $0x0  }
0x218: {  	s28 =	simm.s32 $0x0;
	[sflag:s21] =	ssyncadd.s32 $0xFFFFCE00  }
0x219: {  	v14 =	vld [tilespmem:s28+$0xE980]  }
0x21a: {  	v4 =	vld [tilespmem:s28+$0xE990]  }
0x21b: {  	v6 =	vld [tilespmem:s28+$0xE9A0]  }
0x21c: {  	v8 =	vld [tilespmem:s28+$0xE9B0]  }
0x21d: {  	v0 =	vld [tilespmem:s28+$0xE9C0]  }
0x21e: {  	v1 =	vld [tilespmem:s28+$0xE9D0]  }
0x21f: {  	v2 =	vld [tilespmem:s28+$0xE900]  }
0x220: {  	v19 =	vld [tilespmem:s28+$0xE910]  }
0x221: {  	v20 =	vld [tilespmem:s28+$0xE920]  }
0x222: {  	v23 =	vld [tilespmem:s28+$0xE930]  }
0x223: {  	v10 =	vld [tilespmem:s28+$0xE940]  }
0x224: {  	v11 =	vld [tilespmem:s28+$0xE950]  }
0x225: {  	v3 =	vld [tilespmem:s28+$0xE880]  }
0x226: {  	v30 =	vld [tilespmem:s28+$0xE890]  }
0x227: {  	v31 =	vld [tilespmem:s28+$0xE8A0]  }
0x228: {  	v5 =	vld [tilespmem:s28+$0xE800]  }
0x229: {  	v33 =	vld [tilespmem:s28+$0xE8B0]  }
0x22a: {  	v21 =	vld [tilespmem:s28+$0xE8C0]  }
0x22b: {  	v37 =	vld [tilespmem:s28+$0xE810]  }
0x22c: {  	v38 =	vld [tilespmem:s28+$0xE820]  }
0x22d: {  	v22 =	vimm.f32 $-Inf;
	v39 =	vld [tilespmem:s28+$0xE830]  }
0x22e: {  	v27 =	vimm.f32 $-Inf;
	v29 =	vld [tilespmem:s28+$0xE8D0];
	v5 =	vmax.f32 v22, v5  }
0x22f: {  	v28 =	vimm.f32 $-Inf;
	v16 =	vimm.f32 $-Inf;
	v32 =	vld [tilespmem:s28+$0xE840];
	v3 =	vmax.f32 v5, v3  }
0x230: {  	s1 =	simm.s32 $0x800;
	v17 =	vimm.f32 $-Inf;
	v18 =	vimm.f32 $-Inf;
	v36 =	vld [tilespmem:s28+$0xE850];
	v35 =	vmax.f32 v3, v2  }
.LBB2_20:
0x231: {  	p0 =	sne.s32 s1, $0xC000;
	v2 =	vld [tilespmem:s28+$0xE860];
	v3 =	vmax.f32 v35, v14  }
0x232: {  	v5 =	vmax.f32 v22, v37;
	v7 =	vmax.f32 v27, v38;
	v9 =	vmax.f32 v28, v39;
	v12 =	vld [tilespmem:s28+$0xE8E0]  }
0x233: {  	v5 =	vmax.f32 v5, v30;
	v7 =	vmax.f32 v7, v31;
	v9 =	vmax.f32 v9, v33;
	v13 =	vld [tilespmem:s28+$0xE960]  }
0x234: {  	v5 =	vmax.f32 v5, v19;
	v7 =	vmax.f32 v7, v20;
	v9 =	vmax.f32 v9, v23;
	v15 =	vld [tilespmem:s28+$0xE9E0];
	s28 =	sshra.s32 s1, $0x2  }
0x235: {  	v22 =	vmax.f32 v5, v4;
	v27 =	vmax.f32 v7, v6;
	v14 =	vld [tilespmem:s28+$0xE980];
	v28 =	vmax.f32 v9, v8  }
0x236: {  	v5 =	vmax.f32 v16, v32;
	v7 =	vmax.f32 v17, v36;
	v4 =	vld [tilespmem:s28+$0xE990];
	v2 =	vmax.f32 v18, v2  }
0x237: {  	v5 =	vmax.f32 v5, v21;
	v7 =	vmax.f32 v7, v29;
	v6 =	vld [tilespmem:s28+$0xE9A0];
	v2 =	vmax.f32 v2, v12  }
0x238: {  	v5 =	vmax.f32 v5, v10;
	v7 =	vmax.f32 v7, v11;
	v8 =	vld [tilespmem:s28+$0xE9B0];
	v2 =	vmax.f32 v2, v13  }
0x239: {  	v16 =	vmax.f32 v5, v0;
	v17 =	vmax.f32 v7, v1;
	v0 =	vld [tilespmem:s28+$0xE9C0];
	v18 =	vmax.f32 v2, v15  }
0x23a: {  	v1 =	vld [tilespmem:s28+$0xE9D0]  }
0x23b: {  	v2 =	vld [tilespmem:s28+$0xE900]  }
0x23c: {  	v19 =	vld [tilespmem:s28+$0xE910]  }
0x23d: {  	v20 =	vld [tilespmem:s28+$0xE920]  }
0x23e: {  	v23 =	vld [tilespmem:s28+$0xE930]  }
0x23f: {  	v10 =	vld [tilespmem:s28+$0xE940]  }
0x240: {  	v11 =	vld [tilespmem:s28+$0xE950]  }
0x241: {  	v5 =	vld [tilespmem:s28+$0xE880]  }
0x242: {  	v30 =	vld [tilespmem:s28+$0xE890]  }
0x243: {  	v31 =	vld [tilespmem:s28+$0xE8A0]  }
0x244: {  	v33 =	vld [tilespmem:s28+$0xE8B0]  }
0x245: {  	v7 =	vld [tilespmem:s28+$0xE800]  }
0x246: {  	v21 =	vld [tilespmem:s28+$0xE8C0]  }
0x247: {  	v37 =	vld [tilespmem:s28+$0xE810]  }
.Ltmp9:
0x248: {  	v38 =	vld [tilespmem:s28+$0xE820];
	(pc) =	sbr.rel @p0 .LBB2_20-.Ltmp9, $4  }
0x249: {  	v39 =	vld [tilespmem:s28+$0xE830]  }
0x24a: {  	v3 =	vmax.f32 v3, v7;
	v29 =	vld [tilespmem:s28+$0xE8D0]  }
0x24b: {  	v32 =	vld [tilespmem:s28+$0xE840];
	v3 =	vmax.f32 v3, v5  }
0x24c: {  	s1 =	sadd.s32 $0x800, s1;
	v36 =	vld [tilespmem:s28+$0xE850];
	v35 =	vmax.f32 v3, v2  }
0x24d: {  	v40 =	vld [tilespmem:s28+$0xE860]  }
0x24e: {  	v41 =	vld [tilespmem:s28+$0xE8E0]  }
0x24f: {  	v42 =	vld [tilespmem:s28+$0xE960]  }
0x250: {  	v43 =	vld [tilespmem:s28+$0xE9E0];
	_ =	swait.ge [sflag:s22], $0x3200  }
0x251: {  	[sflag:s22] =	ssyncset.done $0x0  }
0x252: {  	s28 =	simm.s32 $0x0;
	[sflag:s22] =	ssyncadd.s32 $0xFFFFCE00  }
0x253: {  	v15 =	vld [tilespmem:s28+$0x11D80]  }
0x254: {  	v5 =	vld [tilespmem:s28+$0x11D90]  }
0x255: {  	v7 =	vld [tilespmem:s28+$0x11DA0]  }
0x256: {  	v9 =	vld [tilespmem:s28+$0x11DB0]  }
0x257: {  	v2 =	vld [tilespmem:s28+$0x11DC0]  }
0x258: {  	v3 =	vld [tilespmem:s28+$0x11DD0]  }
0x259: {  	v44 =	vld [tilespmem:s28+$0x11D00]  }
0x25a: {  	v24 =	vld [tilespmem:s28+$0x11D10]  }
0x25b: {  	v25 =	vld [tilespmem:s28+$0x11D20]  }
0x25c: {  	v26 =	vld [tilespmem:s28+$0x11D30]  }
0x25d: {  	v13 =	vld [tilespmem:s28+$0x11D40]  }
0x25e: {  	v12 =	vld [tilespmem:s28+$0x11D50]  }
0x25f: {  	v45 =	vld [tilespmem:s28+$0x11C80]  }
0x260: {  	v34 =	vld [tilespmem:s28+$0x11C90]  }
0x261: {  	v46 =	vmax.f32 v35, v14;
	v35 =	vld [tilespmem:s28+$0x11CA0]  }
0x262: {  	v14 =	vmax.f32 v22, v37;
	v27 =	vmax.f32 v27, v38;
	v28 =	vmax.f32 v28, v39;
	v22 =	vld [tilespmem:s28+$0x11CB0]  }
0x263: {  	v14 =	vmax.f32 v14, v30;
	v27 =	vmax.f32 v27, v31;
	v28 =	vmax.f32 v28, v33;
	v63 =	vld [tilespmem:s28+$0x11C00]  }
0x264: {  	v19 =	vmax.f32 v14, v19;
	v20 =	vmax.f32 v27, v20;
	v23 =	vmax.f32 v28, v23;
	v14 =	vld [tilespmem:s28+$0x11CC0]  }
0x265: {  	v4 =	vmax.f32 v19, v4;
	v6 =	vmax.f32 v20, v6;
	v19 =	vld [tilespmem:s28+$0x11C10];
	v16 =	vmax.f32 v16, v32  }
0x266: {  	v8 =	vmax.f32 v23, v8;
	v17 =	vmax.f32 v17, v36;
	v20 =	vmax.f32 v18, v40;
	v18 =	vld [tilespmem:s28+$0x11C20]  }
0x267: {  	v16 =	vmax.f32 v16, v21;
	v17 =	vmax.f32 v17, v29;
	v21 =	vmax.f32 v20, v41;
	v20 =	vld [tilespmem:s28+$0x11C30]  }
0x268: {  	v10 =	vmax.f32 v16, v10;
	v17 =	vmax.f32 v17, v11;
	v11 =	vld [tilespmem:s28+$0x11CD0];
	v16 =	vmax.f32 v46, v63  }
0x269: {  	v21 =	vmax.f32 v21, v42;
	v1 =	vmax.f32 v17, v1;
	v17 =	vld [tilespmem:s28+$0x11C50];
	v23 =	vmax.f32 v16, v45  }
0x26a: {  	s1 =	simm.s32 $0x800;
	v10 =	vmax.f32 v10, v0;
	v0 =	vmax.f32 v21, v43;
	v16 =	vld [tilespmem:s28+$0x11C40];
	v21 =	vmax.f32 v23, v44  }
.LBB2_22:
0x26b: {  	p0 =	sne.s32 s1, $0xC000;
	v23 =	vld [tilespmem:s28+$0x11C60];
	v21 =	vmax.f32 v21, v15  }
0x26c: {  	v4 =	vmax.f32 v4, v19;
	v6 =	vmax.f32 v6, v18;
	v8 =	vmax.f32 v8, v20;
	v18 =	vld [tilespmem:s28+$0x11CE0]  }
0x26d: {  	v4 =	vmax.f32 v4, v34;
	v6 =	vmax.f32 v6, v35;
	v8 =	vmax.f32 v8, v22;
	v19 =	vld [tilespmem:s28+$0x11D60]  }
0x26e: {  	v4 =	vmax.f32 v4, v24;
	v6 =	vmax.f32 v6, v25;
	v8 =	vmax.f32 v8, v26;
	v20 =	vld [tilespmem:s28+$0x11DE0];
	s28 =	sshra.s32 s1, $0x2  }
0x26f: {  	v4 =	vmax.f32 v4, v5;
	v6 =	vmax.f32 v6, v7;
	v15 =	vld [tilespmem:s28+$0x11D80];
	v8 =	vmax.f32 v8, v9  }
0x270: {  	v9 =	vmax.f32 v10, v16;
	v1 =	vmax.f32 v1, v17;
	v5 =	vld [tilespmem:s28+$0x11D90];
	v0 =	vmax.f32 v0, v23  }
0x271: {  	v10 =	vmax.f32 v9, v14;
	v1 =	vmax.f32 v1, v11;
	v7 =	vld [tilespmem:s28+$0x11DA0];
	v0 =	vmax.f32 v0, v18  }
0x272: {  	v10 =	vmax.f32 v10, v13;
	v1 =	vmax.f32 v1, v12;
	v9 =	vld [tilespmem:s28+$0x11DB0];
	v0 =	vmax.f32 v0, v19  }
0x273: {  	v10 =	vmax.f32 v10, v2;
	v1 =	vmax.f32 v1, v3;
	v2 =	vld [tilespmem:s28+$0x11DC0];
	v0 =	vmax.f32 v0, v20  }
0x274: {  	v3 =	vld [tilespmem:s28+$0x11DD0]  }
0x275: {  	v23 =	vld [tilespmem:s28+$0x11D00]  }
0x276: {  	v24 =	vld [tilespmem:s28+$0x11D10]  }
0x277: {  	v25 =	vld [tilespmem:s28+$0x11D20]  }
0x278: {  	v26 =	vld [tilespmem:s28+$0x11D30]  }
0x279: {  	v13 =	vld [tilespmem:s28+$0x11D40]  }
0x27a: {  	v12 =	vld [tilespmem:s28+$0x11D50]  }
0x27b: {  	v17 =	vld [tilespmem:s28+$0x11C80]  }
0x27c: {  	v34 =	vld [tilespmem:s28+$0x11C90]  }
0x27d: {  	v35 =	vld [tilespmem:s28+$0x11CA0]  }
0x27e: {  	v22 =	vld [tilespmem:s28+$0x11CB0]  }
0x27f: {  	v11 =	vld [tilespmem:s28+$0x11C00]  }
0x280: {  	v14 =	vld [tilespmem:s28+$0x11CC0]  }
0x281: {  	v19 =	vld [tilespmem:s28+$0x11C10]  }
.Ltmp10:
0x282: {  	v18 =	vld [tilespmem:s28+$0x11C20];
	(pc) =	sbr.rel @p0 .LBB2_22-.Ltmp10, $4  }
0x283: {  	v20 =	vld [tilespmem:s28+$0x11C30]  }
0x284: {  	v21 =	vmax.f32 v21, v11;
	v11 =	vld [tilespmem:s28+$0x11CD0]  }
0x285: {  	v16 =	vld [tilespmem:s28+$0x11C40];
	v21 =	vmax.f32 v21, v17  }
0x286: {  	s1 =	sadd.s32 $0x800, s1;
	v17 =	vld [tilespmem:s28+$0x11C50];
	v21 =	vmax.f32 v21, v23  }
0x287: {  	v15 =	vmax.f32 v21, v15  }
0x288: {  	v23 =	vld [tilespmem:s28+$0x11C60];
	v4 =	vmax.f32 v4, v19;
	v6 =	vmax.f32 v6, v18;
	v8 =	vmax.f32 v8, v20  }
0x289: {  	v57 =	vld [tilespmem:s28+$0x11CE0];
	v4 =	vmax.f32 v4, v34;
	v6 =	vmax.f32 v6, v35;
	v8 =	vmax.f32 v8, v22  }
0x28a: {  	v58 =	vld [tilespmem:s28+$0x11D60];
	v4 =	vmax.f32 v4, v24;
	v6 =	vmax.f32 v6, v25;
	v8 =	vmax.f32 v8, v26  }
0x28b: {  	v59 =	vld [tilespmem:s28+$0x11DE0];
	[tilespmem:$0x1F780] =	vst v15;
	v4 =	vmax.f32 v4, v5;
	v60 =	vmax.f32 v6, v7;
	v61 =	vmax.f32 v10, v16  }
0x28c: {  	v62 =	vmax.f32 v8, v9;
	v1 =	vmax.f32 v1, v17;
	v6 =	vmax.f32 v61, v14;
	[tilespmem:$0x1F790] =	vst v4  }
0x28d: {  	[tilespmem:$0x1F7A0] =	vst v60;
	v0 =	vmax.f32 v0, v23;
	v1 =	vmax.f32 v1, v11;
	v63 =	vmax.f32 v6, v13  }
0x28e: {  	[tilespmem:$0x1F7B0] =	vst v62;
	v0 =	vmax.f32 v0, v57;
	v1 =	vmax.f32 v1, v12;
	v2 =	vmax.f32 v63, v2  }
0x28f: {  	v0 =	vmax.f32 v0, v58;
	v1 =	vmax.f32 v1, v3;
	[tilespmem:$0x1F7C0] =	vst v2  }
0x290: {  	v0 =	vmax.f32 v0, v59;
	[tilespmem:$0x1F7D0] =	vst v1  }
0x291: {  	[tilespmem:$0x1F7E0] =	vst v0  }
0x292: {  	s26 =	sadd.s32 $0x1, s26;
	_ =	swait.ge [sflag:s23], $0x3200  }
0x293: {  	p0 =	sne.s32 s26, s6;
	[sflag:s23] =	ssyncset.done $0x0  }
.Ltmp11:
0x294: {  	[sflag:s23] =	ssyncadd.s32 $0xFFFFCE00;
	(pc) =	sbr.rel @p0 .LBB2_1-.Ltmp11, $4  }
0x295: {  	[hbm4b:s5+s2] =	stream.linear.scatter [tilespmem:s25], [sflag:$0x7], $0x4000, $0x38;
	[tilespmem:$0x1F800] =	vst v63  }
0x296: {  	_ =	swait.ge [sflag:s7], $0x4000  }
0x297: {  	[sflag:s7] =	ssyncset.done $0x0  }
0x298: {  	[sflag:s7] =	ssyncadd.s32 $0xFFFFC000  }
0x299: {  	_ =	sfence.sel $0x180000  }
0x29a: {  	[bflag:$0x0] =	sbarrier.arrive $0xFFFF  }
0x29b: {  	_ =	strace $0x90000047  }
0x29c: {  	[bflag:$0x2] =	sbarrier.arrive $0xFFFF  }
0x29d: {  	p0 =	sne.s32 s0, $0x0;
	s0 =	rddreg [dreg:$0x1]  }
0x29e: {  	s0 =	sadd.s32 @!p0 $0x100000, s0  }
0x29f: {  	[sflag:s0] =	ssyncadd.tile.s32 @!p0 $0x1;
	_ =	shalt  }
.Lfunc_end2:
_tile_overlayer_lowered:
.L_overlay_start_2:
0x2a0: {  	(tag) =	ssettag $0x2  }
0x2a1: {  	s0 =	rddreg [dreg:$0x0];
	s2 =	stileid.u32  }
0x2a2: {  	s1 =	rddreg [dreg:$0x1];
	p0 =	sne.s32 s2, $0x0  }
0x2a3: {  	s3 =	rddreg [dreg:$0x2];
	[bflag:$0x3] =	sbarrier.arrive $0xFFFF;
	s2 =	simm.s32 @!p0 $0x1C07  }
0x2a4: {  	[timem:s3], [sflag:s2] =	dma.local @!p0 [hbm:s0], s1  }
0x2a5: {  	s0 =	simm.s32 @!p0 $0x7  }
0x2a6: {  	_ =	swait.ge @!p0 [sflag:s0], s1  }
0x2a7: {  	s1 =	ssub.s32 @!p0 $0x0, s1;
	[sflag:s0] =	ssyncset.done @!p0 $0x0  }
0x2a8: {  	[sflag:s0] =	ssyncadd.s32 @!p0 s1  }
0x2a9: {  	[bflag:$0x3] =	sbarrier.arrive $0xFFFF  }
0x2aa: {  	_ =	shalt  }

</sc_bundles>
